<compile_context>
chip_gen: v7x
topology: tpu7x:2x2x1
jax: 0.10.2.dev20260603
libtpu: 0.0.44.dev20260713+nightly
codegen_flags: <defaults>
</compile_context>

<pallas_src>
import functools

import jax
import jax.numpy as jnp
from jax import lax
from jax.experimental import pallas as pl
from jax.experimental.pallas import tpu as pltpu
from jax.experimental.pallas import tpu_sc as plsc

N, E, B, D = 10000, 320000, 16, 64
EPS = 1e-5
H = E // 2
BLK2 = 1280
GRID2 = H // BLK2


def _f32(*shape):
    return jax.ShapeDtypeStruct(shape, jnp.float32)


def _proj_body(x_ref, u_ref, batch_ref, W0_ref, b0_ref, prer_ref, prec_ref):
    x = x_ref[...]
    W0 = W0_ref[...]
    u = u_ref[...]
    ub = jnp.dot(u, W0[192:256], preferred_element_type=jnp.float32)
    onehot = (batch_ref[...] == lax.broadcasted_iota(jnp.int32, (N, B), 1)
              ).astype(jnp.float32)
    ubf = jnp.dot(onehot, ub, preferred_element_type=jnp.float32)
    prer_ref[...] = (jnp.dot(x, W0[0:64], preferred_element_type=jnp.float32)
                     + ubf + b0_ref[...])
    prec_ref[...] = jnp.dot(x, W0[64:128], preferred_element_type=jnp.float32)


def _proj(x, u, batch2d, W0, b0):
    return pl.pallas_call(
        _proj_body,
        out_shape=[_f32(N, D), _f32(N, D)],
    )(x, u, batch2d, W0, b0)


def _edge1_body(g_ref, ea_ref, Wc_ref, h_ref, st_ref, acc_ref):
    i = pl.program_id(0)

    @pl.when(i == 0)
    def _():
        acc_ref[...] = jnp.zeros_like(acc_ref)

    Wc = Wc_ref[...]
    hs = []
    for q in range(2):
        h = g_ref[:, q * D:(q + 1) * D] + jnp.dot(
            ea_ref[:, q * D:(q + 1) * D], Wc,
            preferred_element_type=jnp.float32)
        h = jnp.maximum(h, 0.0)
        h_ref[:, q * D:(q + 1) * D] = h
        hs.append(h)
    acc_ref[0:1, :] += (jnp.sum(hs[0], axis=0, keepdims=True)
                        + jnp.sum(hs[1], axis=0, keepdims=True))
    acc_ref[1:2, :] += (jnp.sum(hs[0] * hs[0], axis=0, keepdims=True)
                        + jnp.sum(hs[1] * hs[1], axis=0, keepdims=True))

    @pl.when(i == pl.num_programs(0) - 1)
    def _():
        st_ref[...] = acc_ref[0:2, :]


def _edge1(g2, ea2, Wc):
    return pl.pallas_call(
        _edge1_body,
        grid=(GRID2,),
        in_specs=[pl.BlockSpec((BLK2, 2 * D), lambda i: (i, 0)),
                  pl.BlockSpec((BLK2, 2 * D), lambda i: (i, 0)),
                  pl.BlockSpec((D, D), lambda i: (0, 0))],
        out_specs=[pl.BlockSpec((BLK2, 2 * D), lambda i: (i, 0)),
                   pl.BlockSpec((2, D), lambda i: (0, 0))],
        out_shape=[_f32(H, 2 * D), _f32(2, D)],
        scratch_shapes=[pltpu.VMEM((8, D), jnp.float32)],
    )(g2, ea2, Wc)


def _edge23_body(h_in_ref, st_in_ref, W_ref, b_ref, gam_ref, bet_ref,
                 gam3_ref, bet3_ref, h_ref, st_ref, aff_ref, acc_ref, *,
                 last):
    i = pl.program_id(0)

    @pl.when(i == 0)
    def _():
        acc_ref[...] = jnp.zeros_like(acc_ref)

    m = st_in_ref[0:1, :] * (1.0 / E)
    v = st_in_ref[1:2, :] * (1.0 / E) - m * m
    sc = gam_ref[...] * lax.rsqrt(v + EPS)
    bet = bet_ref[...]
    W = W_ref[...]
    b = b_ref[...]
    hs = []
    for q in range(2):
        hn = (h_in_ref[:, q * D:(q + 1) * D] - m) * sc + bet
        h = jnp.dot(hn, W, preferred_element_type=jnp.float32) + b
        h = jnp.maximum(h, 0.0)
        h_ref[:, q * D:(q + 1) * D] = h
        hs.append(h)
    acc_ref[0:1, :] += (jnp.sum(hs[0], axis=0, keepdims=True)
                        + jnp.sum(hs[1], axis=0, keepdims=True))
    acc_ref[1:2, :] += (jnp.sum(hs[0] * hs[0], axis=0, keepdims=True)
                        + jnp.sum(hs[1] * hs[1], axis=0, keepdims=True))

    @pl.when(i == pl.num_programs(0) - 1)
    def _():
        st_ref[...] = acc_ref[0:2, :]
        if last:
            m3 = acc_ref[0:1, :] * (1.0 / E)
            v3 = acc_ref[1:2, :] * (1.0 / E) - m3 * m3
            s3 = gam3_ref[...] * lax.rsqrt(v3 + EPS)
            aff_ref[0:1, :] = s3
            aff_ref[1:2, :] = bet3_ref[...] - m3 * s3
        else:
            aff_ref[...] = jnp.zeros_like(aff_ref)


def _edge23(h_in, st_in, W, b, gam, bet, gam3, bet3, last):
    return pl.pallas_call(
        functools.partial(_edge23_body, last=last),
        grid=(GRID2,),
        in_specs=[pl.BlockSpec((BLK2, 2 * D), lambda i: (i, 0)),
                  pl.BlockSpec((2, D), lambda i: (0, 0)),
                  pl.BlockSpec((D, D), lambda i: (0, 0)),
                  pl.BlockSpec((1, D), lambda i: (0, 0)),
                  pl.BlockSpec((1, D), lambda i: (0, 0)),
                  pl.BlockSpec((1, D), lambda i: (0, 0)),
                  pl.BlockSpec((1, D), lambda i: (0, 0)),
                  pl.BlockSpec((1, D), lambda i: (0, 0))],
        out_specs=[pl.BlockSpec((BLK2, 2 * D), lambda i: (i, 0)),
                   pl.BlockSpec((2, D), lambda i: (0, 0)),
                   pl.BlockSpec((2, D), lambda i: (0, 0))],
        out_shape=[_f32(H, 2 * D), _f32(2, D), _f32(2, D)],
        scratch_shapes=[pltpu.VMEM((8, D), jnp.float32)],
    )(h_in, st_in, W, b, gam, bet, gam3, bet3)


_NC, _NS = 2, 16
_NW = _NC * _NS
_CH = 256
_HC = _CH // 2
_NCHUNK = E // _CH
_KMAX = -(-_NCHUNK // _NW)
_NPAD = 10240
_RPT = _NPAD // _NS
_ZR = 128

def _mesh():
    return plsc.VectorSubcoreMesh(core_axis_name="c", subcore_axis_name="s",
                                  num_cores=_NC, num_subcores=_NS)


def _pack_perm(idx):
    return idx.reshape(_NCHUNK, 2, _HC).transpose(0, 2, 1).reshape(E)


def _sc_gather_body(row_hbm, col_hbm, prer_hbm, prec_hbm, ones_hbm, zc_hbm,
                    g_hbm, cnt_hbm,
                    idxr, idxc, buf, ones, zc, cnt_sh, sem):
    cid = lax.axis_index("c")
    sid = lax.axis_index("s")
    wid = sid * _NC + cid

    pltpu.sync_copy(ones_hbm, ones)
    pltpu.sync_copy(zc_hbm, zc)
    for k in range(_RPT // _ZR):
        pltpu.sync_copy(
            zc, cnt_sh.at[pl.ds(pl.multiple_of(sid * _RPT + k * _ZR, 8), _ZR)])
    plsc.subcore_barrier()

    def chunk(k, _):
        c = wid + k * _NW

        @pl.when(c < _NCHUNK)
        def _():
            base = pl.multiple_of(c * _CH, 8)
            pltpu.sync_copy(row_hbm.at[pl.ds(base, _CH)], idxr)
            pltpu.sync_copy(col_hbm.at[pl.ds(base, _CH)], idxc)
            pltpu.async_copy(prer_hbm.at[idxr], buf, sem).wait()
            pltpu.async_copy(prec_hbm.at[idxc], buf, sem, add=True).wait()
            pltpu.sync_copy(ones, cnt_sh.at[idxr], add=True)
            pltpu.sync_copy(buf, g_hbm.at[pl.ds(base, _CH)])

        return 0

    lax.fori_loop(0, _KMAX, chunk, 0)
    plsc.subcore_barrier()
    off = pl.multiple_of(sid * _RPT, 8)
    pltpu.sync_copy(cnt_sh.at[pl.ds(off, _RPT)],
                    cnt_hbm.at[cid].at[pl.ds(off, _RPT)])


def _sc_gather(row, col, pre_row, pre_col):
    return pl.kernel(
        _sc_gather_body,
        out_type=[_f32(E, D), _f32(_NC, _NPAD, 16)],
        mesh=_mesh(),
        compiler_params=pltpu.CompilerParams(use_tc_tiling_on_sc=False),
        scratch_types=[
            pltpu.VMEM((_CH,), jnp.int32),
            pltpu.VMEM((_CH,), jnp.int32),
            pltpu.VMEM((_CH, D), jnp.float32),
            pltpu.VMEM((_CH, 16), jnp.float32),
            pltpu.VMEM((_ZR, 16), jnp.float32),
            pltpu.VMEM_SHARED((_NPAD, 16), jnp.float32),
            pltpu.SemaphoreType.DMA,
        ],
    )(row, col, pre_row, pre_col,
      jnp.ones((_CH, 16), jnp.float32), jnp.zeros((_ZR, 16), jnp.float32))


def _sc_scatter_body(h3_hbm, row_hbm, zb_hbm,
                     nsum_hbm,
                     idxr, buf, zb, nsum_sh, sem):
    cid = lax.axis_index("c")
    sid = lax.axis_index("s")
    wid = sid * _NC + cid

    pltpu.sync_copy(zb_hbm, zb)
    for k in range(_RPT // _ZR):
        pltpu.sync_copy(
            zb, nsum_sh.at[pl.ds(pl.multiple_of(sid * _RPT + k * _ZR, 8), _ZR)])
    plsc.subcore_barrier()

    def chunk(k, _):
        c = wid + k * _NW

        @pl.when(c < _NCHUNK)
        def _():
            base = pl.multiple_of(c * _CH, 8)
            pltpu.sync_copy(row_hbm.at[pl.ds(base, _CH)], idxr)
            pltpu.sync_copy(h3_hbm.at[pl.ds(base, _CH)], buf)
            pltpu.sync_copy(buf, nsum_sh.at[idxr], add=True)

        return 0

    lax.fori_loop(0, _KMAX, chunk, 0)
    plsc.subcore_barrier()
    off = pl.multiple_of(sid * _RPT, 8)
    pltpu.sync_copy(nsum_sh.at[pl.ds(off, _RPT)],
                    nsum_hbm.at[cid].at[pl.ds(off, _RPT)])


def _sc_scatter(h3, row):
    return pl.kernel(
        _sc_scatter_body,
        out_type=_f32(_NC, _NPAD, D),
        mesh=_mesh(),
        compiler_params=pltpu.CompilerParams(use_tc_tiling_on_sc=False),
        scratch_types=[
            pltpu.VMEM((_CH,), jnp.int32),
            pltpu.VMEM((_CH, D), jnp.float32),
            pltpu.VMEM((_ZR, D), jnp.float32),
            pltpu.VMEM_SHARED((_NPAD, D), jnp.float32),
            pltpu.SemaphoreType.DMA,
        ],
    )(h3, row, jnp.zeros((_ZR, D), jnp.float32))


def _affine_body(h_ref, aff_ref, out_ref):
    s = aff_ref[0:1, :]
    ii = lax.broadcasted_iota(jnp.int32, (D, D), 0)
    jj = lax.broadcasted_iota(jnp.int32, (D, D), 1)
    sdiag = jnp.where(ii == jj, jnp.broadcast_to(s, (D, D)), 0.0)
    sh_col = aff_ref[1:2, :].T
    dn = (((1,), (1,)), ((), ()))
    for j in range(BLK2 // _HC):
        blk = h_ref[j * _HC:(j + 1) * _HC, :]
        t_lo = lax.dot_general(sdiag, blk[:, 0:D], dn,
                               preferred_element_type=jnp.float32) + sh_col
        t_hi = lax.dot_general(sdiag, blk[:, D:2 * D], dn,
                               preferred_element_type=jnp.float32) + sh_col
        out_ref[:, j * _CH:j * _CH + _HC] = t_lo
        out_ref[:, j * _CH + _HC:(j + 1) * _CH] = t_hi


def _affine(h3_2, aff):
    return pl.pallas_call(
        _affine_body,
        grid=(GRID2,),
        in_specs=[pl.BlockSpec((BLK2, 2 * D), lambda i: (i, 0)),
                  pl.BlockSpec((2, D), lambda i: (0, 0))],
        out_specs=pl.BlockSpec((D, 2 * BLK2), lambda i: (0, i)),
        out_shape=_f32(D, E),
    )(h3_2, aff)


def _node_global_body(x_ref, nsum_ref, cnt_ref, aff_ref, u_ref, batch_ref,
                      nW0_ref, nb0_ref, nWs_ref, nbs_ref, ng_ref, nbe_ref,
                      gW0_ref, gb0_ref, gWs_ref, gbs_ref, gg_ref, gbe_ref,
                      xout_ref, uout_ref):
    cnt = cnt_ref[0, :, 0:1] + cnt_ref[1, :, 0:1]
    nsum = nsum_ref[0] + nsum_ref[1]
    s3 = aff_ref[0:1, :]
    sh3 = aff_ref[1:2, :]
    ve = ((nsum * s3 + cnt * sh3) / jnp.maximum(cnt, 1.0))[0:N]

    onehot = (batch_ref[...] == lax.broadcasted_iota(jnp.int32, (N, B), 1)
              ).astype(jnp.float32)
    u = u_ref[...]
    ubf = jnp.dot(onehot, u, preferred_element_type=jnp.float32)

    x = x_ref[...]
    nW0 = nW0_ref[...]
    h = (jnp.dot(x, nW0[0:64], preferred_element_type=jnp.float32)
         + jnp.dot(ve, nW0[64:128], preferred_element_type=jnp.float32)
         + jnp.dot(ubf, nW0[128:192], preferred_element_type=jnp.float32)
         + nb0_ref[...])
    h = jnp.maximum(h, 0.0)
    for l in range(3):
        m = jnp.mean(h, axis=0, keepdims=True)
        v = jnp.mean(h * h, axis=0, keepdims=True) - m * m
        h = (h - m) * (ng_ref[l:l + 1, :] * lax.rsqrt(v + EPS)) \
            + nbe_ref[l:l + 1, :]
        if l < 2:
            h = jnp.dot(h, nWs_ref[l], preferred_element_type=jnp.float32) \
                + nbs_ref[l:l + 1, :]
            h = jnp.maximum(h, 0.0)
    xout_ref[...] = h

    dn = (((0,), (0,)), ((), ()))
    gcnt = lax.dot_general(onehot, jnp.ones((N, 1), jnp.float32), dn,
                           preferred_element_type=jnp.float32)
    gcnt = jnp.maximum(gcnt, 1.0)
    u_e = lax.dot_general(onehot, ve, dn,
                          preferred_element_type=jnp.float32) / gcnt
    u_v = lax.dot_general(onehot, h, dn,
                          preferred_element_type=jnp.float32) / gcnt
    gW0 = gW0_ref[...]
    hu = (jnp.dot(u_e, gW0[0:64], preferred_element_type=jnp.float32)
          + jnp.dot(u_v, gW0[64:128], preferred_element_type=jnp.float32)
          + jnp.dot(u, gW0[128:192], preferred_element_type=jnp.float32)
          + gb0_ref[...])
    hu = jnp.maximum(hu, 0.0)
    for l in range(3):
        m = jnp.mean(hu, axis=0, keepdims=True)
        v = jnp.mean(hu * hu, axis=0, keepdims=True) - m * m
        hu = (hu - m) * (gg_ref[l:l + 1, :] * lax.rsqrt(v + EPS)) \
            + gbe_ref[l:l + 1, :]
        if l < 2:
            hu = jnp.dot(hu, gWs_ref[l], preferred_element_type=jnp.float32) \
                + gbs_ref[l:l + 1, :]
            hu = jnp.maximum(hu, 0.0)
    uout_ref[...] = hu


def _node_global(x, nsum2, cnt2, aff, u, batch2d,
                 nW0, nb0, nWs, nbs, ng, nbe,
                 gW0, gb0, gWs, gbs, gg, gbe):
    return pl.pallas_call(
        _node_global_body,
        out_shape=[_f32(N, D), _f32(B, D)],
        compiler_params=pltpu.CompilerParams(
            vmem_limit_bytes=100 * 1024 * 1024),
    )(x, nsum2, cnt2, aff, u, batch2d,
      nW0, nb0, nWs, nbs, ng, nbe, gW0, gb0, gWs, gbs, gg, gbe)


def kernel(x, edge_attr, u, edge_index, batch,
           e_W0, e_b0, e_Ws, e_bs, e_g, e_be,
           n_W0, n_b0, n_Ws, n_bs, n_g, n_be,
           g_W0, g_b0, g_Ws, g_bs, g_g, g_be):
    row = edge_index[0]
    col = edge_index[1]
    ea2 = edge_attr.reshape(_NCHUNK, 2, _HC, D).transpose(0, 2, 1, 3) \
        .reshape(H, 2 * D)
    batch2d = batch.reshape(N, 1)

    pre_row, pre_col = _proj(x, u, batch2d, e_W0, e_b0.reshape(1, D))

    g, cnt2 = _sc_gather(_pack_perm(row), _pack_perm(col), pre_row, pre_col)
    g2 = g.reshape(H, 2 * D)

    h1, st1 = _edge1(g2, ea2, e_W0[128:192])
    h2, st2, _ = _edge23(h1, st1, e_Ws[0], e_bs[0].reshape(1, D),
                         e_g[0].reshape(1, D), e_be[0].reshape(1, D),
                         e_g[2].reshape(1, D), e_be[2].reshape(1, D), False)
    h3, st3, aff = _edge23(h2, st2, e_Ws[1], e_bs[1].reshape(1, D),
                           e_g[1].reshape(1, D), e_be[1].reshape(1, D),
                           e_g[2].reshape(1, D), e_be[2].reshape(1, D), True)

    e_out = _affine(h3, aff).T
    nsum2 = _sc_scatter(h3.reshape(E, D), _pack_perm(row))

    x_out, u_out = _node_global(
        x, nsum2, cnt2, aff, u, batch2d,
        n_W0, n_b0.reshape(1, D), n_Ws, n_bs, n_g, n_be,
        g_W0, g_b0.reshape(1, D), g_Ws, g_bs, g_g, g_be)
    return (x_out, e_out, u_out)

# --- scband reference (transcript-rebuilt; emitter-appended) ---
"""Pipeline reference for scband-megnet-36301063586431 (READ-ONLY COPY).

The authoritative reference and input builder live on the scoring server;
editing this copy changes nothing except your own understanding.
"""

import jax, jax.numpy as jnp
import numpy as np

N, E, B, D = 10000, 320000, 16, 64
EPS = 1e-5

def _xavier(key, fin, fout):
    lim = float(np.sqrt(6.0 / (fin + fout)))
    return jax.random.uniform(key, (fin, fout), jnp.float32, -lim, lim)

def _mlp_bn(out, W0, b0, Ws, bs, g, be):
    # fc_layers+1 = 3 linear layers, each: relu(linear) -> batchnorm (training stats) -> dropout(p=0.0 no-op)
    for i in range(3):
        W = W0 if i == 0 else Ws[i - 1]
        b = b0 if i == 0 else bs[i - 1]
        out = jax.nn.relu(out @ W + b)
        m = out.mean(axis=0)
        v = out.var(axis=0)
        out = (out - m) / jnp.sqrt(v + EPS) * g[i] + be[i]
    return out

def _scatter_mean(src, idx, num):
    s = jax.ops.segment_sum(src, idx, num_segments=num)
    c = jax.ops.segment_sum(jnp.ones((src.shape[0], 1), src.dtype), idx, num_segments=num)
    return s / jnp.maximum(c, 1.0)

def setup_inputs(seed: int = 0):
    key = jax.random.key(seed)
    ks = jax.random.split(key, 16)
    inp = {
        'x': jax.random.normal(ks[0], (N, D), jnp.float32),
        'edge_attr': jax.random.normal(ks[1], (E, D), jnp.float32),
        'u': jax.random.normal(ks[2], (B, D), jnp.float32),
        'edge_index': jax.random.randint(ks[3], (2, E), 0, N, jnp.int32),
        'batch': jnp.sort(jax.random.randint(ks[4], (N,), 0, B, jnp.int32)),
    }
    fin0 = {'e': 4 * D, 'n': 3 * D, 'g': 3 * D}
    idx = 5
    for p in ('e', 'n', 'g'):
        kk = jax.random.split(ks[idx], 3)
        idx += 1
        inp[p + '_W0'] = _xavier(kk[0], fin0[p], D)
        inp[p + '_b0'] = jnp.zeros((D,), jnp.float32)
        inp[p + '_Ws'] = jnp.stack([_xavier(kk[1], D, D), _xavier(kk[2], D, D)])
        inp[p + '_bs'] = jnp.zeros((2, D), jnp.float32)
        inp[p + '_g'] = jnp.ones((3, D), jnp.float32)
        inp[p + '_be'] = jnp.zeros((3, D), jnp.float32)
    return inp

def reference(x, edge_attr, u, edge_index, batch,
              e_W0, e_b0, e_Ws, e_bs, e_g, e_be,
              n_W0, n_b0, n_Ws, n_bs, n_g, n_be,
              g_W0, g_b0, g_Ws, g_bs, g_g, g_be):
    row = edge_index[0]
    col = edge_index[1]
    # --- Megnet_EdgeModel ---
    src = x[row]
    dest = x[col]
    comb_e = jnp.concatenate([src, dest, edge_attr, u[batch[row]]], axis=1)
    e_out = _mlp_bn(comb_e, e_W0, e_b0, e_Ws, e_bs, e_g, e_be)
    # --- Megnet_NodeModel ---
    v_e = _scatter_mean(e_out, row, N)
    comb_n = jnp.concatenate([x, v_e, u[batch]], axis=1)
    x_out = _mlp_bn(comb_n, n_W0, n_b0, n_Ws, n_bs, n_g, n_be)
    # --- Megnet_GlobalModel ---
    u_e = _scatter_mean(_scatter_mean(e_out, row, N), batch, B)
    u_v = _scatter_mean(x_out, batch, B)
    comb_u = jnp.concatenate([u_e, u_v, u], axis=1)
    u_out = _mlp_bn(comb_u, g_W0, g_b0, g_Ws, g_bs, g_g, g_be)
    return (x_out, e_out, u_out)

if __name__ == "__main__":
    import jax
    _d = setup_inputs()
    print(jax.jit(kernel)(*tuple(_d.values())))

</pallas_src>

<mosaic_0001>
#map = affine_map<(d0, d1) -> (0)>
#map1 = affine_map<(d0, d1) -> (0, 0)>
#map2 = affine_map<(d0, d1) -> (0, 0, 0)>
module attributes {stable_mosaic.version = 14 : i64} {
  func.func @_sc_gather_body(%arg0: i32, %arg1: i32, %arg2: memref<320000xi32, #tpu.memory_space<hbm>>, %arg3: memref<320000xi32, #tpu.memory_space<hbm>>, %arg4: memref<10000x64xf32, #tpu.memory_space<hbm>>, %arg5: memref<10000x64xf32, #tpu.memory_space<hbm>>, %arg6: memref<256x16xf32, #tpu.memory_space<hbm>>, %arg7: memref<128x16xf32, #tpu.memory_space<hbm>>, %arg8: memref<320000x64xf32, #tpu.memory_space<hbm>>, %arg9: memref<2x10240x16xf32, #tpu.memory_space<hbm>>, %arg10: memref<256xi32, #tpu.memory_space<vmem>>, %arg11: memref<256xi32, #tpu.memory_space<vmem>>, %arg12: memref<256x64xf32, #tpu.memory_space<vmem>>, %arg13: memref<256x16xf32, #tpu.memory_space<vmem>>, %arg14: memref<128x16xf32, #tpu.memory_space<vmem>>, %arg15: memref<10240x16xf32, #tpu.memory_space<vmem_shared>>, %arg16: memref<!tpu.dma_semaphore, #tpu.memory_space<semaphore_mem>>) attributes {dimension_semantics = [#tpu.dimension_semantics<core_parallel>, #tpu.dimension_semantics<subcore_parallel>], iteration_bounds = array<i64: 2, 16>, scalar_prefetch = 0 : i64, scratch_operands = 7 : i64, tpu.core_type = #tpu.core_type<sc_vector_subcore>, window_params = [{transform_indices = #map}, {transform_indices = #map}, {transform_indices = #map1}, {transform_indices = #map1}, {transform_indices = #map1}, {transform_indices = #map1}, {transform_indices = #map1}, {transform_indices = #map2}]} {
    %mul3A = arith.constant 2 : i32
    %mul3A_0 = arith.muli %arg1, %mul3A : i32
    %add3A = arith.addi %mul3A_0, %arg0 : i32
    "tpu.region"() ({
      %run_scoped3A = tpu.sem_alloc : memref<!tpu.dma_semaphore, #tpu.memory_space<semaphore_mem>>
      tpu.enqueue_dma source(%arg6 : memref<256x16xf32, #tpu.memory_space<hbm>>) target(%arg13 : memref<256x16xf32, #tpu.memory_space<vmem>>) target_semaphore(%run_scoped3A : memref<!tpu.dma_semaphore, #tpu.memory_space<semaphore_mem>>)
      tpu.wait_dma2 semaphore(%run_scoped3A : memref<!tpu.dma_semaphore, #tpu.memory_space<semaphore_mem>>) src(%arg6 : memref<256x16xf32, #tpu.memory_space<hbm>>) dst(%arg13 : memref<256x16xf32, #tpu.memory_space<vmem>>)
      tpu.yield
    }) : () -> ()
    "tpu.region"() ({
      %run_scoped3A = tpu.sem_alloc : memref<!tpu.dma_semaphore, #tpu.memory_space<semaphore_mem>>
      tpu.enqueue_dma source(%arg7 : memref<128x16xf32, #tpu.memory_space<hbm>>) target(%arg14 : memref<128x16xf32, #tpu.memory_space<vmem>>) target_semaphore(%run_scoped3A : memref<!tpu.dma_semaphore, #tpu.memory_space<semaphore_mem>>)
      tpu.wait_dma2 semaphore(%run_scoped3A : memref<!tpu.dma_semaphore, #tpu.memory_space<semaphore_mem>>) src(%arg7 : memref<128x16xf32, #tpu.memory_space<hbm>>) dst(%arg14 : memref<128x16xf32, #tpu.memory_space<vmem>>)
      tpu.yield
    }) : () -> ()
    %mul3A_1 = arith.constant 640 : i32
    %mul3A_2 = arith.muli %arg1, %mul3A_1 : i32
    %add3A_3 = arith.constant 0 : i32
    %add3A_4 = arith.addi %mul3A_2, %add3A_3 : i32
    %multiple_of3A = tpu.assume_multiple %add3A_4, 8 : i32
    "tpu.region"() ({
      %run_scoped3A = tpu.sem_alloc : memref<!tpu.dma_semaphore, #tpu.memory_space<semaphore_mem>>
      %dma_start3A = arith.constant 0 : i32
      %dma_start3A_35 = tpu.memref_slice %arg15[%multiple_of3A, %dma_start3A] : memref<10240x16xf32, #tpu.memory_space<vmem_shared>> -> memref<128x16xf32, #tpu.memory_space<vmem_shared>>
      %dma_start3A_36 = arith.constant 0 : i32
      %dma_start3A_37 = tpu.memref_slice %arg15[%multiple_of3A, %dma_start3A_36] : memref<10240x16xf32, #tpu.memory_space<vmem_shared>> -> memref<128x16xf32, #tpu.memory_space<vmem_shared>>
      tpu.enqueue_dma source(%arg14 : memref<128x16xf32, #tpu.memory_space<vmem>>) target(%dma_start3A_37 : memref<128x16xf32, #tpu.memory_space<vmem_shared>>) target_semaphore(%run_scoped3A : memref<!tpu.dma_semaphore, #tpu.memory_space<semaphore_mem>>)
      %dma_wait3A = arith.constant 0 : i32
      %dma_wait3A_38 = tpu.memref_slice %arg15[%multiple_of3A, %dma_wait3A] : memref<10240x16xf32, #tpu.memory_space<vmem_shared>> -> memref<128x16xf32, #tpu.memory_space<vmem_shared>>
      %dma_wait3A_39 = arith.constant 0 : i32
      %dma_wait3A_40 = tpu.memref_slice %arg15[%multiple_of3A, %dma_wait3A_39] : memref<10240x16xf32, #tpu.memory_space<vmem_shared>> -> memref<128x16xf32, #tpu.memory_space<vmem_shared>>
      tpu.wait_dma2 semaphore(%run_scoped3A : memref<!tpu.dma_semaphore, #tpu.memory_space<semaphore_mem>>) src(%arg14 : memref<128x16xf32, #tpu.memory_space<vmem>>) dst(%dma_wait3A_40 : memref<128x16xf32, #tpu.memory_space<vmem_shared>>)
      tpu.yield
    }) : () -> ()
    %mul3A_5 = arith.constant 640 : i32
    %mul3A_6 = arith.muli %arg1, %mul3A_5 : i32
    %add3A_7 = arith.constant 128 : i32
    %add3A_8 = arith.addi %mul3A_6, %add3A_7 : i32
    %multiple_of3A_9 = tpu.assume_multiple %add3A_8, 8 : i32
    "tpu.region"() ({
      %run_scoped3A = tpu.sem_alloc : memref<!tpu.dma_semaphore, #tpu.memory_space<semaphore_mem>>
      %dma_start3A = arith.constant 0 : i32
      %dma_start3A_35 = tpu.memref_slice %arg15[%multiple_of3A_9, %dma_start3A] : memref<10240x16xf32, #tpu.memory_space<vmem_shared>> -> memref<128x16xf32, #tpu.memory_space<vmem_shared>>
      %dma_start3A_36 = arith.constant 0 : i32
      %dma_start3A_37 = tpu.memref_slice %arg15[%multiple_of3A_9, %dma_start3A_36] : memref<10240x16xf32, #tpu.memory_space<vmem_shared>> -> memref<128x16xf32, #tpu.memory_space<vmem_shared>>
      tpu.enqueue_dma source(%arg14 : memref<128x16xf32, #tpu.memory_space<vmem>>) target(%dma_start3A_37 : memref<128x16xf32, #tpu.memory_space<vmem_shared>>) target_semaphore(%run_scoped3A : memref<!tpu.dma_semaphore, #tpu.memory_space<semaphore_mem>>)
      %dma_wait3A = arith.constant 0 : i32
      %dma_wait3A_38 = tpu.memref_slice %arg15[%multiple_of3A_9, %dma_wait3A] : memref<10240x16xf32, #tpu.memory_space<vmem_shared>> -> memref<128x16xf32, #tpu.memory_space<vmem_shared>>
      %dma_wait3A_39 = arith.constant 0 : i32
      %dma_wait3A_40 = tpu.memref_slice %arg15[%multiple_of3A_9, %dma_wait3A_39] : memref<10240x16xf32, #tpu.memory_space<vmem_shared>> -> memref<128x16xf32, #tpu.memory_space<vmem_shared>>
      tpu.wait_dma2 semaphore(%run_scoped3A : memref<!tpu.dma_semaphore, #tpu.memory_space<semaphore_mem>>) src(%arg14 : memref<128x16xf32, #tpu.memory_space<vmem>>) dst(%dma_wait3A_40 : memref<128x16xf32, #tpu.memory_space<vmem_shared>>)
      tpu.yield
    }) : () -> ()
    %mul3A_10 = arith.constant 640 : i32
    %mul3A_11 = arith.muli %arg1, %mul3A_10 : i32
    %add3A_12 = arith.constant 256 : i32
    %add3A_13 = arith.addi %mul3A_11, %add3A_12 : i32
    %multiple_of3A_14 = tpu.assume_multiple %add3A_13, 8 : i32
    "tpu.region"() ({
      %run_scoped3A = tpu.sem_alloc : memref<!tpu.dma_semaphore, #tpu.memory_space<semaphore_mem>>
      %dma_start3A = arith.constant 0 : i32
      %dma_start3A_35 = tpu.memref_slice %arg15[%multiple_of3A_14, %dma_start3A] : memref<10240x16xf32, #tpu.memory_space<vmem_shared>> -> memref<128x16xf32, #tpu.memory_space<vmem_shared>>
      %dma_start3A_36 = arith.constant 0 : i32
      %dma_start3A_37 = tpu.memref_slice %arg15[%multiple_of3A_14, %dma_start3A_36] : memref<10240x16xf32, #tpu.memory_space<vmem_shared>> -> memref<128x16xf32, #tpu.memory_space<vmem_shared>>
      tpu.enqueue_dma source(%arg14 : memref<128x16xf32, #tpu.memory_space<vmem>>) target(%dma_start3A_37 : memref<128x16xf32, #tpu.memory_space<vmem_shared>>) target_semaphore(%run_scoped3A : memref<!tpu.dma_semaphore, #tpu.memory_space<semaphore_mem>>)
      %dma_wait3A = arith.constant 0 : i32
      %dma_wait3A_38 = tpu.memref_slice %arg15[%multiple_of3A_14, %dma_wait3A] : memref<10240x16xf32, #tpu.memory_space<vmem_shared>> -> memref<128x16xf32, #tpu.memory_space<vmem_shared>>
      %dma_wait3A_39 = arith.constant 0 : i32
      %dma_wait3A_40 = tpu.memref_slice %arg15[%multiple_of3A_14, %dma_wait3A_39] : memref<10240x16xf32, #tpu.memory_space<vmem_shared>> -> memref<128x16xf32, #tpu.memory_space<vmem_shared>>
      tpu.wait_dma2 semaphore(%run_scoped3A : memref<!tpu.dma_semaphore, #tpu.memory_space<semaphore_mem>>) src(%arg14 : memref<128x16xf32, #tpu.memory_space<vmem>>) dst(%dma_wait3A_40 : memref<128x16xf32, #tpu.memory_space<vmem_shared>>)
      tpu.yield
    }) : () -> ()
    %mul3A_15 = arith.constant 640 : i32
    %mul3A_16 = arith.muli %arg1, %mul3A_15 : i32
    %add3A_17 = arith.constant 384 : i32
    %add3A_18 = arith.addi %mul3A_16, %add3A_17 : i32
    %multiple_of3A_19 = tpu.assume_multiple %add3A_18, 8 : i32
    "tpu.region"() ({
      %run_scoped3A = tpu.sem_alloc : memref<!tpu.dma_semaphore, #tpu.memory_space<semaphore_mem>>
      %dma_start3A = arith.constant 0 : i32
      %dma_start3A_35 = tpu.memref_slice %arg15[%multiple_of3A_19, %dma_start3A] : memref<10240x16xf32, #tpu.memory_space<vmem_shared>> -> memref<128x16xf32, #tpu.memory_space<vmem_shared>>
      %dma_start3A_36 = arith.constant 0 : i32
      %dma_start3A_37 = tpu.memref_slice %arg15[%multiple_of3A_19, %dma_start3A_36] : memref<10240x16xf32, #tpu.memory_space<vmem_shared>> -> memref<128x16xf32, #tpu.memory_space<vmem_shared>>
      tpu.enqueue_dma source(%arg14 : memref<128x16xf32, #tpu.memory_space<vmem>>) target(%dma_start3A_37 : memref<128x16xf32, #tpu.memory_space<vmem_shared>>) target_semaphore(%run_scoped3A : memref<!tpu.dma_semaphore, #tpu.memory_space<semaphore_mem>>)
      %dma_wait3A = arith.constant 0 : i32
      %dma_wait3A_38 = tpu.memref_slice %arg15[%multiple_of3A_19, %dma_wait3A] : memref<10240x16xf32, #tpu.memory_space<vmem_shared>> -> memref<128x16xf32, #tpu.memory_space<vmem_shared>>
      %dma_wait3A_39 = arith.constant 0 : i32
      %dma_wait3A_40 = tpu.memref_slice %arg15[%multiple_of3A_19, %dma_wait3A_39] : memref<10240x16xf32, #tpu.memory_space<vmem_shared>> -> memref<128x16xf32, #tpu.memory_space<vmem_shared>>
      tpu.wait_dma2 semaphore(%run_scoped3A : memref<!tpu.dma_semaphore, #tpu.memory_space<semaphore_mem>>) src(%arg14 : memref<128x16xf32, #tpu.memory_space<vmem>>) dst(%dma_wait3A_40 : memref<128x16xf32, #tpu.memory_space<vmem_shared>>)
      tpu.yield
    }) : () -> ()
    %mul3A_20 = arith.constant 640 : i32
    %mul3A_21 = arith.muli %arg1, %mul3A_20 : i32
    %add3A_22 = arith.constant 512 : i32
    %add3A_23 = arith.addi %mul3A_21, %add3A_22 : i32
    %multiple_of3A_24 = tpu.assume_multiple %add3A_23, 8 : i32
    "tpu.region"() ({
      %run_scoped3A = tpu.sem_alloc : memref<!tpu.dma_semaphore, #tpu.memory_space<semaphore_mem>>
      %dma_start3A = arith.constant 0 : i32
      %dma_start3A_35 = tpu.memref_slice %arg15[%multiple_of3A_24, %dma_start3A] : memref<10240x16xf32, #tpu.memory_space<vmem_shared>> -> memref<128x16xf32, #tpu.memory_space<vmem_shared>>
      %dma_start3A_36 = arith.constant 0 : i32
      %dma_start3A_37 = tpu.memref_slice %arg15[%multiple_of3A_24, %dma_start3A_36] : memref<10240x16xf32, #tpu.memory_space<vmem_shared>> -> memref<128x16xf32, #tpu.memory_space<vmem_shared>>
      tpu.enqueue_dma source(%arg14 : memref<128x16xf32, #tpu.memory_space<vmem>>) target(%dma_start3A_37 : memref<128x16xf32, #tpu.memory_space<vmem_shared>>) target_semaphore(%run_scoped3A : memref<!tpu.dma_semaphore, #tpu.memory_space<semaphore_mem>>)
      %dma_wait3A = arith.constant 0 : i32
      %dma_wait3A_38 = tpu.memref_slice %arg15[%multiple_of3A_24, %dma_wait3A] : memref<10240x16xf32, #tpu.memory_space<vmem_shared>> -> memref<128x16xf32, #tpu.memory_space<vmem_shared>>
      %dma_wait3A_39 = arith.constant 0 : i32
      %dma_wait3A_40 = tpu.memref_slice %arg15[%multiple_of3A_24, %dma_wait3A_39] : memref<10240x16xf32, #tpu.memory_space<vmem_shared>> -> memref<128x16xf32, #tpu.memory_space<vmem_shared>>
      tpu.wait_dma2 semaphore(%run_scoped3A : memref<!tpu.dma_semaphore, #tpu.memory_space<semaphore_mem>>) src(%arg14 : memref<128x16xf32, #tpu.memory_space<vmem>>) dst(%dma_wait3A_40 : memref<128x16xf32, #tpu.memory_space<vmem_shared>>)
      tpu.yield
    }) : () -> ()
    %barrier3A = arith.constant 0 : index
    tpu.barrier barrier_id(%barrier3A)
    %scan3A = arith.constant 0 : i32
    %scan3A_25 = arith.constant 0 : i32
    %scan3A_26 = arith.constant 40 : i32
    %scan3A_27 = arith.addi %scan3A_25, %scan3A_26 : i32
    %scan3A_28 = arith.constant 1 : i32
    %scan3A_29 = scf.for %scan3A_35 = %scan3A_25 to %scan3A_27 step %scan3A_28 iter_args(%scan3A_36 = %scan3A) -> (i32)  : i32 {
      %mul3A_37 = arith.constant 32 : i32
      %mul3A_38 = arith.muli %scan3A_35, %mul3A_37 : i32
      %add3A_39 = arith.addi %add3A, %mul3A_38 : i32
      %lt3A = arith.constant 1250 : i32
      %lt3A_40 = arith.cmpi slt, %add3A_39, %lt3A : i32
      %convert_element_type3A = arith.extui %lt3A_40 : i1 to i32
      %cond3A = arith.constant 0 : i32
      %cond3A_41 = arith.cmpi ne, %convert_element_type3A, %cond3A : i32
      scf.if %cond3A_41 {
        %mul3A_43 = arith.constant 256 : i32
        %mul3A_44 = arith.muli %add3A_39, %mul3A_43 : i32
        %multiple_of3A_45 = tpu.assume_multiple %mul3A_44, 8 : i32
        "tpu.region"() ({
          %run_scoped3A = tpu.sem_alloc : memref<!tpu.dma_semaphore, #tpu.memory_space<semaphore_mem>>
          %dma_start3A_56 = tpu.memref_slice %arg2[%multiple_of3A_45] : memref<320000xi32, #tpu.memory_space<hbm>> -> memref<256xi32, #tpu.memory_space<hbm>>
          %dma_start3A_57 = tpu.memref_slice %arg2[%multiple_of3A_45] : memref<320000xi32, #tpu.memory_space<hbm>> -> memref<256xi32, #tpu.memory_space<hbm>>
          tpu.enqueue_dma source(%dma_start3A_57 : memref<256xi32, #tpu.memory_space<hbm>>) target(%arg10 : memref<256xi32, #tpu.memory_space<vmem>>) target_semaphore(%run_scoped3A : memref<!tpu.dma_semaphore, #tpu.memory_space<semaphore_mem>>)
          %dma_wait3A_58 = tpu.memref_slice %arg2[%multiple_of3A_45] : memref<320000xi32, #tpu.memory_space<hbm>> -> memref<256xi32, #tpu.memory_space<hbm>>
          %dma_wait3A_59 = tpu.memref_slice %arg2[%multiple_of3A_45] : memref<320000xi32, #tpu.memory_space<hbm>> -> memref<256xi32, #tpu.memory_space<hbm>>
          tpu.wait_dma2 semaphore(%run_scoped3A : memref<!tpu.dma_semaphore, #tpu.memory_space<semaphore_mem>>) src(%dma_wait3A_59 : memref<256xi32, #tpu.memory_space<hbm>>) dst(%arg10 : memref<256xi32, #tpu.memory_space<vmem>>)
          tpu.yield
        }) : () -> ()
        "tpu.region"() ({
          %run_scoped3A = tpu.sem_alloc : memref<!tpu.dma_semaphore, #tpu.memory_space<semaphore_mem>>
          %dma_start3A_56 = tpu.memref_slice %arg3[%multiple_of3A_45] : memref<320000xi32, #tpu.memory_space<hbm>> -> memref<256xi32, #tpu.memory_space<hbm>>
          %dma_start3A_57 = tpu.memref_slice %arg3[%multiple_of3A_45] : memref<320000xi32, #tpu.memory_space<hbm>> -> memref<256xi32, #tpu.memory_space<hbm>>
          tpu.enqueue_dma source(%dma_start3A_57 : memref<256xi32, #tpu.memory_space<hbm>>) target(%arg11 : memref<256xi32, #tpu.memory_space<vmem>>) target_semaphore(%run_scoped3A : memref<!tpu.dma_semaphore, #tpu.memory_space<semaphore_mem>>)
          %dma_wait3A_58 = tpu.memref_slice %arg3[%multiple_of3A_45] : memref<320000xi32, #tpu.memory_space<hbm>> -> memref<256xi32, #tpu.memory_space<hbm>>
          %dma_wait3A_59 = tpu.memref_slice %arg3[%multiple_of3A_45] : memref<320000xi32, #tpu.memory_space<hbm>> -> memref<256xi32, #tpu.memory_space<hbm>>
          tpu.wait_dma2 semaphore(%run_scoped3A : memref<!tpu.dma_semaphore, #tpu.memory_space<semaphore_mem>>) src(%dma_wait3A_59 : memref<256xi32, #tpu.memory_space<hbm>>) dst(%arg11 : memref<256xi32, #tpu.memory_space<vmem>>)
          tpu.yield
        }) : () -> ()
        %dma_start3A = arith.constant 0 : i32
        %dma_start3A_46 = arith.constant 0 : i32
        %dma_start3A_47 = tpu.memref_slice %arg4[%dma_start3A, %dma_start3A_46] : memref<10000x64xf32, #tpu.memory_space<hbm>> -> memref<10000x64xf32, #tpu.memory_space<hbm>>
        tpu.enqueue_indirect_dma source(%dma_start3A_47 : memref<10000x64xf32, #tpu.memory_space<hbm>>) target(%arg12 : memref<256x64xf32, #tpu.memory_space<vmem>>) offsets(%arg10 : memref<256xi32, #tpu.memory_space<vmem>>) semaphore(%arg16 : memref<!tpu.dma_semaphore, #tpu.memory_space<semaphore_mem>>)
        %dma_wait3A = arith.constant 0 : i32
        %dma_wait3A_48 = arith.constant 0 : i32
        %dma_wait3A_49 = tpu.memref_slice %arg4[%dma_wait3A, %dma_wait3A_48] : memref<10000x64xf32, #tpu.memory_space<hbm>> -> memref<10000x64xf32, #tpu.memory_space<hbm>>
        tpu.wait_indirect_dma semaphore(%arg16 : memref<!tpu.dma_semaphore, #tpu.memory_space<semaphore_mem>>) src(%dma_wait3A_49 : memref<10000x64xf32, #tpu.memory_space<hbm>>) dst(%arg12 : memref<256x64xf32, #tpu.memory_space<vmem>>)
        %dma_start3A_50 = arith.constant 0 : i32
        %dma_start3A_51 = arith.constant 0 : i32
        %dma_start3A_52 = tpu.memref_slice %arg5[%dma_start3A_50, %dma_start3A_51] : memref<10000x64xf32, #tpu.memory_space<hbm>> -> memref<10000x64xf32, #tpu.memory_space<hbm>>
        tpu.enqueue_indirect_dma source(%dma_start3A_52 : memref<10000x64xf32, #tpu.memory_space<hbm>>) target(%arg12 : memref<256x64xf32, #tpu.memory_space<vmem>>) offsets(%arg11 : memref<256xi32, #tpu.memory_space<vmem>>) semaphore(%arg16 : memref<!tpu.dma_semaphore, #tpu.memory_space<semaphore_mem>>) {add = true}
        %dma_wait3A_53 = arith.constant 0 : i32
        %dma_wait3A_54 = arith.constant 0 : i32
        %dma_wait3A_55 = tpu.memref_slice %arg5[%dma_wait3A_53, %dma_wait3A_54] : memref<10000x64xf32, #tpu.memory_space<hbm>> -> memref<10000x64xf32, #tpu.memory_space<hbm>>
        tpu.wait_indirect_dma semaphore(%arg16 : memref<!tpu.dma_semaphore, #tpu.memory_space<semaphore_mem>>) src(%dma_wait3A_55 : memref<10000x64xf32, #tpu.memory_space<hbm>>) dst(%arg12 : memref<256x64xf32, #tpu.memory_space<vmem>>)
        "tpu.region"() ({
          %run_scoped3A = tpu.sem_alloc : memref<!tpu.dma_semaphore, #tpu.memory_space<semaphore_mem>>
          %dma_start3A_56 = arith.constant 0 : i32
          %dma_start3A_57 = arith.constant 0 : i32
          %dma_start3A_58 = tpu.memref_slice %arg15[%dma_start3A_56, %dma_start3A_57] : memref<10240x16xf32, #tpu.memory_space<vmem_shared>> -> memref<10240x16xf32, #tpu.memory_space<vmem_shared>>
          tpu.enqueue_indirect_dma source(%arg13 : memref<256x16xf32, #tpu.memory_space<vmem>>) target(%dma_start3A_58 : memref<10240x16xf32, #tpu.memory_space<vmem_shared>>) offsets(%arg10 : memref<256xi32, #tpu.memory_space<vmem>>) semaphore(%run_scoped3A : memref<!tpu.dma_semaphore, #tpu.memory_space<semaphore_mem>>) {add = true}
          %dma_wait3A_59 = arith.constant 0 : i32
          %dma_wait3A_60 = arith.constant 0 : i32
          %dma_wait3A_61 = tpu.memref_slice %arg15[%dma_wait3A_59, %dma_wait3A_60] : memref<10240x16xf32, #tpu.memory_space<vmem_shared>> -> memref<10240x16xf32, #tpu.memory_space<vmem_shared>>
          tpu.wait_indirect_dma semaphore(%run_scoped3A : memref<!tpu.dma_semaphore, #tpu.memory_space<semaphore_mem>>) src(%arg13 : memref<256x16xf32, #tpu.memory_space<vmem>>) dst(%dma_wait3A_61 : memref<10240x16xf32, #tpu.memory_space<vmem_shared>>)
          tpu.yield
        }) : () -> ()
        "tpu.region"() ({
          %run_scoped3A = tpu.sem_alloc : memref<!tpu.dma_semaphore, #tpu.memory_space<semaphore_mem>>
          %dma_start3A_56 = arith.constant 0 : i32
          %dma_start3A_57 = tpu.memref_slice %arg8[%multiple_of3A_45, %dma_start3A_56] : memref<320000x64xf32, #tpu.memory_space<hbm>> -> memref<256x64xf32, #tpu.memory_space<hbm>>
          %dma_start3A_58 = arith.constant 0 : i32
          %dma_start3A_59 = tpu.memref_slice %arg8[%multiple_of3A_45, %dma_start3A_58] : memref<320000x64xf32, #tpu.memory_space<hbm>> -> memref<256x64xf32, #tpu.memory_space<hbm>>
          tpu.enqueue_dma source(%arg12 : memref<256x64xf32, #tpu.memory_space<vmem>>) target(%dma_start3A_59 : memref<256x64xf32, #tpu.memory_space<hbm>>) target_semaphore(%run_scoped3A : memref<!tpu.dma_semaphore, #tpu.memory_space<semaphore_mem>>)
          %dma_wait3A_60 = arith.constant 0 : i32
          %dma_wait3A_61 = tpu.memref_slice %arg8[%multiple_of3A_45, %dma_wait3A_60] : memref<320000x64xf32, #tpu.memory_space<hbm>> -> memref<256x64xf32, #tpu.memory_space<hbm>>
          %dma_wait3A_62 = arith.constant 0 : i32
          %dma_wait3A_63 = tpu.memref_slice %arg8[%multiple_of3A_45, %dma_wait3A_62] : memref<320000x64xf32, #tpu.memory_space<hbm>> -> memref<256x64xf32, #tpu.memory_space<hbm>>
          tpu.wait_dma2 semaphore(%run_scoped3A : memref<!tpu.dma_semaphore, #tpu.memory_space<semaphore_mem>>) src(%arg12 : memref<256x64xf32, #tpu.memory_space<vmem>>) dst(%dma_wait3A_63 : memref<256x64xf32, #tpu.memory_space<hbm>>)
          tpu.yield
        }) : () -> ()
      } else {
      }
      %scan3A_42 = arith.constant 0 : i32
      scf.yield %scan3A_42 : i32
    }
    %scan3A_30 = arith.constant 40 : i32
    %barrier3A_31 = arith.constant 0 : index
    tpu.barrier barrier_id(%barrier3A_31)
    %mul3A_32 = arith.constant 640 : i32
    %mul3A_33 = arith.muli %arg1, %mul3A_32 : i32
    %multiple_of3A_34 = tpu.assume_multiple %mul3A_33, 8 : i32
    "tpu.region"() ({
      %run_scoped3A = tpu.sem_alloc : memref<!tpu.dma_semaphore, #tpu.memory_space<semaphore_mem>>
      %dma_start3A = arith.constant 0 : i32
      %dma_start3A_35 = arith.constant 0 : i32
      %dma_start3A_36 = tpu.memref_slice %arg9[%arg0, %dma_start3A, %dma_start3A_35] : memref<2x10240x16xf32, #tpu.memory_space<hbm>> -> memref<1x10240x16xf32, #tpu.memory_space<hbm>>
      %dma_start3A_37 = tpu.memref_squeeze %dma_start3A_36 : memref<1x10240x16xf32, #tpu.memory_space<hbm>> -> memref<10240x16xf32, #tpu.memory_space<hbm>>
      %dma_start3A_38 = arith.constant 0 : i32
      %dma_start3A_39 = tpu.memref_slice %dma_start3A_37[%multiple_of3A_34, %dma_start3A_38] : memref<10240x16xf32, #tpu.memory_space<hbm>> -> memref<640x16xf32, #tpu.memory_space<hbm>>
      %dma_start3A_40 = arith.constant 0 : i32
      %dma_start3A_41 = tpu.memref_slice %arg15[%multiple_of3A_34, %dma_start3A_40] : memref<10240x16xf32, #tpu.memory_space<vmem_shared>> -> memref<640x16xf32, #tpu.memory_space<vmem_shared>>
      tpu.enqueue_dma source(%dma_start3A_41 : memref<640x16xf32, #tpu.memory_space<vmem_shared>>) target(%dma_start3A_39 : memref<640x16xf32, #tpu.memory_space<hbm>>) target_semaphore(%run_scoped3A : memref<!tpu.dma_semaphore, #tpu.memory_space<semaphore_mem>>)
      %dma_wait3A = arith.constant 0 : i32
      %dma_wait3A_42 = arith.constant 0 : i32
      %dma_wait3A_43 = tpu.memref_slice %arg9[%arg0, %dma_wait3A, %dma_wait3A_42] : memref<2x10240x16xf32, #tpu.memory_space<hbm>> -> memref<1x10240x16xf32, #tpu.memory_space<hbm>>
      %dma_wait3A_44 = tpu.memref_squeeze %dma_wait3A_43 : memref<1x10240x16xf32, #tpu.memory_space<hbm>> -> memref<10240x16xf32, #tpu.memory_space<hbm>>
      %dma_wait3A_45 = arith.constant 0 : i32
      %dma_wait3A_46 = tpu.memref_slice %dma_wait3A_44[%multiple_of3A_34, %dma_wait3A_45] : memref<10240x16xf32, #tpu.memory_space<hbm>> -> memref<640x16xf32, #tpu.memory_space<hbm>>
      %dma_wait3A_47 = arith.constant 0 : i32
      %dma_wait3A_48 = tpu.memref_slice %arg15[%multiple_of3A_34, %dma_wait3A_47] : memref<10240x16xf32, #tpu.memory_space<vmem_shared>> -> memref<640x16xf32, #tpu.memory_space<vmem_shared>>
      tpu.wait_dma2 semaphore(%run_scoped3A : memref<!tpu.dma_semaphore, #tpu.memory_space<semaphore_mem>>) src(%dma_wait3A_48 : memref<640x16xf32, #tpu.memory_space<vmem_shared>>) dst(%dma_wait3A_46 : memref<640x16xf32, #tpu.memory_space<hbm>>)
      tpu.yield
    }) : () -> ()
    return
  }
}

#map = affine_map<(d0, d1) -> (0, 0)>
#map1 = affine_map<(d0, d1) -> (0)>
#map2 = affine_map<(d0, d1) -> (0, 0, 0)>
module attributes {stable_mosaic.version = 14 : i64} {
  func.func @_sc_scatter_body(%arg0: i32, %arg1: i32, %arg2: memref<320000x64xf32, #tpu.memory_space<hbm>>, %arg3: memref<320000xi32, #tpu.memory_space<hbm>>, %arg4: memref<128x64xf32, #tpu.memory_space<hbm>>, %arg5: memref<2x10240x64xf32, #tpu.memory_space<hbm>>, %arg6: memref<256xi32, #tpu.memory_space<vmem>>, %arg7: memref<256x64xf32, #tpu.memory_space<vmem>>, %arg8: memref<128x64xf32, #tpu.memory_space<vmem>>, %arg9: memref<10240x64xf32, #tpu.memory_space<vmem_shared>>, %arg10: memref<!tpu.dma_semaphore, #tpu.memory_space<semaphore_mem>>) attributes {dimension_semantics = [#tpu.dimension_semantics<core_parallel>, #tpu.dimension_semantics<subcore_parallel>], iteration_bounds = array<i64: 2, 16>, scalar_prefetch = 0 : i64, scratch_operands = 5 : i64, tpu.core_type = #tpu.core_type<sc_vector_subcore>, window_params = [{transform_indices = #map}, {transform_indices = #map1}, {transform_indices = #map}, {transform_indices = #map2}]} {
    %mul3A = arith.constant 2 : i32
    %mul3A_0 = arith.muli %arg1, %mul3A : i32
    %add3A = arith.addi %mul3A_0, %arg0 : i32
    "tpu.region"() ({
      %run_scoped3A = tpu.sem_alloc : memref<!tpu.dma_semaphore, #tpu.memory_space<semaphore_mem>>
      tpu.enqueue_dma source(%arg4 : memref<128x64xf32, #tpu.memory_space<hbm>>) target(%arg8 : memref<128x64xf32, #tpu.memory_space<vmem>>) target_semaphore(%run_scoped3A : memref<!tpu.dma_semaphore, #tpu.memory_space<semaphore_mem>>)
      tpu.wait_dma2 semaphore(%run_scoped3A : memref<!tpu.dma_semaphore, #tpu.memory_space<semaphore_mem>>) src(%arg4 : memref<128x64xf32, #tpu.memory_space<hbm>>) dst(%arg8 : memref<128x64xf32, #tpu.memory_space<vmem>>)
      tpu.yield
    }) : () -> ()
    %mul3A_1 = arith.constant 640 : i32
    %mul3A_2 = arith.muli %arg1, %mul3A_1 : i32
    %add3A_3 = arith.constant 0 : i32
    %add3A_4 = arith.addi %mul3A_2, %add3A_3 : i32
    %multiple_of3A = tpu.assume_multiple %add3A_4, 8 : i32
    "tpu.region"() ({
      %run_scoped3A = tpu.sem_alloc : memref<!tpu.dma_semaphore, #tpu.memory_space<semaphore_mem>>
      %dma_start3A = arith.constant 0 : i32
      %dma_start3A_35 = tpu.memref_slice %arg9[%multiple_of3A, %dma_start3A] : memref<10240x64xf32, #tpu.memory_space<vmem_shared>> -> memref<128x64xf32, #tpu.memory_space<vmem_shared>>
      %dma_start3A_36 = arith.constant 0 : i32
      %dma_start3A_37 = tpu.memref_slice %arg9[%multiple_of3A, %dma_start3A_36] : memref<10240x64xf32, #tpu.memory_space<vmem_shared>> -> memref<128x64xf32, #tpu.memory_space<vmem_shared>>
      tpu.enqueue_dma source(%arg8 : memref<128x64xf32, #tpu.memory_space<vmem>>) target(%dma_start3A_37 : memref<128x64xf32, #tpu.memory_space<vmem_shared>>) target_semaphore(%run_scoped3A : memref<!tpu.dma_semaphore, #tpu.memory_space<semaphore_mem>>)
      %dma_wait3A = arith.constant 0 : i32
      %dma_wait3A_38 = tpu.memref_slice %arg9[%multiple_of3A, %dma_wait3A] : memref<10240x64xf32, #tpu.memory_space<vmem_shared>> -> memref<128x64xf32, #tpu.memory_space<vmem_shared>>
      %dma_wait3A_39 = arith.constant 0 : i32
      %dma_wait3A_40 = tpu.memref_slice %arg9[%multiple_of3A, %dma_wait3A_39] : memref<10240x64xf32, #tpu.memory_space<vmem_shared>> -> memref<128x64xf32, #tpu.memory_space<vmem_shared>>
      tpu.wait_dma2 semaphore(%run_scoped3A : memref<!tpu.dma_semaphore, #tpu.memory_space<semaphore_mem>>) src(%arg8 : memref<128x64xf32, #tpu.memory_space<vmem>>) dst(%dma_wait3A_40 : memref<128x64xf32, #tpu.memory_space<vmem_shared>>)
      tpu.yield
    }) : () -> ()
    %mul3A_5 = arith.constant 640 : i32
    %mul3A_6 = arith.muli %arg1, %mul3A_5 : i32
    %add3A_7 = arith.constant 128 : i32
    %add3A_8 = arith.addi %mul3A_6, %add3A_7 : i32
    %multiple_of3A_9 = tpu.assume_multiple %add3A_8, 8 : i32
    "tpu.region"() ({
      %run_scoped3A = tpu.sem_alloc : memref<!tpu.dma_semaphore, #tpu.memory_space<semaphore_mem>>
      %dma_start3A = arith.constant 0 : i32
      %dma_start3A_35 = tpu.memref_slice %arg9[%multiple_of3A_9, %dma_start3A] : memref<10240x64xf32, #tpu.memory_space<vmem_shared>> -> memref<128x64xf32, #tpu.memory_space<vmem_shared>>
      %dma_start3A_36 = arith.constant 0 : i32
      %dma_start3A_37 = tpu.memref_slice %arg9[%multiple_of3A_9, %dma_start3A_36] : memref<10240x64xf32, #tpu.memory_space<vmem_shared>> -> memref<128x64xf32, #tpu.memory_space<vmem_shared>>
      tpu.enqueue_dma source(%arg8 : memref<128x64xf32, #tpu.memory_space<vmem>>) target(%dma_start3A_37 : memref<128x64xf32, #tpu.memory_space<vmem_shared>>) target_semaphore(%run_scoped3A : memref<!tpu.dma_semaphore, #tpu.memory_space<semaphore_mem>>)
      %dma_wait3A = arith.constant 0 : i32
      %dma_wait3A_38 = tpu.memref_slice %arg9[%multiple_of3A_9, %dma_wait3A] : memref<10240x64xf32, #tpu.memory_space<vmem_shared>> -> memref<128x64xf32, #tpu.memory_space<vmem_shared>>
      %dma_wait3A_39 = arith.constant 0 : i32
      %dma_wait3A_40 = tpu.memref_slice %arg9[%multiple_of3A_9, %dma_wait3A_39] : memref<10240x64xf32, #tpu.memory_space<vmem_shared>> -> memref<128x64xf32, #tpu.memory_space<vmem_shared>>
      tpu.wait_dma2 semaphore(%run_scoped3A : memref<!tpu.dma_semaphore, #tpu.memory_space<semaphore_mem>>) src(%arg8 : memref<128x64xf32, #tpu.memory_space<vmem>>) dst(%dma_wait3A_40 : memref<128x64xf32, #tpu.memory_space<vmem_shared>>)
      tpu.yield
    }) : () -> ()
    %mul3A_10 = arith.constant 640 : i32
    %mul3A_11 = arith.muli %arg1, %mul3A_10 : i32
    %add3A_12 = arith.constant 256 : i32
    %add3A_13 = arith.addi %mul3A_11, %add3A_12 : i32
    %multiple_of3A_14 = tpu.assume_multiple %add3A_13, 8 : i32
    "tpu.region"() ({
      %run_scoped3A = tpu.sem_alloc : memref<!tpu.dma_semaphore, #tpu.memory_space<semaphore_mem>>
      %dma_start3A = arith.constant 0 : i32
      %dma_start3A_35 = tpu.memref_slice %arg9[%multiple_of3A_14, %dma_start3A] : memref<10240x64xf32, #tpu.memory_space<vmem_shared>> -> memref<128x64xf32, #tpu.memory_space<vmem_shared>>
      %dma_start3A_36 = arith.constant 0 : i32
      %dma_start3A_37 = tpu.memref_slice %arg9[%multiple_of3A_14, %dma_start3A_36] : memref<10240x64xf32, #tpu.memory_space<vmem_shared>> -> memref<128x64xf32, #tpu.memory_space<vmem_shared>>
      tpu.enqueue_dma source(%arg8 : memref<128x64xf32, #tpu.memory_space<vmem>>) target(%dma_start3A_37 : memref<128x64xf32, #tpu.memory_space<vmem_shared>>) target_semaphore(%run_scoped3A : memref<!tpu.dma_semaphore, #tpu.memory_space<semaphore_mem>>)
      %dma_wait3A = arith.constant 0 : i32
      %dma_wait3A_38 = tpu.memref_slice %arg9[%multiple_of3A_14, %dma_wait3A] : memref<10240x64xf32, #tpu.memory_space<vmem_shared>> -> memref<128x64xf32, #tpu.memory_space<vmem_shared>>
      %dma_wait3A_39 = arith.constant 0 : i32
      %dma_wait3A_40 = tpu.memref_slice %arg9[%multiple_of3A_14, %dma_wait3A_39] : memref<10240x64xf32, #tpu.memory_space<vmem_shared>> -> memref<128x64xf32, #tpu.memory_space<vmem_shared>>
      tpu.wait_dma2 semaphore(%run_scoped3A : memref<!tpu.dma_semaphore, #tpu.memory_space<semaphore_mem>>) src(%arg8 : memref<128x64xf32, #tpu.memory_space<vmem>>) dst(%dma_wait3A_40 : memref<128x64xf32, #tpu.memory_space<vmem_shared>>)
      tpu.yield
    }) : () -> ()
    %mul3A_15 = arith.constant 640 : i32
    %mul3A_16 = arith.muli %arg1, %mul3A_15 : i32
    %add3A_17 = arith.constant 384 : i32
    %add3A_18 = arith.addi %mul3A_16, %add3A_17 : i32
    %multiple_of3A_19 = tpu.assume_multiple %add3A_18, 8 : i32
    "tpu.region"() ({
      %run_scoped3A = tpu.sem_alloc : memref<!tpu.dma_semaphore, #tpu.memory_space<semaphore_mem>>
      %dma_start3A = arith.constant 0 : i32
      %dma_start3A_35 = tpu.memref_slice %arg9[%multiple_of3A_19, %dma_start3A] : memref<10240x64xf32, #tpu.memory_space<vmem_shared>> -> memref<128x64xf32, #tpu.memory_space<vmem_shared>>
      %dma_start3A_36 = arith.constant 0 : i32
      %dma_start3A_37 = tpu.memref_slice %arg9[%multiple_of3A_19, %dma_start3A_36] : memref<10240x64xf32, #tpu.memory_space<vmem_shared>> -> memref<128x64xf32, #tpu.memory_space<vmem_shared>>
      tpu.enqueue_dma source(%arg8 : memref<128x64xf32, #tpu.memory_space<vmem>>) target(%dma_start3A_37 : memref<128x64xf32, #tpu.memory_space<vmem_shared>>) target_semaphore(%run_scoped3A : memref<!tpu.dma_semaphore, #tpu.memory_space<semaphore_mem>>)
      %dma_wait3A = arith.constant 0 : i32
      %dma_wait3A_38 = tpu.memref_slice %arg9[%multiple_of3A_19, %dma_wait3A] : memref<10240x64xf32, #tpu.memory_space<vmem_shared>> -> memref<128x64xf32, #tpu.memory_space<vmem_shared>>
      %dma_wait3A_39 = arith.constant 0 : i32
      %dma_wait3A_40 = tpu.memref_slice %arg9[%multiple_of3A_19, %dma_wait3A_39] : memref<10240x64xf32, #tpu.memory_space<vmem_shared>> -> memref<128x64xf32, #tpu.memory_space<vmem_shared>>
      tpu.wait_dma2 semaphore(%run_scoped3A : memref<!tpu.dma_semaphore, #tpu.memory_space<semaphore_mem>>) src(%arg8 : memref<128x64xf32, #tpu.memory_space<vmem>>) dst(%dma_wait3A_40 : memref<128x64xf32, #tpu.memory_space<vmem_shared>>)
      tpu.yield
    }) : () -> ()
    %mul3A_20 = arith.constant 640 : i32
    %mul3A_21 = arith.muli %arg1, %mul3A_20 : i32
    %add3A_22 = arith.constant 512 : i32
    %add3A_23 = arith.addi %mul3A_21, %add3A_22 : i32
    %multiple_of3A_24 = tpu.assume_multiple %add3A_23, 8 : i32
    "tpu.region"() ({
      %run_scoped3A = tpu.sem_alloc : memref<!tpu.dma_semaphore, #tpu.memory_space<semaphore_mem>>
      %dma_start3A = arith.constant 0 : i32
      %dma_start3A_35 = tpu.memref_slice %arg9[%multiple_of3A_24, %dma_start3A] : memref<10240x64xf32, #tpu.memory_space<vmem_shared>> -> memref<128x64xf32, #tpu.memory_space<vmem_shared>>
      %dma_start3A_36 = arith.constant 0 : i32
      %dma_start3A_37 = tpu.memref_slice %arg9[%multiple_of3A_24, %dma_start3A_36] : memref<10240x64xf32, #tpu.memory_space<vmem_shared>> -> memref<128x64xf32, #tpu.memory_space<vmem_shared>>
      tpu.enqueue_dma source(%arg8 : memref<128x64xf32, #tpu.memory_space<vmem>>) target(%dma_start3A_37 : memref<128x64xf32, #tpu.memory_space<vmem_shared>>) target_semaphore(%run_scoped3A : memref<!tpu.dma_semaphore, #tpu.memory_space<semaphore_mem>>)
      %dma_wait3A = arith.constant 0 : i32
      %dma_wait3A_38 = tpu.memref_slice %arg9[%multiple_of3A_24, %dma_wait3A] : memref<10240x64xf32, #tpu.memory_space<vmem_shared>> -> memref<128x64xf32, #tpu.memory_space<vmem_shared>>
      %dma_wait3A_39 = arith.constant 0 : i32
      %dma_wait3A_40 = tpu.memref_slice %arg9[%multiple_of3A_24, %dma_wait3A_39] : memref<10240x64xf32, #tpu.memory_space<vmem_shared>> -> memref<128x64xf32, #tpu.memory_space<vmem_shared>>
      tpu.wait_dma2 semaphore(%run_scoped3A : memref<!tpu.dma_semaphore, #tpu.memory_space<semaphore_mem>>) src(%arg8 : memref<128x64xf32, #tpu.memory_space<vmem>>) dst(%dma_wait3A_40 : memref<128x64xf32, #tpu.memory_space<vmem_shared>>)
      tpu.yield
    }) : () -> ()
    %barrier3A = arith.constant 0 : index
    tpu.barrier barrier_id(%barrier3A)
    %scan3A = arith.constant 0 : i32
    %scan3A_25 = arith.constant 0 : i32
    %scan3A_26 = arith.constant 40 : i32
    %scan3A_27 = arith.addi %scan3A_25, %scan3A_26 : i32
    %scan3A_28 = arith.constant 1 : i32
    %scan3A_29 = scf.for %scan3A_35 = %scan3A_25 to %scan3A_27 step %scan3A_28 iter_args(%scan3A_36 = %scan3A) -> (i32)  : i32 {
      %mul3A_37 = arith.constant 32 : i32
      %mul3A_38 = arith.muli %scan3A_35, %mul3A_37 : i32
      %add3A_39 = arith.addi %add3A, %mul3A_38 : i32
      %lt3A = arith.constant 1250 : i32
      %lt3A_40 = arith.cmpi slt, %add3A_39, %lt3A : i32
      %convert_element_type3A = arith.extui %lt3A_40 : i1 to i32
      %cond3A = arith.constant 0 : i32
      %cond3A_41 = arith.cmpi ne, %convert_element_type3A, %cond3A : i32
      scf.if %cond3A_41 {
        %mul3A_43 = arith.constant 256 : i32
        %mul3A_44 = arith.muli %add3A_39, %mul3A_43 : i32
        %multiple_of3A_45 = tpu.assume_multiple %mul3A_44, 8 : i32
        "tpu.region"() ({
          %run_scoped3A = tpu.sem_alloc : memref<!tpu.dma_semaphore, #tpu.memory_space<semaphore_mem>>
          %dma_start3A = tpu.memref_slice %arg3[%multiple_of3A_45] : memref<320000xi32, #tpu.memory_space<hbm>> -> memref<256xi32, #tpu.memory_space<hbm>>
          %dma_start3A_46 = tpu.memref_slice %arg3[%multiple_of3A_45] : memref<320000xi32, #tpu.memory_space<hbm>> -> memref<256xi32, #tpu.memory_space<hbm>>
          tpu.enqueue_dma source(%dma_start3A_46 : memref<256xi32, #tpu.memory_space<hbm>>) target(%arg6 : memref<256xi32, #tpu.memory_space<vmem>>) target_semaphore(%run_scoped3A : memref<!tpu.dma_semaphore, #tpu.memory_space<semaphore_mem>>)
          %dma_wait3A = tpu.memref_slice %arg3[%multiple_of3A_45] : memref<320000xi32, #tpu.memory_space<hbm>> -> memref<256xi32, #tpu.memory_space<hbm>>
          %dma_wait3A_47 = tpu.memref_slice %arg3[%multiple_of3A_45] : memref<320000xi32, #tpu.memory_space<hbm>> -> memref<256xi32, #tpu.memory_space<hbm>>
          tpu.wait_dma2 semaphore(%run_scoped3A : memref<!tpu.dma_semaphore, #tpu.memory_space<semaphore_mem>>) src(%dma_wait3A_47 : memref<256xi32, #tpu.memory_space<hbm>>) dst(%arg6 : memref<256xi32, #tpu.memory_space<vmem>>)
          tpu.yield
        }) : () -> ()
        "tpu.region"() ({
          %run_scoped3A = tpu.sem_alloc : memref<!tpu.dma_semaphore, #tpu.memory_space<semaphore_mem>>
          %dma_start3A = arith.constant 0 : i32
          %dma_start3A_46 = tpu.memref_slice %arg2[%multiple_of3A_45, %dma_start3A] : memref<320000x64xf32, #tpu.memory_space<hbm>> -> memref<256x64xf32, #tpu.memory_space<hbm>>
          %dma_start3A_47 = arith.constant 0 : i32
          %dma_start3A_48 = tpu.memref_slice %arg2[%multiple_of3A_45, %dma_start3A_47] : memref<320000x64xf32, #tpu.memory_space<hbm>> -> memref<256x64xf32, #tpu.memory_space<hbm>>
          tpu.enqueue_dma source(%dma_start3A_48 : memref<256x64xf32, #tpu.memory_space<hbm>>) target(%arg7 : memref<256x64xf32, #tpu.memory_space<vmem>>) target_semaphore(%run_scoped3A : memref<!tpu.dma_semaphore, #tpu.memory_space<semaphore_mem>>)
          %dma_wait3A = arith.constant 0 : i32
          %dma_wait3A_49 = tpu.memref_slice %arg2[%multiple_of3A_45, %dma_wait3A] : memref<320000x64xf32, #tpu.memory_space<hbm>> -> memref<256x64xf32, #tpu.memory_space<hbm>>
          %dma_wait3A_50 = arith.constant 0 : i32
          %dma_wait3A_51 = tpu.memref_slice %arg2[%multiple_of3A_45, %dma_wait3A_50] : memref<320000x64xf32, #tpu.memory_space<hbm>> -> memref<256x64xf32, #tpu.memory_space<hbm>>
          tpu.wait_dma2 semaphore(%run_scoped3A : memref<!tpu.dma_semaphore, #tpu.memory_space<semaphore_mem>>) src(%dma_wait3A_51 : memref<256x64xf32, #tpu.memory_space<hbm>>) dst(%arg7 : memref<256x64xf32, #tpu.memory_space<vmem>>)
          tpu.yield
        }) : () -> ()
        "tpu.region"() ({
          %run_scoped3A = tpu.sem_alloc : memref<!tpu.dma_semaphore, #tpu.memory_space<semaphore_mem>>
          %dma_start3A = arith.constant 0 : i32
          %dma_start3A_46 = arith.constant 0 : i32
          %dma_start3A_47 = tpu.memref_slice %arg9[%dma_start3A, %dma_start3A_46] : memref<10240x64xf32, #tpu.memory_space<vmem_shared>> -> memref<10240x64xf32, #tpu.memory_space<vmem_shared>>
          tpu.enqueue_indirect_dma source(%arg7 : memref<256x64xf32, #tpu.memory_space<vmem>>) target(%dma_start3A_47 : memref<10240x64xf32, #tpu.memory_space<vmem_shared>>) offsets(%arg6 : memref<256xi32, #tpu.memory_space<vmem>>) semaphore(%run_scoped3A : memref<!tpu.dma_semaphore, #tpu.memory_space<semaphore_mem>>) {add = true}
          %dma_wait3A = arith.constant 0 : i32
          %dma_wait3A_48 = arith.constant 0 : i32
          %dma_wait3A_49 = tpu.memref_slice %arg9[%dma_wait3A, %dma_wait3A_48] : memref<10240x64xf32, #tpu.memory_space<vmem_shared>> -> memref<10240x64xf32, #tpu.memory_space<vmem_shared>>
          tpu.wait_indirect_dma semaphore(%run_scoped3A : memref<!tpu.dma_semaphore, #tpu.memory_space<semaphore_mem>>) src(%arg7 : memref<256x64xf32, #tpu.memory_space<vmem>>) dst(%dma_wait3A_49 : memref<10240x64xf32, #tpu.memory_space<vmem_shared>>)
          tpu.yield
        }) : () -> ()
      } else {
      }
      %scan3A_42 = arith.constant 0 : i32
      scf.yield %scan3A_42 : i32
    }
    %scan3A_30 = arith.constant 40 : i32
    %barrier3A_31 = arith.constant 0 : index
    tpu.barrier barrier_id(%barrier3A_31)
    %mul3A_32 = arith.constant 640 : i32
    %mul3A_33 = arith.muli %arg1, %mul3A_32 : i32
    %multiple_of3A_34 = tpu.assume_multiple %mul3A_33, 8 : i32
    "tpu.region"() ({
      %run_scoped3A = tpu.sem_alloc : memref<!tpu.dma_semaphore, #tpu.memory_space<semaphore_mem>>
      %dma_start3A = arith.constant 0 : i32
      %dma_start3A_35 = arith.constant 0 : i32
      %dma_start3A_36 = tpu.memref_slice %arg5[%arg0, %dma_start3A, %dma_start3A_35] : memref<2x10240x64xf32, #tpu.memory_space<hbm>> -> memref<1x10240x64xf32, #tpu.memory_space<hbm>>
      %dma_start3A_37 = tpu.memref_squeeze %dma_start3A_36 : memref<1x10240x64xf32, #tpu.memory_space<hbm>> -> memref<10240x64xf32, #tpu.memory_space<hbm>>
      %dma_start3A_38 = arith.constant 0 : i32
      %dma_start3A_39 = tpu.memref_slice %dma_start3A_37[%multiple_of3A_34, %dma_start3A_38] : memref<10240x64xf32, #tpu.memory_space<hbm>> -> memref<640x64xf32, #tpu.memory_space<hbm>>
      %dma_start3A_40 = arith.constant 0 : i32
      %dma_start3A_41 = tpu.memref_slice %arg9[%multiple_of3A_34, %dma_start3A_40] : memref<10240x64xf32, #tpu.memory_space<vmem_shared>> -> memref<640x64xf32, #tpu.memory_space<vmem_shared>>
      tpu.enqueue_dma source(%dma_start3A_41 : memref<640x64xf32, #tpu.memory_space<vmem_shared>>) target(%dma_start3A_39 : memref<640x64xf32, #tpu.memory_space<hbm>>) target_semaphore(%run_scoped3A : memref<!tpu.dma_semaphore, #tpu.memory_space<semaphore_mem>>)
      %dma_wait3A = arith.constant 0 : i32
      %dma_wait3A_42 = arith.constant 0 : i32
      %dma_wait3A_43 = tpu.memref_slice %arg5[%arg0, %dma_wait3A, %dma_wait3A_42] : memref<2x10240x64xf32, #tpu.memory_space<hbm>> -> memref<1x10240x64xf32, #tpu.memory_space<hbm>>
      %dma_wait3A_44 = tpu.memref_squeeze %dma_wait3A_43 : memref<1x10240x64xf32, #tpu.memory_space<hbm>> -> memref<10240x64xf32, #tpu.memory_space<hbm>>
      %dma_wait3A_45 = arith.constant 0 : i32
      %dma_wait3A_46 = tpu.memref_slice %dma_wait3A_44[%multiple_of3A_34, %dma_wait3A_45] : memref<10240x64xf32, #tpu.memory_space<hbm>> -> memref<640x64xf32, #tpu.memory_space<hbm>>
      %dma_wait3A_47 = arith.constant 0 : i32
      %dma_wait3A_48 = tpu.memref_slice %arg9[%multiple_of3A_34, %dma_wait3A_47] : memref<10240x64xf32, #tpu.memory_space<vmem_shared>> -> memref<640x64xf32, #tpu.memory_space<vmem_shared>>
      tpu.wait_dma2 semaphore(%run_scoped3A : memref<!tpu.dma_semaphore, #tpu.memory_space<semaphore_mem>>) src(%dma_wait3A_48 : memref<640x64xf32, #tpu.memory_space<vmem_shared>>) dst(%dma_wait3A_46 : memref<640x64xf32, #tpu.memory_space<hbm>>)
      tpu.yield
    }) : () -> ()
    return
  }
}

module attributes {stable_mosaic.version = 14 : i64} {
  func.func @_proj_body(%arg0: memref<10000x64xf32, #tpu.memory_space<vmem>>, %arg1: memref<16x64xf32, #tpu.memory_space<vmem>>, %arg2: memref<10000x1xi32, #tpu.memory_space<vmem>>, %arg3: memref<256x64xf32, #tpu.memory_space<vmem>>, %arg4: memref<1x64xf32, #tpu.memory_space<vmem>>, %arg5: memref<10000x64xf32, #tpu.memory_space<vmem>>, %arg6: memref<10000x64xf32, #tpu.memory_space<vmem>>) attributes {dimension_semantics = [], scalar_prefetch = 0 : i64, scratch_operands = 0 : i64, tpu.core_type = #tpu.core_type<tc>} {
    %get3A = arith.constant 0 : index
    %get3A_0 = arith.constant 0 : index
    %get3A_1 = vector.load %arg0[%get3A, %get3A_0] : memref<10000x64xf32, #tpu.memory_space<vmem>>, vector<10000x64xf32>
    %get3A_2 = arith.constant 0 : index
    %get3A_3 = arith.constant 0 : index
    %get3A_4 = vector.load %arg3[%get3A_2, %get3A_3] : memref<256x64xf32, #tpu.memory_space<vmem>>, vector<256x64xf32>
    %get3A_5 = arith.constant 0 : index
    %get3A_6 = arith.constant 0 : index
    %get3A_7 = vector.load %arg1[%get3A_5, %get3A_6] : memref<16x64xf32, #tpu.memory_space<vmem>>, vector<16x64xf32>
    %slice3A = vector.extract_strided_slice %get3A_4 {offsets = [192, 0], sizes = [64, 64], strides = [1, 1]} : vector<256x64xf32> to vector<64x64xf32>
    %dot_general3A = arith.constant dense<0.000000e+00> : vector<16x64xf32>
    %dot_general3A_8 = tpu.matmul %get3A_7, %slice3A, %dot_general3A {dimension_numbers = #tpu.dot_dimension_numbers<[1], [0], [0], [1], [0, 0, 1, 1], [], []>, transpose_lhs_hint = false} : vector<16x64xf32>, vector<64x64xf32>, vector<16x64xf32> -> vector<16x64xf32>
    %get3A_9 = arith.constant 0 : index
    %get3A_10 = arith.constant 0 : index
    %get3A_11 = vector.load %arg2[%get3A_9, %get3A_10] : memref<10000x1xi32, #tpu.memory_space<vmem>>, vector<10000x1xi32>
    %iota3A = tpu.iota {dimensions = array<i32: 1>} : vector<10000x16xi32>
    %eq3A = vector.broadcast %get3A_11 : vector<10000x1xi32> to vector<10000x16xi32>
    %eq3A_12 = arith.cmpi eq, %eq3A, %iota3A : vector<10000x16xi32>
    %convert_element_type3A = arith.extui %eq3A_12 : vector<10000x16xi1> to vector<10000x16xi32>
    %convert_element_type3A_13 = arith.sitofp %convert_element_type3A : vector<10000x16xi32> to vector<10000x16xf32>
    %dot_general3A_14 = arith.constant dense<0.000000e+00> : vector<10000x64xf32>
    %dot_general3A_15 = tpu.matmul %convert_element_type3A_13, %dot_general3A_8, %dot_general3A_14 {dimension_numbers = #tpu.dot_dimension_numbers<[1], [0], [0], [1], [0, 0, 1, 1], [], []>, transpose_lhs_hint = false} : vector<10000x16xf32>, vector<16x64xf32>, vector<10000x64xf32> -> vector<10000x64xf32>
    %slice3A_16 = vector.extract_strided_slice %get3A_4 {offsets = [0, 0], sizes = [64, 64], strides = [1, 1]} : vector<256x64xf32> to vector<64x64xf32>
    %dot_general3A_17 = arith.constant dense<0.000000e+00> : vector<10000x64xf32>
    %dot_general3A_18 = tpu.matmul %get3A_1, %slice3A_16, %dot_general3A_17 {dimension_numbers = #tpu.dot_dimension_numbers<[1], [0], [0], [1], [0, 0, 1, 1], [], []>, transpose_lhs_hint = false} : vector<10000x64xf32>, vector<64x64xf32>, vector<10000x64xf32> -> vector<10000x64xf32>
    %add3A = arith.addf %dot_general3A_18, %dot_general3A_15 : vector<10000x64xf32>
    %get3A_19 = arith.constant 0 : index
    %get3A_20 = arith.constant 0 : index
    %get3A_21 = vector.load %arg4[%get3A_19, %get3A_20] : memref<1x64xf32, #tpu.memory_space<vmem>>, vector<1x64xf32>
    %add3A_22 = vector.broadcast %get3A_21 : vector<1x64xf32> to vector<10000x64xf32>
    %add3A_23 = arith.addf %add3A, %add3A_22 : vector<10000x64xf32>
    %swap3A = arith.constant 0 : index
    %swap3A_24 = arith.constant 0 : index
    %swap3A_25 = vector.load %arg5[%swap3A, %swap3A_24] : memref<10000x64xf32, #tpu.memory_space<vmem>>, vector<10000x64xf32>
    tpu.vector_store %arg5[%swap3A, %swap3A_24], %add3A_23 {strides = array<i32>} : memref<10000x64xf32, #tpu.memory_space<vmem>>, vector<10000x64xf32>,
    %slice3A_26 = vector.extract_strided_slice %get3A_4 {offsets = [64, 0], sizes = [64, 64], strides = [1, 1]} : vector<256x64xf32> to vector<64x64xf32>
    %dot_general3A_27 = arith.constant dense<0.000000e+00> : vector<10000x64xf32>
    %dot_general3A_28 = tpu.matmul %get3A_1, %slice3A_26, %dot_general3A_27 {dimension_numbers = #tpu.dot_dimension_numbers<[1], [0], [0], [1], [0, 0, 1, 1], [], []>, transpose_lhs_hint = false} : vector<10000x64xf32>, vector<64x64xf32>, vector<10000x64xf32> -> vector<10000x64xf32>
    %swap3A_29 = arith.constant 0 : index
    %swap3A_30 = arith.constant 0 : index
    %swap3A_31 = vector.load %arg6[%swap3A_29, %swap3A_30] : memref<10000x64xf32, #tpu.memory_space<vmem>>, vector<10000x64xf32>
    tpu.vector_store %arg6[%swap3A_29, %swap3A_30], %dot_general3A_28 {strides = array<i32>} : memref<10000x64xf32, #tpu.memory_space<vmem>>, vector<10000x64xf32>,
    return
  }
}

module attributes {stable_mosaic.version = 14 : i64} {
  func.func @_edge1_body(%arg0: i32, %arg1: memref<1280x128xf32, #tpu.memory_space<vmem>>, %arg2: memref<1280x128xf32, #tpu.memory_space<vmem>>, %arg3: memref<64x64xf32, #tpu.memory_space<vmem>>, %arg4: memref<1280x128xf32, #tpu.memory_space<vmem>>, %arg5: memref<2x64xf32, #tpu.memory_space<vmem>>, %arg6: memref<8x64xf32, #tpu.memory_space<vmem>>) attributes {dimension_semantics = [#tpu.dimension_semantics<arbitrary>], iteration_bounds = array<i64: 125>, scalar_prefetch = 0 : i64, scratch_operands = 1 : i64, tpu.core_type = #tpu.core_type<tc>, window_params = [{transform_indices = @transform_0, window_bounds = array<i64: 1280, 128>}, {transform_indices = @transform_1, window_bounds = array<i64: 1280, 128>}, {pipeline_mode = #tpu.pipeline_mode<synchronous>, transform_indices = @transform_2, window_bounds = array<i64: 64, 64>}, {transform_indices = @transform_3, window_bounds = array<i64: 1280, 128>}, {pipeline_mode = #tpu.pipeline_mode<synchronous>, transform_indices = @transform_4, window_bounds = array<i64: 2, 64>}]} {
    %eq3A = arith.constant 0 : i32
    %eq3A_0 = arith.cmpi eq, %arg0, %eq3A : i32
    %convert_element_type3A = arith.extui %eq3A_0 : i1 to i32
    %cond3A = arith.constant 0 : i32
    %cond3A_1 = arith.cmpi ne, %convert_element_type3A, %cond3A : i32
    scf.if %cond3A_1 {
      %broadcast_in_dim3A_62 = arith.constant 0.000000e+00 : f32
      %broadcast_in_dim3A_63 = vector.broadcast %broadcast_in_dim3A_62 : f32 to vector<8x64xf32>
      %swap3A_64 = arith.constant 0 : index
      %swap3A_65 = arith.constant 0 : index
      %swap3A_66 = vector.load %arg6[%swap3A_64, %swap3A_65] : memref<8x64xf32, #tpu.memory_space<vmem>>, vector<8x64xf32>
      tpu.vector_store %arg6[%swap3A_64, %swap3A_65], %broadcast_in_dim3A_63 {strides = array<i32>} : memref<8x64xf32, #tpu.memory_space<vmem>>, vector<8x64xf32>,
    } else {
    }
    %get3A = arith.constant 0 : index
    %get3A_2 = arith.constant 0 : index
    %get3A_3 = vector.load %arg3[%get3A, %get3A_2] : memref<64x64xf32, #tpu.memory_space<vmem>>, vector<64x64xf32>
    %get3A_4 = arith.constant 0 : index
    %get3A_5 = arith.constant 0 : index
    %get3A_6 = vector.load %arg1[%get3A_4, %get3A_5] : memref<1280x128xf32, #tpu.memory_space<vmem>>, vector<1280x64xf32>
    %get3A_7 = arith.constant 0 : index
    %get3A_8 = arith.constant 0 : index
    %get3A_9 = vector.load %arg2[%get3A_7, %get3A_8] : memref<1280x128xf32, #tpu.memory_space<vmem>>, vector<1280x64xf32>
    %dot_general3A = arith.constant dense<0.000000e+00> : vector<1280x64xf32>
    %dot_general3A_10 = tpu.matmul %get3A_9, %get3A_3, %dot_general3A {dimension_numbers = #tpu.dot_dimension_numbers<[1], [0], [0], [1], [0, 0, 1, 1], [], []>, transpose_lhs_hint = false} : vector<1280x64xf32>, vector<64x64xf32>, vector<1280x64xf32> -> vector<1280x64xf32>
    %add3A = arith.addf %get3A_6, %dot_general3A_10 : vector<1280x64xf32>
    %max3A = arith.constant 0.000000e+00 : f32
    %max3A_11 = vector.broadcast %max3A : f32 to vector<1280x64xf32>
    %max3A_12 = arith.maximumf %add3A, %max3A_11 : vector<1280x64xf32>
    %swap3A = arith.constant 0 : index
    %swap3A_13 = arith.constant 0 : index
    %swap3A_14 = vector.load %arg4[%swap3A, %swap3A_13] : memref<1280x128xf32, #tpu.memory_space<vmem>>, vector<1280x64xf32>
    tpu.vector_store %arg4[%swap3A, %swap3A_13], %max3A_12 {strides = array<i32>} : memref<1280x128xf32, #tpu.memory_space<vmem>>, vector<1280x64xf32>,
    %get3A_15 = arith.constant 0 : index
    %get3A_16 = arith.constant 64 : index
    %get3A_17 = vector.load %arg1[%get3A_15, %get3A_16] : memref<1280x128xf32, #tpu.memory_space<vmem>>, vector<1280x64xf32>
    %get3A_18 = arith.constant 0 : index
    %get3A_19 = arith.constant 64 : index
    %get3A_20 = vector.load %arg2[%get3A_18, %get3A_19] : memref<1280x128xf32, #tpu.memory_space<vmem>>, vector<1280x64xf32>
    %dot_general3A_21 = arith.constant dense<0.000000e+00> : vector<1280x64xf32>
    %dot_general3A_22 = tpu.matmul %get3A_20, %get3A_3, %dot_general3A_21 {dimension_numbers = #tpu.dot_dimension_numbers<[1], [0], [0], [1], [0, 0, 1, 1], [], []>, transpose_lhs_hint = false} : vector<1280x64xf32>, vector<64x64xf32>, vector<1280x64xf32> -> vector<1280x64xf32>
    %add3A_23 = arith.addf %get3A_17, %dot_general3A_22 : vector<1280x64xf32>
    %max3A_24 = arith.constant 0.000000e+00 : f32
    %max3A_25 = vector.broadcast %max3A_24 : f32 to vector<1280x64xf32>
    %max3A_26 = arith.maximumf %add3A_23, %max3A_25 : vector<1280x64xf32>
    %swap3A_27 = arith.constant 0 : index
    %swap3A_28 = arith.constant 64 : index
    %swap3A_29 = vector.load %arg4[%swap3A_27, %swap3A_28] : memref<1280x128xf32, #tpu.memory_space<vmem>>, vector<1280x64xf32>
    tpu.vector_store %arg4[%swap3A_27, %swap3A_28], %max3A_26 {strides = array<i32>} : memref<1280x128xf32, #tpu.memory_space<vmem>>, vector<1280x64xf32>,
    %get3A_30 = arith.constant 0 : index
    %get3A_31 = arith.constant 0 : index
    %get3A_32 = vector.load %arg6[%get3A_30, %get3A_31] : memref<8x64xf32, #tpu.memory_space<vmem>>, vector<1x64xf32>
    %reduce_sum3A = arith.constant dense<0.000000e+00> : vector<64xf32>
    %reduce_sum3A_33 = vector.multi_reduction <add>, %max3A_12, %reduce_sum3A [0] : vector<1280x64xf32> to vector<64xf32>
    %broadcast_in_dim3A = vector.shape_cast %reduce_sum3A_33 : vector<64xf32> to vector<1x64xf32>
    %reduce_sum3A_34 = arith.constant dense<0.000000e+00> : vector<64xf32>
    %reduce_sum3A_35 = vector.multi_reduction <add>, %max3A_26, %reduce_sum3A_34 [0] : vector<1280x64xf32> to vector<64xf32>
    %broadcast_in_dim3A_36 = vector.shape_cast %reduce_sum3A_35 : vector<64xf32> to vector<1x64xf32>
    %add3A_37 = arith.addf %broadcast_in_dim3A, %broadcast_in_dim3A_36 : vector<1x64xf32>
    %add3A_38 = arith.addf %get3A_32, %add3A_37 : vector<1x64xf32>
    %swap3A_39 = arith.constant 0 : index
    %swap3A_40 = arith.constant 0 : index
    %swap3A_41 = vector.load %arg6[%swap3A_39, %swap3A_40] : memref<8x64xf32, #tpu.memory_space<vmem>>, vector<1x64xf32>
    tpu.vector_store %arg6[%swap3A_39, %swap3A_40], %add3A_38 {strides = array<i32>} : memref<8x64xf32, #tpu.memory_space<vmem>>, vector<1x64xf32>,
    %get3A_42 = arith.constant 1 : index
    %get3A_43 = arith.constant 0 : index
    %get3A_44 = vector.load %arg6[%get3A_42, %get3A_43] : memref<8x64xf32, #tpu.memory_space<vmem>>, vector<1x64xf32>
    %mul3A = arith.mulf %max3A_12, %max3A_12 : vector<1280x64xf32>
    %reduce_sum3A_45 = arith.constant dense<0.000000e+00> : vector<64xf32>
    %reduce_sum3A_46 = vector.multi_reduction <add>, %mul3A, %reduce_sum3A_45 [0] : vector<1280x64xf32> to vector<64xf32>
    %broadcast_in_dim3A_47 = vector.shape_cast %reduce_sum3A_46 : vector<64xf32> to vector<1x64xf32>
    %mul3A_48 = arith.mulf %max3A_26, %max3A_26 : vector<1280x64xf32>
    %reduce_sum3A_49 = arith.constant dense<0.000000e+00> : vector<64xf32>
    %reduce_sum3A_50 = vector.multi_reduction <add>, %mul3A_48, %reduce_sum3A_49 [0] : vector<1280x64xf32> to vector<64xf32>
    %broadcast_in_dim3A_51 = vector.shape_cast %reduce_sum3A_50 : vector<64xf32> to vector<1x64xf32>
    %add3A_52 = arith.addf %broadcast_in_dim3A_47, %broadcast_in_dim3A_51 : vector<1x64xf32>
    %add3A_53 = arith.addf %get3A_44, %add3A_52 : vector<1x64xf32>
    %swap3A_54 = arith.constant 1 : index
    %swap3A_55 = arith.constant 0 : index
    %swap3A_56 = vector.load %arg6[%swap3A_54, %swap3A_55] : memref<8x64xf32, #tpu.memory_space<vmem>>, vector<1x64xf32>
    tpu.vector_store %arg6[%swap3A_54, %swap3A_55], %add3A_53 {strides = array<i32>} : memref<8x64xf32, #tpu.memory_space<vmem>>, vector<1x64xf32>,
    %eq3A_57 = arith.constant 124 : i32
    %eq3A_58 = arith.cmpi eq, %arg0, %eq3A_57 : i32
    %convert_element_type3A_59 = arith.extui %eq3A_58 : i1 to i32
    %cond3A_60 = arith.constant 0 : i32
    %cond3A_61 = arith.cmpi ne, %convert_element_type3A_59, %cond3A_60 : i32
    scf.if %cond3A_61 {
      %get3A_62 = arith.constant 0 : index
      %get3A_63 = arith.constant 0 : index
      %get3A_64 = vector.load %arg6[%get3A_62, %get3A_63] : memref<8x64xf32, #tpu.memory_space<vmem>>, vector<2x64xf32>
      %swap3A_65 = arith.constant 0 : index
      %swap3A_66 = arith.constant 0 : index
      %swap3A_67 = vector.load %arg5[%swap3A_65, %swap3A_66] : memref<2x64xf32, #tpu.memory_space<vmem>>, vector<2x64xf32>
      tpu.vector_store %arg5[%swap3A_65, %swap3A_66], %get3A_64 {strides = array<i32>} : memref<2x64xf32, #tpu.memory_space<vmem>>, vector<2x64xf32>,
    } else {
    }
    return
  }
  func.func @transform_0(%arg0: i32) -> (i32, i32) {
    %c0_i32 = arith.constant 0 : i32
    %c0_i32_0 = arith.constant 0 : i32
    return %arg0, %c0_i32 : i32, i32
  }
  func.func @transform_1(%arg0: i32) -> (i32, i32) {
    %c0_i32 = arith.constant 0 : i32
    %c0_i32_0 = arith.constant 0 : i32
    return %arg0, %c0_i32 : i32, i32
  }
  func.func @transform_2(%arg0: i32) -> (i32, i32) {
    %c0_i32 = arith.constant 0 : i32
    %c0_i32_0 = arith.constant 0 : i32
    %c0_i32_1 = arith.constant 0 : i32
    return %c0_i32, %c0_i32_0 : i32, i32
  }
  func.func @transform_3(%arg0: i32) -> (i32, i32) {
    %c0_i32 = arith.constant 0 : i32
    %c0_i32_0 = arith.constant 0 : i32
    return %arg0, %c0_i32 : i32, i32
  }
  func.func @transform_4(%arg0: i32) -> (i32, i32) {
    %c0_i32 = arith.constant 0 : i32
    %c0_i32_0 = arith.constant 0 : i32
    %c0_i32_1 = arith.constant 0 : i32
    return %c0_i32, %c0_i32_0 : i32, i32
  }
}

module attributes {stable_mosaic.version = 14 : i64} {
  func.func @_edge23_body(%arg0: i32, %arg1: memref<1280x128xf32, #tpu.memory_space<vmem>>, %arg2: memref<2x64xf32, #tpu.memory_space<vmem>>, %arg3: memref<64x64xf32, #tpu.memory_space<vmem>>, %arg4: memref<1x64xf32, #tpu.memory_space<vmem>>, %arg5: memref<1x64xf32, #tpu.memory_space<vmem>>, %arg6: memref<1x64xf32, #tpu.memory_space<vmem>>, %arg7: memref<1x64xf32, #tpu.memory_space<vmem>>, %arg8: memref<1x64xf32, #tpu.memory_space<vmem>>, %arg9: memref<1280x128xf32, #tpu.memory_space<vmem>>, %arg10: memref<2x64xf32, #tpu.memory_space<vmem>>, %arg11: memref<2x64xf32, #tpu.memory_space<vmem>>, %arg12: memref<8x64xf32, #tpu.memory_space<vmem>>) attributes {dimension_semantics = [#tpu.dimension_semantics<arbitrary>], iteration_bounds = array<i64: 125>, scalar_prefetch = 0 : i64, scratch_operands = 1 : i64, tpu.core_type = #tpu.core_type<tc>, window_params = [{transform_indices = @transform_0, window_bounds = array<i64: 1280, 128>}, {pipeline_mode = #tpu.pipeline_mode<synchronous>, transform_indices = @transform_1, window_bounds = array<i64: 2, 64>}, {pipeline_mode = #tpu.pipeline_mode<synchronous>, transform_indices = @transform_2, window_bounds = array<i64: 64, 64>}, {pipeline_mode = #tpu.pipeline_mode<synchronous>, transform_indices = @transform_3, window_bounds = array<i64: 1, 64>}, {pipeline_mode = #tpu.pipeline_mode<synchronous>, transform_indices = @transform_4, window_bounds = array<i64: 1, 64>}, {pipeline_mode = #tpu.pipeline_mode<synchronous>, transform_indices = @transform_5, window_bounds = array<i64: 1, 64>}, {pipeline_mode = #tpu.pipeline_mode<synchronous>, transform_indices = @transform_6, window_bounds = array<i64: 1, 64>}, {pipeline_mode = #tpu.pipeline_mode<synchronous>, transform_indices = @transform_7, window_bounds = array<i64: 1, 64>}, {transform_indices = @transform_8, window_bounds = array<i64: 1280, 128>}, {pipeline_mode = #tpu.pipeline_mode<synchronous>, transform_indices = @transform_9, window_bounds = array<i64: 2, 64>}, {pipeline_mode = #tpu.pipeline_mode<synchronous>, transform_indices = @transform_10, window_bounds = array<i64: 2, 64>}]} {
    %eq3A = arith.constant 0 : i32
    %eq3A_0 = arith.cmpi eq, %arg0, %eq3A : i32
    %convert_element_type3A = arith.extui %eq3A_0 : i1 to i32
    %cond3A = arith.constant 0 : i32
    %cond3A_1 = arith.cmpi ne, %convert_element_type3A, %cond3A : i32
    scf.if %cond3A_1 {
      %broadcast_in_dim3A_96 = arith.constant 0.000000e+00 : f32
      %broadcast_in_dim3A_97 = vector.broadcast %broadcast_in_dim3A_96 : f32 to vector<8x64xf32>
      %swap3A_98 = arith.constant 0 : index
      %swap3A_99 = arith.constant 0 : index
      %swap3A_100 = vector.load %arg12[%swap3A_98, %swap3A_99] : memref<8x64xf32, #tpu.memory_space<vmem>>, vector<8x64xf32>
      tpu.vector_store %arg12[%swap3A_98, %swap3A_99], %broadcast_in_dim3A_97 {strides = array<i32>} : memref<8x64xf32, #tpu.memory_space<vmem>>, vector<8x64xf32>,
    } else {
    }
    %get3A = arith.constant 0 : index
    %get3A_2 = arith.constant 0 : index
    %get3A_3 = vector.load %arg2[%get3A, %get3A_2] : memref<2x64xf32, #tpu.memory_space<vmem>>, vector<1x64xf32>
    %mul3A = arith.constant 3.125000e-06 : f32
    %mul3A_4 = vector.broadcast %mul3A : f32 to vector<1x64xf32>
    %mul3A_5 = arith.mulf %get3A_3, %mul3A_4 : vector<1x64xf32>
    %get3A_6 = arith.constant 1 : index
    %get3A_7 = arith.constant 0 : index
    %get3A_8 = vector.load %arg2[%get3A_6, %get3A_7] : memref<2x64xf32, #tpu.memory_space<vmem>>, vector<1x64xf32>
    %mul3A_9 = arith.constant 3.125000e-06 : f32
    %mul3A_10 = vector.broadcast %mul3A_9 : f32 to vector<1x64xf32>
    %mul3A_11 = arith.mulf %get3A_8, %mul3A_10 : vector<1x64xf32>
    %mul3A_12 = arith.mulf %mul3A_5, %mul3A_5 : vector<1x64xf32>
    %sub3A = arith.subf %mul3A_11, %mul3A_12 : vector<1x64xf32>
    %get3A_13 = arith.constant 0 : index
    %get3A_14 = arith.constant 0 : index
    %get3A_15 = vector.load %arg5[%get3A_13, %get3A_14] : memref<1x64xf32, #tpu.memory_space<vmem>>, vector<1x64xf32>
    %add3A = arith.constant 9.99999974E-6 : f32
    %add3A_16 = vector.broadcast %add3A : f32 to vector<1x64xf32>
    %add3A_17 = arith.addf %sub3A, %add3A_16 : vector<1x64xf32>
    %rsqrt3A = math.rsqrt %add3A_17 : vector<1x64xf32>
    %mul3A_18 = arith.mulf %get3A_15, %rsqrt3A : vector<1x64xf32>
    %get3A_19 = arith.constant 0 : index
    %get3A_20 = arith.constant 0 : index
    %get3A_21 = vector.load %arg6[%get3A_19, %get3A_20] : memref<1x64xf32, #tpu.memory_space<vmem>>, vector<1x64xf32>
    %get3A_22 = arith.constant 0 : index
    %get3A_23 = arith.constant 0 : index
    %get3A_24 = vector.load %arg3[%get3A_22, %get3A_23] : memref<64x64xf32, #tpu.memory_space<vmem>>, vector<64x64xf32>
    %get3A_25 = arith.constant 0 : index
    %get3A_26 = arith.constant 0 : index
    %get3A_27 = vector.load %arg4[%get3A_25, %get3A_26] : memref<1x64xf32, #tpu.memory_space<vmem>>, vector<1x64xf32>
    %get3A_28 = arith.constant 0 : index
    %get3A_29 = arith.constant 0 : index
    %get3A_30 = vector.load %arg1[%get3A_28, %get3A_29] : memref<1280x128xf32, #tpu.memory_space<vmem>>, vector<1280x64xf32>
    %sub3A_31 = vector.broadcast %mul3A_5 : vector<1x64xf32> to vector<1280x64xf32>
    %sub3A_32 = arith.subf %get3A_30, %sub3A_31 : vector<1280x64xf32>
    %mul3A_33 = vector.broadcast %mul3A_18 : vector<1x64xf32> to vector<1280x64xf32>
    %mul3A_34 = arith.mulf %sub3A_32, %mul3A_33 : vector<1280x64xf32>
    %add3A_35 = vector.broadcast %get3A_21 : vector<1x64xf32> to vector<1280x64xf32>
    %add3A_36 = arith.addf %mul3A_34, %add3A_35 : vector<1280x64xf32>
    %dot_general3A = arith.constant dense<0.000000e+00> : vector<1280x64xf32>
    %dot_general3A_37 = tpu.matmul %add3A_36, %get3A_24, %dot_general3A {dimension_numbers = #tpu.dot_dimension_numbers<[1], [0], [0], [1], [0, 0, 1, 1], [], []>, transpose_lhs_hint = false} : vector<1280x64xf32>, vector<64x64xf32>, vector<1280x64xf32> -> vector<1280x64xf32>
    %add3A_38 = vector.broadcast %get3A_27 : vector<1x64xf32> to vector<1280x64xf32>
    %add3A_39 = arith.addf %dot_general3A_37, %add3A_38 : vector<1280x64xf32>
    %max3A = arith.constant 0.000000e+00 : f32
    %max3A_40 = vector.broadcast %max3A : f32 to vector<1280x64xf32>
    %max3A_41 = arith.maximumf %add3A_39, %max3A_40 : vector<1280x64xf32>
    %swap3A = arith.constant 0 : index
    %swap3A_42 = arith.constant 0 : index
    %swap3A_43 = vector.load %arg9[%swap3A, %swap3A_42] : memref<1280x128xf32, #tpu.memory_space<vmem>>, vector<1280x64xf32>
    tpu.vector_store %arg9[%swap3A, %swap3A_42], %max3A_41 {strides = array<i32>} : memref<1280x128xf32, #tpu.memory_space<vmem>>, vector<1280x64xf32>,
    %get3A_44 = arith.constant 0 : index
    %get3A_45 = arith.constant 64 : index
    %get3A_46 = vector.load %arg1[%get3A_44, %get3A_45] : memref<1280x128xf32, #tpu.memory_space<vmem>>, vector<1280x64xf32>
    %sub3A_47 = vector.broadcast %mul3A_5 : vector<1x64xf32> to vector<1280x64xf32>
    %sub3A_48 = arith.subf %get3A_46, %sub3A_47 : vector<1280x64xf32>
    %mul3A_49 = vector.broadcast %mul3A_18 : vector<1x64xf32> to vector<1280x64xf32>
    %mul3A_50 = arith.mulf %sub3A_48, %mul3A_49 : vector<1280x64xf32>
    %add3A_51 = vector.broadcast %get3A_21 : vector<1x64xf32> to vector<1280x64xf32>
    %add3A_52 = arith.addf %mul3A_50, %add3A_51 : vector<1280x64xf32>
    %dot_general3A_53 = arith.constant dense<0.000000e+00> : vector<1280x64xf32>
    %dot_general3A_54 = tpu.matmul %add3A_52, %get3A_24, %dot_general3A_53 {dimension_numbers = #tpu.dot_dimension_numbers<[1], [0], [0], [1], [0, 0, 1, 1], [], []>, transpose_lhs_hint = false} : vector<1280x64xf32>, vector<64x64xf32>, vector<1280x64xf32> -> vector<1280x64xf32>
    %add3A_55 = vector.broadcast %get3A_27 : vector<1x64xf32> to vector<1280x64xf32>
    %add3A_56 = arith.addf %dot_general3A_54, %add3A_55 : vector<1280x64xf32>
    %max3A_57 = arith.constant 0.000000e+00 : f32
    %max3A_58 = vector.broadcast %max3A_57 : f32 to vector<1280x64xf32>
    %max3A_59 = arith.maximumf %add3A_56, %max3A_58 : vector<1280x64xf32>
    %swap3A_60 = arith.constant 0 : index
    %swap3A_61 = arith.constant 64 : index
    %swap3A_62 = vector.load %arg9[%swap3A_60, %swap3A_61] : memref<1280x128xf32, #tpu.memory_space<vmem>>, vector<1280x64xf32>
    tpu.vector_store %arg9[%swap3A_60, %swap3A_61], %max3A_59 {strides = array<i32>} : memref<1280x128xf32, #tpu.memory_space<vmem>>, vector<1280x64xf32>,
    %get3A_63 = arith.constant 0 : index
    %get3A_64 = arith.constant 0 : index
    %get3A_65 = vector.load %arg12[%get3A_63, %get3A_64] : memref<8x64xf32, #tpu.memory_space<vmem>>, vector<1x64xf32>
    %reduce_sum3A = arith.constant dense<0.000000e+00> : vector<64xf32>
    %reduce_sum3A_66 = vector.multi_reduction <add>, %max3A_41, %reduce_sum3A [0] : vector<1280x64xf32> to vector<64xf32>
    %broadcast_in_dim3A = vector.shape_cast %reduce_sum3A_66 : vector<64xf32> to vector<1x64xf32>
    %reduce_sum3A_67 = arith.constant dense<0.000000e+00> : vector<64xf32>
    %reduce_sum3A_68 = vector.multi_reduction <add>, %max3A_59, %reduce_sum3A_67 [0] : vector<1280x64xf32> to vector<64xf32>
    %broadcast_in_dim3A_69 = vector.shape_cast %reduce_sum3A_68 : vector<64xf32> to vector<1x64xf32>
    %add3A_70 = arith.addf %broadcast_in_dim3A, %broadcast_in_dim3A_69 : vector<1x64xf32>
    %add3A_71 = arith.addf %get3A_65, %add3A_70 : vector<1x64xf32>
    %swap3A_72 = arith.constant 0 : index
    %swap3A_73 = arith.constant 0 : index
    %swap3A_74 = vector.load %arg12[%swap3A_72, %swap3A_73] : memref<8x64xf32, #tpu.memory_space<vmem>>, vector<1x64xf32>
    tpu.vector_store %arg12[%swap3A_72, %swap3A_73], %add3A_71 {strides = array<i32>} : memref<8x64xf32, #tpu.memory_space<vmem>>, vector<1x64xf32>,
    %get3A_75 = arith.constant 1 : index
    %get3A_76 = arith.constant 0 : index
    %get3A_77 = vector.load %arg12[%get3A_75, %get3A_76] : memref<8x64xf32, #tpu.memory_space<vmem>>, vector<1x64xf32>
    %mul3A_78 = arith.mulf %max3A_41, %max3A_41 : vector<1280x64xf32>
    %reduce_sum3A_79 = arith.constant dense<0.000000e+00> : vector<64xf32>
    %reduce_sum3A_80 = vector.multi_reduction <add>, %mul3A_78, %reduce_sum3A_79 [0] : vector<1280x64xf32> to vector<64xf32>
    %broadcast_in_dim3A_81 = vector.shape_cast %reduce_sum3A_80 : vector<64xf32> to vector<1x64xf32>
    %mul3A_82 = arith.mulf %max3A_59, %max3A_59 : vector<1280x64xf32>
    %reduce_sum3A_83 = arith.constant dense<0.000000e+00> : vector<64xf32>
    %reduce_sum3A_84 = vector.multi_reduction <add>, %mul3A_82, %reduce_sum3A_83 [0] : vector<1280x64xf32> to vector<64xf32>
    %broadcast_in_dim3A_85 = vector.shape_cast %reduce_sum3A_84 : vector<64xf32> to vector<1x64xf32>
    %add3A_86 = arith.addf %broadcast_in_dim3A_81, %broadcast_in_dim3A_85 : vector<1x64xf32>
    %add3A_87 = arith.addf %get3A_77, %add3A_86 : vector<1x64xf32>
    %swap3A_88 = arith.constant 1 : index
    %swap3A_89 = arith.constant 0 : index
    %swap3A_90 = vector.load %arg12[%swap3A_88, %swap3A_89] : memref<8x64xf32, #tpu.memory_space<vmem>>, vector<1x64xf32>
    tpu.vector_store %arg12[%swap3A_88, %swap3A_89], %add3A_87 {strides = array<i32>} : memref<8x64xf32, #tpu.memory_space<vmem>>, vector<1x64xf32>,
    %eq3A_91 = arith.constant 124 : i32
    %eq3A_92 = arith.cmpi eq, %arg0, %eq3A_91 : i32
    %convert_element_type3A_93 = arith.extui %eq3A_92 : i1 to i32
    %cond3A_94 = arith.constant 0 : i32
    %cond3A_95 = arith.cmpi ne, %convert_element_type3A_93, %cond3A_94 : i32
    scf.if %cond3A_95 {
      %get3A_96 = arith.constant 0 : index
      %get3A_97 = arith.constant 0 : index
      %get3A_98 = vector.load %arg12[%get3A_96, %get3A_97] : memref<8x64xf32, #tpu.memory_space<vmem>>, vector<2x64xf32>
      %swap3A_99 = arith.constant 0 : index
      %swap3A_100 = arith.constant 0 : index
      %swap3A_101 = vector.load %arg10[%swap3A_99, %swap3A_100] : memref<2x64xf32, #tpu.memory_space<vmem>>, vector<2x64xf32>
      tpu.vector_store %arg10[%swap3A_99, %swap3A_100], %get3A_98 {strides = array<i32>} : memref<2x64xf32, #tpu.memory_space<vmem>>, vector<2x64xf32>,
      %broadcast_in_dim3A_102 = arith.constant 0.000000e+00 : f32
      %broadcast_in_dim3A_103 = vector.broadcast %broadcast_in_dim3A_102 : f32 to vector<2x64xf32>
      %swap3A_104 = arith.constant 0 : index
      %swap3A_105 = arith.constant 0 : index
      %swap3A_106 = vector.load %arg11[%swap3A_104, %swap3A_105] : memref<2x64xf32, #tpu.memory_space<vmem>>, vector<2x64xf32>
      tpu.vector_store %arg11[%swap3A_104, %swap3A_105], %broadcast_in_dim3A_103 {strides = array<i32>} : memref<2x64xf32, #tpu.memory_space<vmem>>, vector<2x64xf32>,
    } else {
    }
    return
  }
  func.func @transform_0(%arg0: i32) -> (i32, i32) {
    %c0_i32 = arith.constant 0 : i32
    %c0_i32_0 = arith.constant 0 : i32
    return %arg0, %c0_i32 : i32, i32
  }
  func.func @transform_1(%arg0: i32) -> (i32, i32) {
    %c0_i32 = arith.constant 0 : i32
    %c0_i32_0 = arith.constant 0 : i32
    %c0_i32_1 = arith.constant 0 : i32
    return %c0_i32, %c0_i32_0 : i32, i32
  }
  func.func @transform_2(%arg0: i32) -> (i32, i32) {
    %c0_i32 = arith.constant 0 : i32
    %c0_i32_0 = arith.constant 0 : i32
    %c0_i32_1 = arith.constant 0 : i32
    return %c0_i32, %c0_i32_0 : i32, i32
  }
  func.func @transform_3(%arg0: i32) -> (i32, i32) {
    %c0_i32 = arith.constant 0 : i32
    %c0_i32_0 = arith.constant 0 : i32
    %c0_i32_1 = arith.constant 0 : i32
    return %c0_i32, %c0_i32_0 : i32, i32
  }
  func.func @transform_4(%arg0: i32) -> (i32, i32) {
    %c0_i32 = arith.constant 0 : i32
    %c0_i32_0 = arith.constant 0 : i32
    %c0_i32_1 = arith.constant 0 : i32
    return %c0_i32, %c0_i32_0 : i32, i32
  }
  func.func @transform_5(%arg0: i32) -> (i32, i32) {
    %c0_i32 = arith.constant 0 : i32
    %c0_i32_0 = arith.constant 0 : i32
    %c0_i32_1 = arith.constant 0 : i32
    return %c0_i32, %c0_i32_0 : i32, i32
  }
  func.func @transform_6(%arg0: i32) -> (i32, i32) {
    %c0_i32 = arith.constant 0 : i32
    %c0_i32_0 = arith.constant 0 : i32
    %c0_i32_1 = arith.constant 0 : i32
    return %c0_i32, %c0_i32_0 : i32, i32
  }
  func.func @transform_7(%arg0: i32) -> (i32, i32) {
    %c0_i32 = arith.constant 0 : i32
    %c0_i32_0 = arith.constant 0 : i32
    %c0_i32_1 = arith.constant 0 : i32
    return %c0_i32, %c0_i32_0 : i32, i32
  }
  func.func @transform_8(%arg0: i32) -> (i32, i32) {
    %c0_i32 = arith.constant 0 : i32
    %c0_i32_0 = arith.constant 0 : i32
    return %arg0, %c0_i32 : i32, i32
  }
  func.func @transform_9(%arg0: i32) -> (i32, i32) {
    %c0_i32 = arith.constant 0 : i32
    %c0_i32_0 = arith.constant 0 : i32
    %c0_i32_1 = arith.constant 0 : i32
    return %c0_i32, %c0_i32_0 : i32, i32
  }
  func.func @transform_10(%arg0: i32) -> (i32, i32) {
    %c0_i32 = arith.constant 0 : i32
    %c0_i32_0 = arith.constant 0 : i32
    %c0_i32_1 = arith.constant 0 : i32
    return %c0_i32, %c0_i32_0 : i32, i32
  }
}

module attributes {stable_mosaic.version = 14 : i64} {
  func.func @_edge23_body(%arg0: i32, %arg1: memref<1280x128xf32, #tpu.memory_space<vmem>>, %arg2: memref<2x64xf32, #tpu.memory_space<vmem>>, %arg3: memref<64x64xf32, #tpu.memory_space<vmem>>, %arg4: memref<1x64xf32, #tpu.memory_space<vmem>>, %arg5: memref<1x64xf32, #tpu.memory_space<vmem>>, %arg6: memref<1x64xf32, #tpu.memory_space<vmem>>, %arg7: memref<1x64xf32, #tpu.memory_space<vmem>>, %arg8: memref<1x64xf32, #tpu.memory_space<vmem>>, %arg9: memref<1280x128xf32, #tpu.memory_space<vmem>>, %arg10: memref<2x64xf32, #tpu.memory_space<vmem>>, %arg11: memref<2x64xf32, #tpu.memory_space<vmem>>, %arg12: memref<8x64xf32, #tpu.memory_space<vmem>>) attributes {dimension_semantics = [#tpu.dimension_semantics<arbitrary>], iteration_bounds = array<i64: 125>, scalar_prefetch = 0 : i64, scratch_operands = 1 : i64, tpu.core_type = #tpu.core_type<tc>, window_params = [{transform_indices = @transform_0, window_bounds = array<i64: 1280, 128>}, {pipeline_mode = #tpu.pipeline_mode<synchronous>, transform_indices = @transform_1, window_bounds = array<i64: 2, 64>}, {pipeline_mode = #tpu.pipeline_mode<synchronous>, transform_indices = @transform_2, window_bounds = array<i64: 64, 64>}, {pipeline_mode = #tpu.pipeline_mode<synchronous>, transform_indices = @transform_3, window_bounds = array<i64: 1, 64>}, {pipeline_mode = #tpu.pipeline_mode<synchronous>, transform_indices = @transform_4, window_bounds = array<i64: 1, 64>}, {pipeline_mode = #tpu.pipeline_mode<synchronous>, transform_indices = @transform_5, window_bounds = array<i64: 1, 64>}, {pipeline_mode = #tpu.pipeline_mode<synchronous>, transform_indices = @transform_6, window_bounds = array<i64: 1, 64>}, {pipeline_mode = #tpu.pipeline_mode<synchronous>, transform_indices = @transform_7, window_bounds = array<i64: 1, 64>}, {transform_indices = @transform_8, window_bounds = array<i64: 1280, 128>}, {pipeline_mode = #tpu.pipeline_mode<synchronous>, transform_indices = @transform_9, window_bounds = array<i64: 2, 64>}, {pipeline_mode = #tpu.pipeline_mode<synchronous>, transform_indices = @transform_10, window_bounds = array<i64: 2, 64>}]} {
    %eq3A = arith.constant 0 : i32
    %eq3A_0 = arith.cmpi eq, %arg0, %eq3A : i32
    %convert_element_type3A = arith.extui %eq3A_0 : i1 to i32
    %cond3A = arith.constant 0 : i32
    %cond3A_1 = arith.cmpi ne, %convert_element_type3A, %cond3A : i32
    scf.if %cond3A_1 {
      %broadcast_in_dim3A_96 = arith.constant 0.000000e+00 : f32
      %broadcast_in_dim3A_97 = vector.broadcast %broadcast_in_dim3A_96 : f32 to vector<8x64xf32>
      %swap3A_98 = arith.constant 0 : index
      %swap3A_99 = arith.constant 0 : index
      %swap3A_100 = vector.load %arg12[%swap3A_98, %swap3A_99] : memref<8x64xf32, #tpu.memory_space<vmem>>, vector<8x64xf32>
      tpu.vector_store %arg12[%swap3A_98, %swap3A_99], %broadcast_in_dim3A_97 {strides = array<i32>} : memref<8x64xf32, #tpu.memory_space<vmem>>, vector<8x64xf32>,
    } else {
    }
    %get3A = arith.constant 0 : index
    %get3A_2 = arith.constant 0 : index
    %get3A_3 = vector.load %arg2[%get3A, %get3A_2] : memref<2x64xf32, #tpu.memory_space<vmem>>, vector<1x64xf32>
    %mul3A = arith.constant 3.125000e-06 : f32
    %mul3A_4 = vector.broadcast %mul3A : f32 to vector<1x64xf32>
    %mul3A_5 = arith.mulf %get3A_3, %mul3A_4 : vector<1x64xf32>
    %get3A_6 = arith.constant 1 : index
    %get3A_7 = arith.constant 0 : index
    %get3A_8 = vector.load %arg2[%get3A_6, %get3A_7] : memref<2x64xf32, #tpu.memory_space<vmem>>, vector<1x64xf32>
    %mul3A_9 = arith.constant 3.125000e-06 : f32
    %mul3A_10 = vector.broadcast %mul3A_9 : f32 to vector<1x64xf32>
    %mul3A_11 = arith.mulf %get3A_8, %mul3A_10 : vector<1x64xf32>
    %mul3A_12 = arith.mulf %mul3A_5, %mul3A_5 : vector<1x64xf32>
    %sub3A = arith.subf %mul3A_11, %mul3A_12 : vector<1x64xf32>
    %get3A_13 = arith.constant 0 : index
    %get3A_14 = arith.constant 0 : index
    %get3A_15 = vector.load %arg5[%get3A_13, %get3A_14] : memref<1x64xf32, #tpu.memory_space<vmem>>, vector<1x64xf32>
    %add3A = arith.constant 9.99999974E-6 : f32
    %add3A_16 = vector.broadcast %add3A : f32 to vector<1x64xf32>
    %add3A_17 = arith.addf %sub3A, %add3A_16 : vector<1x64xf32>
    %rsqrt3A = math.rsqrt %add3A_17 : vector<1x64xf32>
    %mul3A_18 = arith.mulf %get3A_15, %rsqrt3A : vector<1x64xf32>
    %get3A_19 = arith.constant 0 : index
    %get3A_20 = arith.constant 0 : index
    %get3A_21 = vector.load %arg6[%get3A_19, %get3A_20] : memref<1x64xf32, #tpu.memory_space<vmem>>, vector<1x64xf32>
    %get3A_22 = arith.constant 0 : index
    %get3A_23 = arith.constant 0 : index
    %get3A_24 = vector.load %arg3[%get3A_22, %get3A_23] : memref<64x64xf32, #tpu.memory_space<vmem>>, vector<64x64xf32>
    %get3A_25 = arith.constant 0 : index
    %get3A_26 = arith.constant 0 : index
    %get3A_27 = vector.load %arg4[%get3A_25, %get3A_26] : memref<1x64xf32, #tpu.memory_space<vmem>>, vector<1x64xf32>
    %get3A_28 = arith.constant 0 : index
    %get3A_29 = arith.constant 0 : index
    %get3A_30 = vector.load %arg1[%get3A_28, %get3A_29] : memref<1280x128xf32, #tpu.memory_space<vmem>>, vector<1280x64xf32>
    %sub3A_31 = vector.broadcast %mul3A_5 : vector<1x64xf32> to vector<1280x64xf32>
    %sub3A_32 = arith.subf %get3A_30, %sub3A_31 : vector<1280x64xf32>
    %mul3A_33 = vector.broadcast %mul3A_18 : vector<1x64xf32> to vector<1280x64xf32>
    %mul3A_34 = arith.mulf %sub3A_32, %mul3A_33 : vector<1280x64xf32>
    %add3A_35 = vector.broadcast %get3A_21 : vector<1x64xf32> to vector<1280x64xf32>
    %add3A_36 = arith.addf %mul3A_34, %add3A_35 : vector<1280x64xf32>
    %dot_general3A = arith.constant dense<0.000000e+00> : vector<1280x64xf32>
    %dot_general3A_37 = tpu.matmul %add3A_36, %get3A_24, %dot_general3A {dimension_numbers = #tpu.dot_dimension_numbers<[1], [0], [0], [1], [0, 0, 1, 1], [], []>, transpose_lhs_hint = false} : vector<1280x64xf32>, vector<64x64xf32>, vector<1280x64xf32> -> vector<1280x64xf32>
    %add3A_38 = vector.broadcast %get3A_27 : vector<1x64xf32> to vector<1280x64xf32>
    %add3A_39 = arith.addf %dot_general3A_37, %add3A_38 : vector<1280x64xf32>
    %max3A = arith.constant 0.000000e+00 : f32
    %max3A_40 = vector.broadcast %max3A : f32 to vector<1280x64xf32>
    %max3A_41 = arith.maximumf %add3A_39, %max3A_40 : vector<1280x64xf32>
    %swap3A = arith.constant 0 : index
    %swap3A_42 = arith.constant 0 : index
    %swap3A_43 = vector.load %arg9[%swap3A, %swap3A_42] : memref<1280x128xf32, #tpu.memory_space<vmem>>, vector<1280x64xf32>
    tpu.vector_store %arg9[%swap3A, %swap3A_42], %max3A_41 {strides = array<i32>} : memref<1280x128xf32, #tpu.memory_space<vmem>>, vector<1280x64xf32>,
    %get3A_44 = arith.constant 0 : index
    %get3A_45 = arith.constant 64 : index
    %get3A_46 = vector.load %arg1[%get3A_44, %get3A_45] : memref<1280x128xf32, #tpu.memory_space<vmem>>, vector<1280x64xf32>
    %sub3A_47 = vector.broadcast %mul3A_5 : vector<1x64xf32> to vector<1280x64xf32>
    %sub3A_48 = arith.subf %get3A_46, %sub3A_47 : vector<1280x64xf32>
    %mul3A_49 = vector.broadcast %mul3A_18 : vector<1x64xf32> to vector<1280x64xf32>
    %mul3A_50 = arith.mulf %sub3A_48, %mul3A_49 : vector<1280x64xf32>
    %add3A_51 = vector.broadcast %get3A_21 : vector<1x64xf32> to vector<1280x64xf32>
    %add3A_52 = arith.addf %mul3A_50, %add3A_51 : vector<1280x64xf32>
    %dot_general3A_53 = arith.constant dense<0.000000e+00> : vector<1280x64xf32>
    %dot_general3A_54 = tpu.matmul %add3A_52, %get3A_24, %dot_general3A_53 {dimension_numbers = #tpu.dot_dimension_numbers<[1], [0], [0], [1], [0, 0, 1, 1], [], []>, transpose_lhs_hint = false} : vector<1280x64xf32>, vector<64x64xf32>, vector<1280x64xf32> -> vector<1280x64xf32>
    %add3A_55 = vector.broadcast %get3A_27 : vector<1x64xf32> to vector<1280x64xf32>
    %add3A_56 = arith.addf %dot_general3A_54, %add3A_55 : vector<1280x64xf32>
    %max3A_57 = arith.constant 0.000000e+00 : f32
    %max3A_58 = vector.broadcast %max3A_57 : f32 to vector<1280x64xf32>
    %max3A_59 = arith.maximumf %add3A_56, %max3A_58 : vector<1280x64xf32>
    %swap3A_60 = arith.constant 0 : index
    %swap3A_61 = arith.constant 64 : index
    %swap3A_62 = vector.load %arg9[%swap3A_60, %swap3A_61] : memref<1280x128xf32, #tpu.memory_space<vmem>>, vector<1280x64xf32>
    tpu.vector_store %arg9[%swap3A_60, %swap3A_61], %max3A_59 {strides = array<i32>} : memref<1280x128xf32, #tpu.memory_space<vmem>>, vector<1280x64xf32>,
    %get3A_63 = arith.constant 0 : index
    %get3A_64 = arith.constant 0 : index
    %get3A_65 = vector.load %arg12[%get3A_63, %get3A_64] : memref<8x64xf32, #tpu.memory_space<vmem>>, vector<1x64xf32>
    %reduce_sum3A = arith.constant dense<0.000000e+00> : vector<64xf32>
    %reduce_sum3A_66 = vector.multi_reduction <add>, %max3A_41, %reduce_sum3A [0] : vector<1280x64xf32> to vector<64xf32>
    %broadcast_in_dim3A = vector.shape_cast %reduce_sum3A_66 : vector<64xf32> to vector<1x64xf32>
    %reduce_sum3A_67 = arith.constant dense<0.000000e+00> : vector<64xf32>
    %reduce_sum3A_68 = vector.multi_reduction <add>, %max3A_59, %reduce_sum3A_67 [0] : vector<1280x64xf32> to vector<64xf32>
    %broadcast_in_dim3A_69 = vector.shape_cast %reduce_sum3A_68 : vector<64xf32> to vector<1x64xf32>
    %add3A_70 = arith.addf %broadcast_in_dim3A, %broadcast_in_dim3A_69 : vector<1x64xf32>
    %add3A_71 = arith.addf %get3A_65, %add3A_70 : vector<1x64xf32>
    %swap3A_72 = arith.constant 0 : index
    %swap3A_73 = arith.constant 0 : index
    %swap3A_74 = vector.load %arg12[%swap3A_72, %swap3A_73] : memref<8x64xf32, #tpu.memory_space<vmem>>, vector<1x64xf32>
    tpu.vector_store %arg12[%swap3A_72, %swap3A_73], %add3A_71 {strides = array<i32>} : memref<8x64xf32, #tpu.memory_space<vmem>>, vector<1x64xf32>,
    %get3A_75 = arith.constant 1 : index
    %get3A_76 = arith.constant 0 : index
    %get3A_77 = vector.load %arg12[%get3A_75, %get3A_76] : memref<8x64xf32, #tpu.memory_space<vmem>>, vector<1x64xf32>
    %mul3A_78 = arith.mulf %max3A_41, %max3A_41 : vector<1280x64xf32>
    %reduce_sum3A_79 = arith.constant dense<0.000000e+00> : vector<64xf32>
    %reduce_sum3A_80 = vector.multi_reduction <add>, %mul3A_78, %reduce_sum3A_79 [0] : vector<1280x64xf32> to vector<64xf32>
    %broadcast_in_dim3A_81 = vector.shape_cast %reduce_sum3A_80 : vector<64xf32> to vector<1x64xf32>
    %mul3A_82 = arith.mulf %max3A_59, %max3A_59 : vector<1280x64xf32>
    %reduce_sum3A_83 = arith.constant dense<0.000000e+00> : vector<64xf32>
    %reduce_sum3A_84 = vector.multi_reduction <add>, %mul3A_82, %reduce_sum3A_83 [0] : vector<1280x64xf32> to vector<64xf32>
    %broadcast_in_dim3A_85 = vector.shape_cast %reduce_sum3A_84 : vector<64xf32> to vector<1x64xf32>
    %add3A_86 = arith.addf %broadcast_in_dim3A_81, %broadcast_in_dim3A_85 : vector<1x64xf32>
    %add3A_87 = arith.addf %get3A_77, %add3A_86 : vector<1x64xf32>
    %swap3A_88 = arith.constant 1 : index
    %swap3A_89 = arith.constant 0 : index
    %swap3A_90 = vector.load %arg12[%swap3A_88, %swap3A_89] : memref<8x64xf32, #tpu.memory_space<vmem>>, vector<1x64xf32>
    tpu.vector_store %arg12[%swap3A_88, %swap3A_89], %add3A_87 {strides = array<i32>} : memref<8x64xf32, #tpu.memory_space<vmem>>, vector<1x64xf32>,
    %eq3A_91 = arith.constant 124 : i32
    %eq3A_92 = arith.cmpi eq, %arg0, %eq3A_91 : i32
    %convert_element_type3A_93 = arith.extui %eq3A_92 : i1 to i32
    %cond3A_94 = arith.constant 0 : i32
    %cond3A_95 = arith.cmpi ne, %convert_element_type3A_93, %cond3A_94 : i32
    scf.if %cond3A_95 {
      %get3A_96 = arith.constant 0 : index
      %get3A_97 = arith.constant 0 : index
      %get3A_98 = vector.load %arg12[%get3A_96, %get3A_97] : memref<8x64xf32, #tpu.memory_space<vmem>>, vector<2x64xf32>
      %swap3A_99 = arith.constant 0 : index
      %swap3A_100 = arith.constant 0 : index
      %swap3A_101 = vector.load %arg10[%swap3A_99, %swap3A_100] : memref<2x64xf32, #tpu.memory_space<vmem>>, vector<2x64xf32>
      tpu.vector_store %arg10[%swap3A_99, %swap3A_100], %get3A_98 {strides = array<i32>} : memref<2x64xf32, #tpu.memory_space<vmem>>, vector<2x64xf32>,
      %get3A_102 = arith.constant 0 : index
      %get3A_103 = arith.constant 0 : index
      %get3A_104 = vector.load %arg12[%get3A_102, %get3A_103] : memref<8x64xf32, #tpu.memory_space<vmem>>, vector<1x64xf32>
      %mul3A_105 = arith.constant 3.125000e-06 : f32
      %mul3A_106 = vector.broadcast %mul3A_105 : f32 to vector<1x64xf32>
      %mul3A_107 = arith.mulf %get3A_104, %mul3A_106 : vector<1x64xf32>
      %get3A_108 = arith.constant 1 : index
      %get3A_109 = arith.constant 0 : index
      %get3A_110 = vector.load %arg12[%get3A_108, %get3A_109] : memref<8x64xf32, #tpu.memory_space<vmem>>, vector<1x64xf32>
      %mul3A_111 = arith.constant 3.125000e-06 : f32
      %mul3A_112 = vector.broadcast %mul3A_111 : f32 to vector<1x64xf32>
      %mul3A_113 = arith.mulf %get3A_110, %mul3A_112 : vector<1x64xf32>
      %mul3A_114 = arith.mulf %mul3A_107, %mul3A_107 : vector<1x64xf32>
      %sub3A_115 = arith.subf %mul3A_113, %mul3A_114 : vector<1x64xf32>
      %get3A_116 = arith.constant 0 : index
      %get3A_117 = arith.constant 0 : index
      %get3A_118 = vector.load %arg7[%get3A_116, %get3A_117] : memref<1x64xf32, #tpu.memory_space<vmem>>, vector<1x64xf32>
      %add3A_119 = arith.constant 9.99999974E-6 : f32
      %add3A_120 = vector.broadcast %add3A_119 : f32 to vector<1x64xf32>
      %add3A_121 = arith.addf %sub3A_115, %add3A_120 : vector<1x64xf32>
      %rsqrt3A_122 = math.rsqrt %add3A_121 : vector<1x64xf32>
      %mul3A_123 = arith.mulf %get3A_118, %rsqrt3A_122 : vector<1x64xf32>
      %swap3A_124 = arith.constant 0 : index
      %swap3A_125 = arith.constant 0 : index
      %swap3A_126 = vector.load %arg11[%swap3A_124, %swap3A_125] : memref<2x64xf32, #tpu.memory_space<vmem>>, vector<1x64xf32>
      tpu.vector_store %arg11[%swap3A_124, %swap3A_125], %mul3A_123 {strides = array<i32>} : memref<2x64xf32, #tpu.memory_space<vmem>>, vector<1x64xf32>,
      %get3A_127 = arith.constant 0 : index
      %get3A_128 = arith.constant 0 : index
      %get3A_129 = vector.load %arg8[%get3A_127, %get3A_128] : memref<1x64xf32, #tpu.memory_space<vmem>>, vector<1x64xf32>
      %mul3A_130 = arith.mulf %mul3A_107, %mul3A_123 : vector<1x64xf32>
      %sub3A_131 = arith.subf %get3A_129, %mul3A_130 : vector<1x64xf32>
      %swap3A_132 = arith.constant 1 : index
      %swap3A_133 = arith.constant 0 : index
      %swap3A_134 = vector.load %arg11[%swap3A_132, %swap3A_133] : memref<2x64xf32, #tpu.memory_space<vmem>>, vector<1x64xf32>
      tpu.vector_store %arg11[%swap3A_132, %swap3A_133], %sub3A_131 {strides = array<i32>} : memref<2x64xf32, #tpu.memory_space<vmem>>, vector<1x64xf32>,
    } else {
    }
    return
  }
  func.func @transform_0(%arg0: i32) -> (i32, i32) {
    %c0_i32 = arith.constant 0 : i32
    %c0_i32_0 = arith.constant 0 : i32
    return %arg0, %c0_i32 : i32, i32
  }
  func.func @transform_1(%arg0: i32) -> (i32, i32) {
    %c0_i32 = arith.constant 0 : i32
    %c0_i32_0 = arith.constant 0 : i32
    %c0_i32_1 = arith.constant 0 : i32
    return %c0_i32, %c0_i32_0 : i32, i32
  }
  func.func @transform_2(%arg0: i32) -> (i32, i32) {
    %c0_i32 = arith.constant 0 : i32
    %c0_i32_0 = arith.constant 0 : i32
    %c0_i32_1 = arith.constant 0 : i32
    return %c0_i32, %c0_i32_0 : i32, i32
  }
  func.func @transform_3(%arg0: i32) -> (i32, i32) {
    %c0_i32 = arith.constant 0 : i32
    %c0_i32_0 = arith.constant 0 : i32
    %c0_i32_1 = arith.constant 0 : i32
    return %c0_i32, %c0_i32_0 : i32, i32
  }
  func.func @transform_4(%arg0: i32) -> (i32, i32) {
    %c0_i32 = arith.constant 0 : i32
    %c0_i32_0 = arith.constant 0 : i32
    %c0_i32_1 = arith.constant 0 : i32
    return %c0_i32, %c0_i32_0 : i32, i32
  }
  func.func @transform_5(%arg0: i32) -> (i32, i32) {
    %c0_i32 = arith.constant 0 : i32
    %c0_i32_0 = arith.constant 0 : i32
    %c0_i32_1 = arith.constant 0 : i32
    return %c0_i32, %c0_i32_0 : i32, i32
  }
  func.func @transform_6(%arg0: i32) -> (i32, i32) {
    %c0_i32 = arith.constant 0 : i32
    %c0_i32_0 = arith.constant 0 : i32
    %c0_i32_1 = arith.constant 0 : i32
    return %c0_i32, %c0_i32_0 : i32, i32
  }
  func.func @transform_7(%arg0: i32) -> (i32, i32) {
    %c0_i32 = arith.constant 0 : i32
    %c0_i32_0 = arith.constant 0 : i32
    %c0_i32_1 = arith.constant 0 : i32
    return %c0_i32, %c0_i32_0 : i32, i32
  }
  func.func @transform_8(%arg0: i32) -> (i32, i32) {
    %c0_i32 = arith.constant 0 : i32
    %c0_i32_0 = arith.constant 0 : i32
    return %arg0, %c0_i32 : i32, i32
  }
  func.func @transform_9(%arg0: i32) -> (i32, i32) {
    %c0_i32 = arith.constant 0 : i32
    %c0_i32_0 = arith.constant 0 : i32
    %c0_i32_1 = arith.constant 0 : i32
    return %c0_i32, %c0_i32_0 : i32, i32
  }
  func.func @transform_10(%arg0: i32) -> (i32, i32) {
    %c0_i32 = arith.constant 0 : i32
    %c0_i32_0 = arith.constant 0 : i32
    %c0_i32_1 = arith.constant 0 : i32
    return %c0_i32, %c0_i32_0 : i32, i32
  }
}

module attributes {stable_mosaic.version = 14 : i64} {
  func.func @_affine_body(%arg0: i32, %arg1: memref<1280x128xf32, #tpu.memory_space<vmem>>, %arg2: memref<2x64xf32, #tpu.memory_space<vmem>>, %arg3: memref<64x2560xf32, #tpu.memory_space<vmem>>) attributes {dimension_semantics = [#tpu.dimension_semantics<arbitrary>], iteration_bounds = array<i64: 125>, scalar_prefetch = 0 : i64, scratch_operands = 0 : i64, tpu.core_type = #tpu.core_type<tc>, window_params = [{transform_indices = @transform_0, window_bounds = array<i64: 1280, 128>}, {pipeline_mode = #tpu.pipeline_mode<synchronous>, transform_indices = @transform_1, window_bounds = array<i64: 2, 64>}, {transform_indices = @transform_2, window_bounds = array<i64: 64, 2560>}]} {
    %get3A = arith.constant 0 : index
    %get3A_0 = arith.constant 0 : index
    %get3A_1 = vector.load %arg2[%get3A, %get3A_0] : memref<2x64xf32, #tpu.memory_space<vmem>>, vector<1x64xf32>
    %iota3A = tpu.iota {dimensions = array<i32: 0>} : vector<64x64xi32>
    %iota3A_2 = tpu.iota {dimensions = array<i32: 1>} : vector<64x64xi32>
    %eq3A = arith.cmpi eq, %iota3A, %iota3A_2 : vector<64x64xi32>
    %broadcast_in_dim3A = vector.shape_cast %get3A_1 : vector<1x64xf32> to vector<1x64xf32>
    %broadcast_in_dim3A_3 = vector.broadcast %broadcast_in_dim3A : vector<1x64xf32> to vector<64x64xf32>
    %jit3A = arith.constant 0.000000e+00 : f32
    %broadcast_in_dim3A_4 = vector.broadcast %jit3A : f32 to vector<64x64xf32>
    %select_n3A = arith.select %eq3A, %broadcast_in_dim3A_3, %broadcast_in_dim3A_4 : vector<64x64xi1>, vector<64x64xf32>
    %get3A_5 = arith.constant 1 : index
    %get3A_6 = arith.constant 0 : index
    %get3A_7 = vector.load %arg2[%get3A_5, %get3A_6] : memref<2x64xf32, #tpu.memory_space<vmem>>, vector<1x64xf32>
    %transpose3A = tpu.transpose %get3A_7, [1, 0] : vector<1x64xf32> -> vector<64x1xf32>
    %get3A_8 = arith.constant 0 : index
    %get3A_9 = arith.constant 0 : index
    %get3A_10 = vector.load %arg1[%get3A_8, %get3A_9] : memref<1280x128xf32, #tpu.memory_space<vmem>>, vector<128x128xf32>
    %slice3A = vector.extract_strided_slice %get3A_10 {offsets = [0, 0], sizes = [128, 64], strides = [1, 1]} : vector<128x128xf32> to vector<128x64xf32>
    %dot_general3A = arith.constant dense<0.000000e+00> : vector<64x128xf32>
    %dot_general3A_11 = tpu.matmul %select_n3A, %slice3A, %dot_general3A {dimension_numbers = #tpu.dot_dimension_numbers<[1], [1], [0], [0], [0, 0, 1, 0], [], []>, transpose_lhs_hint = false} : vector<64x64xf32>, vector<128x64xf32>, vector<64x128xf32> -> vector<64x128xf32>
    %add3A = vector.broadcast %transpose3A : vector<64x1xf32> to vector<64x128xf32>
    %add3A_12 = arith.addf %dot_general3A_11, %add3A : vector<64x128xf32>
    %slice3A_13 = vector.extract_strided_slice %get3A_10 {offsets = [0, 64], sizes = [128, 64], strides = [1, 1]} : vector<128x128xf32> to vector<128x64xf32>
    %dot_general3A_14 = arith.constant dense<0.000000e+00> : vector<64x128xf32>
    %dot_general3A_15 = tpu.matmul %select_n3A, %slice3A_13, %dot_general3A_14 {dimension_numbers = #tpu.dot_dimension_numbers<[1], [1], [0], [0], [0, 0, 1, 0], [], []>, transpose_lhs_hint = false} : vector<64x64xf32>, vector<128x64xf32>, vector<64x128xf32> -> vector<64x128xf32>
    %add3A_16 = vector.broadcast %transpose3A : vector<64x1xf32> to vector<64x128xf32>
    %add3A_17 = arith.addf %dot_general3A_15, %add3A_16 : vector<64x128xf32>
    %swap3A = arith.constant 0 : index
    %swap3A_18 = arith.constant 0 : index
    %swap3A_19 = vector.load %arg3[%swap3A, %swap3A_18] : memref<64x2560xf32, #tpu.memory_space<vmem>>, vector<64x128xf32>
    tpu.vector_store %arg3[%swap3A, %swap3A_18], %add3A_12 {strides = array<i32>} : memref<64x2560xf32, #tpu.memory_space<vmem>>, vector<64x128xf32>,
    %swap3A_20 = arith.constant 0 : index
    %swap3A_21 = arith.constant 128 : index
    %swap3A_22 = vector.load %arg3[%swap3A_20, %swap3A_21] : memref<64x2560xf32, #tpu.memory_space<vmem>>, vector<64x128xf32>
    tpu.vector_store %arg3[%swap3A_20, %swap3A_21], %add3A_17 {strides = array<i32>} : memref<64x2560xf32, #tpu.memory_space<vmem>>, vector<64x128xf32>,
    %get3A_23 = arith.constant 128 : index
    %get3A_24 = arith.constant 0 : index
    %get3A_25 = vector.load %arg1[%get3A_23, %get3A_24] : memref<1280x128xf32, #tpu.memory_space<vmem>>, vector<128x128xf32>
    %slice3A_26 = vector.extract_strided_slice %get3A_25 {offsets = [0, 0], sizes = [128, 64], strides = [1, 1]} : vector<128x128xf32> to vector<128x64xf32>
    %dot_general3A_27 = arith.constant dense<0.000000e+00> : vector<64x128xf32>
    %dot_general3A_28 = tpu.matmul %select_n3A, %slice3A_26, %dot_general3A_27 {dimension_numbers = #tpu.dot_dimension_numbers<[1], [1], [0], [0], [0, 0, 1, 0], [], []>, transpose_lhs_hint = false} : vector<64x64xf32>, vector<128x64xf32>, vector<64x128xf32> -> vector<64x128xf32>
    %add3A_29 = vector.broadcast %transpose3A : vector<64x1xf32> to vector<64x128xf32>
    %add3A_30 = arith.addf %dot_general3A_28, %add3A_29 : vector<64x128xf32>
    %slice3A_31 = vector.extract_strided_slice %get3A_25 {offsets = [0, 64], sizes = [128, 64], strides = [1, 1]} : vector<128x128xf32> to vector<128x64xf32>
    %dot_general3A_32 = arith.constant dense<0.000000e+00> : vector<64x128xf32>
    %dot_general3A_33 = tpu.matmul %select_n3A, %slice3A_31, %dot_general3A_32 {dimension_numbers = #tpu.dot_dimension_numbers<[1], [1], [0], [0], [0, 0, 1, 0], [], []>, transpose_lhs_hint = false} : vector<64x64xf32>, vector<128x64xf32>, vector<64x128xf32> -> vector<64x128xf32>
    %add3A_34 = vector.broadcast %transpose3A : vector<64x1xf32> to vector<64x128xf32>
    %add3A_35 = arith.addf %dot_general3A_33, %add3A_34 : vector<64x128xf32>
    %swap3A_36 = arith.constant 0 : index
    %swap3A_37 = arith.constant 256 : index
    %swap3A_38 = vector.load %arg3[%swap3A_36, %swap3A_37] : memref<64x2560xf32, #tpu.memory_space<vmem>>, vector<64x128xf32>
    tpu.vector_store %arg3[%swap3A_36, %swap3A_37], %add3A_30 {strides = array<i32>} : memref<64x2560xf32, #tpu.memory_space<vmem>>, vector<64x128xf32>,
    %swap3A_39 = arith.constant 0 : index
    %swap3A_40 = arith.constant 384 : index
    %swap3A_41 = vector.load %arg3[%swap3A_39, %swap3A_40] : memref<64x2560xf32, #tpu.memory_space<vmem>>, vector<64x128xf32>
    tpu.vector_store %arg3[%swap3A_39, %swap3A_40], %add3A_35 {strides = array<i32>} : memref<64x2560xf32, #tpu.memory_space<vmem>>, vector<64x128xf32>,
    %get3A_42 = arith.constant 256 : index
    %get3A_43 = arith.constant 0 : index
    %get3A_44 = vector.load %arg1[%get3A_42, %get3A_43] : memref<1280x128xf32, #tpu.memory_space<vmem>>, vector<128x128xf32>
    %slice3A_45 = vector.extract_strided_slice %get3A_44 {offsets = [0, 0], sizes = [128, 64], strides = [1, 1]} : vector<128x128xf32> to vector<128x64xf32>
    %dot_general3A_46 = arith.constant dense<0.000000e+00> : vector<64x128xf32>
    %dot_general3A_47 = tpu.matmul %select_n3A, %slice3A_45, %dot_general3A_46 {dimension_numbers = #tpu.dot_dimension_numbers<[1], [1], [0], [0], [0, 0, 1, 0], [], []>, transpose_lhs_hint = false} : vector<64x64xf32>, vector<128x64xf32>, vector<64x128xf32> -> vector<64x128xf32>
    %add3A_48 = vector.broadcast %transpose3A : vector<64x1xf32> to vector<64x128xf32>
    %add3A_49 = arith.addf %dot_general3A_47, %add3A_48 : vector<64x128xf32>
    %slice3A_50 = vector.extract_strided_slice %get3A_44 {offsets = [0, 64], sizes = [128, 64], strides = [1, 1]} : vector<128x128xf32> to vector<128x64xf32>
    %dot_general3A_51 = arith.constant dense<0.000000e+00> : vector<64x128xf32>
    %dot_general3A_52 = tpu.matmul %select_n3A, %slice3A_50, %dot_general3A_51 {dimension_numbers = #tpu.dot_dimension_numbers<[1], [1], [0], [0], [0, 0, 1, 0], [], []>, transpose_lhs_hint = false} : vector<64x64xf32>, vector<128x64xf32>, vector<64x128xf32> -> vector<64x128xf32>
    %add3A_53 = vector.broadcast %transpose3A : vector<64x1xf32> to vector<64x128xf32>
    %add3A_54 = arith.addf %dot_general3A_52, %add3A_53 : vector<64x128xf32>
    %swap3A_55 = arith.constant 0 : index
    %swap3A_56 = arith.constant 512 : index
    %swap3A_57 = vector.load %arg3[%swap3A_55, %swap3A_56] : memref<64x2560xf32, #tpu.memory_space<vmem>>, vector<64x128xf32>
    tpu.vector_store %arg3[%swap3A_55, %swap3A_56], %add3A_49 {strides = array<i32>} : memref<64x2560xf32, #tpu.memory_space<vmem>>, vector<64x128xf32>,
    %swap3A_58 = arith.constant 0 : index
    %swap3A_59 = arith.constant 640 : index
    %swap3A_60 = vector.load %arg3[%swap3A_58, %swap3A_59] : memref<64x2560xf32, #tpu.memory_space<vmem>>, vector<64x128xf32>
    tpu.vector_store %arg3[%swap3A_58, %swap3A_59], %add3A_54 {strides = array<i32>} : memref<64x2560xf32, #tpu.memory_space<vmem>>, vector<64x128xf32>,
    %get3A_61 = arith.constant 384 : index
    %get3A_62 = arith.constant 0 : index
    %get3A_63 = vector.load %arg1[%get3A_61, %get3A_62] : memref<1280x128xf32, #tpu.memory_space<vmem>>, vector<128x128xf32>
    %slice3A_64 = vector.extract_strided_slice %get3A_63 {offsets = [0, 0], sizes = [128, 64], strides = [1, 1]} : vector<128x128xf32> to vector<128x64xf32>
    %dot_general3A_65 = arith.constant dense<0.000000e+00> : vector<64x128xf32>
    %dot_general3A_66 = tpu.matmul %select_n3A, %slice3A_64, %dot_general3A_65 {dimension_numbers = #tpu.dot_dimension_numbers<[1], [1], [0], [0], [0, 0, 1, 0], [], []>, transpose_lhs_hint = false} : vector<64x64xf32>, vector<128x64xf32>, vector<64x128xf32> -> vector<64x128xf32>
    %add3A_67 = vector.broadcast %transpose3A : vector<64x1xf32> to vector<64x128xf32>
    %add3A_68 = arith.addf %dot_general3A_66, %add3A_67 : vector<64x128xf32>
    %slice3A_69 = vector.extract_strided_slice %get3A_63 {offsets = [0, 64], sizes = [128, 64], strides = [1, 1]} : vector<128x128xf32> to vector<128x64xf32>
    %dot_general3A_70 = arith.constant dense<0.000000e+00> : vector<64x128xf32>
    %dot_general3A_71 = tpu.matmul %select_n3A, %slice3A_69, %dot_general3A_70 {dimension_numbers = #tpu.dot_dimension_numbers<[1], [1], [0], [0], [0, 0, 1, 0], [], []>, transpose_lhs_hint = false} : vector<64x64xf32>, vector<128x64xf32>, vector<64x128xf32> -> vector<64x128xf32>
    %add3A_72 = vector.broadcast %transpose3A : vector<64x1xf32> to vector<64x128xf32>
    %add3A_73 = arith.addf %dot_general3A_71, %add3A_72 : vector<64x128xf32>
    %swap3A_74 = arith.constant 0 : index
    %swap3A_75 = arith.constant 768 : index
    %swap3A_76 = vector.load %arg3[%swap3A_74, %swap3A_75] : memref<64x2560xf32, #tpu.memory_space<vmem>>, vector<64x128xf32>
    tpu.vector_store %arg3[%swap3A_74, %swap3A_75], %add3A_68 {strides = array<i32>} : memref<64x2560xf32, #tpu.memory_space<vmem>>, vector<64x128xf32>,
    %swap3A_77 = arith.constant 0 : index
    %swap3A_78 = arith.constant 896 : index
    %swap3A_79 = vector.load %arg3[%swap3A_77, %swap3A_78] : memref<64x2560xf32, #tpu.memory_space<vmem>>, vector<64x128xf32>
    tpu.vector_store %arg3[%swap3A_77, %swap3A_78], %add3A_73 {strides = array<i32>} : memref<64x2560xf32, #tpu.memory_space<vmem>>, vector<64x128xf32>,
    %get3A_80 = arith.constant 512 : index
    %get3A_81 = arith.constant 0 : index
    %get3A_82 = vector.load %arg1[%get3A_80, %get3A_81] : memref<1280x128xf32, #tpu.memory_space<vmem>>, vector<128x128xf32>
    %slice3A_83 = vector.extract_strided_slice %get3A_82 {offsets = [0, 0], sizes = [128, 64], strides = [1, 1]} : vector<128x128xf32> to vector<128x64xf32>
    %dot_general3A_84 = arith.constant dense<0.000000e+00> : vector<64x128xf32>
    %dot_general3A_85 = tpu.matmul %select_n3A, %slice3A_83, %dot_general3A_84 {dimension_numbers = #tpu.dot_dimension_numbers<[1], [1], [0], [0], [0, 0, 1, 0], [], []>, transpose_lhs_hint = false} : vector<64x64xf32>, vector<128x64xf32>, vector<64x128xf32> -> vector<64x128xf32>
    %add3A_86 = vector.broadcast %transpose3A : vector<64x1xf32> to vector<64x128xf32>
    %add3A_87 = arith.addf %dot_general3A_85, %add3A_86 : vector<64x128xf32>
    %slice3A_88 = vector.extract_strided_slice %get3A_82 {offsets = [0, 64], sizes = [128, 64], strides = [1, 1]} : vector<128x128xf32> to vector<128x64xf32>
    %dot_general3A_89 = arith.constant dense<0.000000e+00> : vector<64x128xf32>
    %dot_general3A_90 = tpu.matmul %select_n3A, %slice3A_88, %dot_general3A_89 {dimension_numbers = #tpu.dot_dimension_numbers<[1], [1], [0], [0], [0, 0, 1, 0], [], []>, transpose_lhs_hint = false} : vector<64x64xf32>, vector<128x64xf32>, vector<64x128xf32> -> vector<64x128xf32>
    %add3A_91 = vector.broadcast %transpose3A : vector<64x1xf32> to vector<64x128xf32>
    %add3A_92 = arith.addf %dot_general3A_90, %add3A_91 : vector<64x128xf32>
    %swap3A_93 = arith.constant 0 : index
    %swap3A_94 = arith.constant 1024 : index
    %swap3A_95 = vector.load %arg3[%swap3A_93, %swap3A_94] : memref<64x2560xf32, #tpu.memory_space<vmem>>, vector<64x128xf32>
    tpu.vector_store %arg3[%swap3A_93, %swap3A_94], %add3A_87 {strides = array<i32>} : memref<64x2560xf32, #tpu.memory_space<vmem>>, vector<64x128xf32>,
    %swap3A_96 = arith.constant 0 : index
    %swap3A_97 = arith.constant 1152 : index
    %swap3A_98 = vector.load %arg3[%swap3A_96, %swap3A_97] : memref<64x2560xf32, #tpu.memory_space<vmem>>, vector<64x128xf32>
    tpu.vector_store %arg3[%swap3A_96, %swap3A_97], %add3A_92 {strides = array<i32>} : memref<64x2560xf32, #tpu.memory_space<vmem>>, vector<64x128xf32>,
    %get3A_99 = arith.constant 640 : index
    %get3A_100 = arith.constant 0 : index
    %get3A_101 = vector.load %arg1[%get3A_99, %get3A_100] : memref<1280x128xf32, #tpu.memory_space<vmem>>, vector<128x128xf32>
    %slice3A_102 = vector.extract_strided_slice %get3A_101 {offsets = [0, 0], sizes = [128, 64], strides = [1, 1]} : vector<128x128xf32> to vector<128x64xf32>
    %dot_general3A_103 = arith.constant dense<0.000000e+00> : vector<64x128xf32>
    %dot_general3A_104 = tpu.matmul %select_n3A, %slice3A_102, %dot_general3A_103 {dimension_numbers = #tpu.dot_dimension_numbers<[1], [1], [0], [0], [0, 0, 1, 0], [], []>, transpose_lhs_hint = false} : vector<64x64xf32>, vector<128x64xf32>, vector<64x128xf32> -> vector<64x128xf32>
    %add3A_105 = vector.broadcast %transpose3A : vector<64x1xf32> to vector<64x128xf32>
    %add3A_106 = arith.addf %dot_general3A_104, %add3A_105 : vector<64x128xf32>
    %slice3A_107 = vector.extract_strided_slice %get3A_101 {offsets = [0, 64], sizes = [128, 64], strides = [1, 1]} : vector<128x128xf32> to vector<128x64xf32>
    %dot_general3A_108 = arith.constant dense<0.000000e+00> : vector<64x128xf32>
    %dot_general3A_109 = tpu.matmul %select_n3A, %slice3A_107, %dot_general3A_108 {dimension_numbers = #tpu.dot_dimension_numbers<[1], [1], [0], [0], [0, 0, 1, 0], [], []>, transpose_lhs_hint = false} : vector<64x64xf32>, vector<128x64xf32>, vector<64x128xf32> -> vector<64x128xf32>
    %add3A_110 = vector.broadcast %transpose3A : vector<64x1xf32> to vector<64x128xf32>
    %add3A_111 = arith.addf %dot_general3A_109, %add3A_110 : vector<64x128xf32>
    %swap3A_112 = arith.constant 0 : index
    %swap3A_113 = arith.constant 1280 : index
    %swap3A_114 = vector.load %arg3[%swap3A_112, %swap3A_113] : memref<64x2560xf32, #tpu.memory_space<vmem>>, vector<64x128xf32>
    tpu.vector_store %arg3[%swap3A_112, %swap3A_113], %add3A_106 {strides = array<i32>} : memref<64x2560xf32, #tpu.memory_space<vmem>>, vector<64x128xf32>,
    %swap3A_115 = arith.constant 0 : index
    %swap3A_116 = arith.constant 1408 : index
    %swap3A_117 = vector.load %arg3[%swap3A_115, %swap3A_116] : memref<64x2560xf32, #tpu.memory_space<vmem>>, vector<64x128xf32>
    tpu.vector_store %arg3[%swap3A_115, %swap3A_116], %add3A_111 {strides = array<i32>} : memref<64x2560xf32, #tpu.memory_space<vmem>>, vector<64x128xf32>,
    %get3A_118 = arith.constant 768 : index
    %get3A_119 = arith.constant 0 : index
    %get3A_120 = vector.load %arg1[%get3A_118, %get3A_119] : memref<1280x128xf32, #tpu.memory_space<vmem>>, vector<128x128xf32>
    %slice3A_121 = vector.extract_strided_slice %get3A_120 {offsets = [0, 0], sizes = [128, 64], strides = [1, 1]} : vector<128x128xf32> to vector<128x64xf32>
    %dot_general3A_122 = arith.constant dense<0.000000e+00> : vector<64x128xf32>
    %dot_general3A_123 = tpu.matmul %select_n3A, %slice3A_121, %dot_general3A_122 {dimension_numbers = #tpu.dot_dimension_numbers<[1], [1], [0], [0], [0, 0, 1, 0], [], []>, transpose_lhs_hint = false} : vector<64x64xf32>, vector<128x64xf32>, vector<64x128xf32> -> vector<64x128xf32>
    %add3A_124 = vector.broadcast %transpose3A : vector<64x1xf32> to vector<64x128xf32>
    %add3A_125 = arith.addf %dot_general3A_123, %add3A_124 : vector<64x128xf32>
    %slice3A_126 = vector.extract_strided_slice %get3A_120 {offsets = [0, 64], sizes = [128, 64], strides = [1, 1]} : vector<128x128xf32> to vector<128x64xf32>
    %dot_general3A_127 = arith.constant dense<0.000000e+00> : vector<64x128xf32>
    %dot_general3A_128 = tpu.matmul %select_n3A, %slice3A_126, %dot_general3A_127 {dimension_numbers = #tpu.dot_dimension_numbers<[1], [1], [0], [0], [0, 0, 1, 0], [], []>, transpose_lhs_hint = false} : vector<64x64xf32>, vector<128x64xf32>, vector<64x128xf32> -> vector<64x128xf32>
    %add3A_129 = vector.broadcast %transpose3A : vector<64x1xf32> to vector<64x128xf32>
    %add3A_130 = arith.addf %dot_general3A_128, %add3A_129 : vector<64x128xf32>
    %swap3A_131 = arith.constant 0 : index
    %swap3A_132 = arith.constant 1536 : index
    %swap3A_133 = vector.load %arg3[%swap3A_131, %swap3A_132] : memref<64x2560xf32, #tpu.memory_space<vmem>>, vector<64x128xf32>
    tpu.vector_store %arg3[%swap3A_131, %swap3A_132], %add3A_125 {strides = array<i32>} : memref<64x2560xf32, #tpu.memory_space<vmem>>, vector<64x128xf32>,
    %swap3A_134 = arith.constant 0 : index
    %swap3A_135 = arith.constant 1664 : index
    %swap3A_136 = vector.load %arg3[%swap3A_134, %swap3A_135] : memref<64x2560xf32, #tpu.memory_space<vmem>>, vector<64x128xf32>
    tpu.vector_store %arg3[%swap3A_134, %swap3A_135], %add3A_130 {strides = array<i32>} : memref<64x2560xf32, #tpu.memory_space<vmem>>, vector<64x128xf32>,
    %get3A_137 = arith.constant 896 : index
    %get3A_138 = arith.constant 0 : index
    %get3A_139 = vector.load %arg1[%get3A_137, %get3A_138] : memref<1280x128xf32, #tpu.memory_space<vmem>>, vector<128x128xf32>
    %slice3A_140 = vector.extract_strided_slice %get3A_139 {offsets = [0, 0], sizes = [128, 64], strides = [1, 1]} : vector<128x128xf32> to vector<128x64xf32>
    %dot_general3A_141 = arith.constant dense<0.000000e+00> : vector<64x128xf32>
    %dot_general3A_142 = tpu.matmul %select_n3A, %slice3A_140, %dot_general3A_141 {dimension_numbers = #tpu.dot_dimension_numbers<[1], [1], [0], [0], [0, 0, 1, 0], [], []>, transpose_lhs_hint = false} : vector<64x64xf32>, vector<128x64xf32>, vector<64x128xf32> -> vector<64x128xf32>
    %add3A_143 = vector.broadcast %transpose3A : vector<64x1xf32> to vector<64x128xf32>
    %add3A_144 = arith.addf %dot_general3A_142, %add3A_143 : vector<64x128xf32>
    %slice3A_145 = vector.extract_strided_slice %get3A_139 {offsets = [0, 64], sizes = [128, 64], strides = [1, 1]} : vector<128x128xf32> to vector<128x64xf32>
    %dot_general3A_146 = arith.constant dense<0.000000e+00> : vector<64x128xf32>
    %dot_general3A_147 = tpu.matmul %select_n3A, %slice3A_145, %dot_general3A_146 {dimension_numbers = #tpu.dot_dimension_numbers<[1], [1], [0], [0], [0, 0, 1, 0], [], []>, transpose_lhs_hint = false} : vector<64x64xf32>, vector<128x64xf32>, vector<64x128xf32> -> vector<64x128xf32>
    %add3A_148 = vector.broadcast %transpose3A : vector<64x1xf32> to vector<64x128xf32>
    %add3A_149 = arith.addf %dot_general3A_147, %add3A_148 : vector<64x128xf32>
    %swap3A_150 = arith.constant 0 : index
    %swap3A_151 = arith.constant 1792 : index
    %swap3A_152 = vector.load %arg3[%swap3A_150, %swap3A_151] : memref<64x2560xf32, #tpu.memory_space<vmem>>, vector<64x128xf32>
    tpu.vector_store %arg3[%swap3A_150, %swap3A_151], %add3A_144 {strides = array<i32>} : memref<64x2560xf32, #tpu.memory_space<vmem>>, vector<64x128xf32>,
    %swap3A_153 = arith.constant 0 : index
    %swap3A_154 = arith.constant 1920 : index
    %swap3A_155 = vector.load %arg3[%swap3A_153, %swap3A_154] : memref<64x2560xf32, #tpu.memory_space<vmem>>, vector<64x128xf32>
    tpu.vector_store %arg3[%swap3A_153, %swap3A_154], %add3A_149 {strides = array<i32>} : memref<64x2560xf32, #tpu.memory_space<vmem>>, vector<64x128xf32>,
    %get3A_156 = arith.constant 1024 : index
    %get3A_157 = arith.constant 0 : index
    %get3A_158 = vector.load %arg1[%get3A_156, %get3A_157] : memref<1280x128xf32, #tpu.memory_space<vmem>>, vector<128x128xf32>
    %slice3A_159 = vector.extract_strided_slice %get3A_158 {offsets = [0, 0], sizes = [128, 64], strides = [1, 1]} : vector<128x128xf32> to vector<128x64xf32>
    %dot_general3A_160 = arith.constant dense<0.000000e+00> : vector<64x128xf32>
    %dot_general3A_161 = tpu.matmul %select_n3A, %slice3A_159, %dot_general3A_160 {dimension_numbers = #tpu.dot_dimension_numbers<[1], [1], [0], [0], [0, 0, 1, 0], [], []>, transpose_lhs_hint = false} : vector<64x64xf32>, vector<128x64xf32>, vector<64x128xf32> -> vector<64x128xf32>
    %add3A_162 = vector.broadcast %transpose3A : vector<64x1xf32> to vector<64x128xf32>
    %add3A_163 = arith.addf %dot_general3A_161, %add3A_162 : vector<64x128xf32>
    %slice3A_164 = vector.extract_strided_slice %get3A_158 {offsets = [0, 64], sizes = [128, 64], strides = [1, 1]} : vector<128x128xf32> to vector<128x64xf32>
    %dot_general3A_165 = arith.constant dense<0.000000e+00> : vector<64x128xf32>
    %dot_general3A_166 = tpu.matmul %select_n3A, %slice3A_164, %dot_general3A_165 {dimension_numbers = #tpu.dot_dimension_numbers<[1], [1], [0], [0], [0, 0, 1, 0], [], []>, transpose_lhs_hint = false} : vector<64x64xf32>, vector<128x64xf32>, vector<64x128xf32> -> vector<64x128xf32>
    %add3A_167 = vector.broadcast %transpose3A : vector<64x1xf32> to vector<64x128xf32>
    %add3A_168 = arith.addf %dot_general3A_166, %add3A_167 : vector<64x128xf32>
    %swap3A_169 = arith.constant 0 : index
    %swap3A_170 = arith.constant 2048 : index
    %swap3A_171 = vector.load %arg3[%swap3A_169, %swap3A_170] : memref<64x2560xf32, #tpu.memory_space<vmem>>, vector<64x128xf32>
    tpu.vector_store %arg3[%swap3A_169, %swap3A_170], %add3A_163 {strides = array<i32>} : memref<64x2560xf32, #tpu.memory_space<vmem>>, vector<64x128xf32>,
    %swap3A_172 = arith.constant 0 : index
    %swap3A_173 = arith.constant 2176 : index
    %swap3A_174 = vector.load %arg3[%swap3A_172, %swap3A_173] : memref<64x2560xf32, #tpu.memory_space<vmem>>, vector<64x128xf32>
    tpu.vector_store %arg3[%swap3A_172, %swap3A_173], %add3A_168 {strides = array<i32>} : memref<64x2560xf32, #tpu.memory_space<vmem>>, vector<64x128xf32>,
    %get3A_175 = arith.constant 1152 : index
    %get3A_176 = arith.constant 0 : index
    %get3A_177 = vector.load %arg1[%get3A_175, %get3A_176] : memref<1280x128xf32, #tpu.memory_space<vmem>>, vector<128x128xf32>
    %slice3A_178 = vector.extract_strided_slice %get3A_177 {offsets = [0, 0], sizes = [128, 64], strides = [1, 1]} : vector<128x128xf32> to vector<128x64xf32>
    %dot_general3A_179 = arith.constant dense<0.000000e+00> : vector<64x128xf32>
    %dot_general3A_180 = tpu.matmul %select_n3A, %slice3A_178, %dot_general3A_179 {dimension_numbers = #tpu.dot_dimension_numbers<[1], [1], [0], [0], [0, 0, 1, 0], [], []>, transpose_lhs_hint = false} : vector<64x64xf32>, vector<128x64xf32>, vector<64x128xf32> -> vector<64x128xf32>
    %add3A_181 = vector.broadcast %transpose3A : vector<64x1xf32> to vector<64x128xf32>
    %add3A_182 = arith.addf %dot_general3A_180, %add3A_181 : vector<64x128xf32>
    %slice3A_183 = vector.extract_strided_slice %get3A_177 {offsets = [0, 64], sizes = [128, 64], strides = [1, 1]} : vector<128x128xf32> to vector<128x64xf32>
    %dot_general3A_184 = arith.constant dense<0.000000e+00> : vector<64x128xf32>
    %dot_general3A_185 = tpu.matmul %select_n3A, %slice3A_183, %dot_general3A_184 {dimension_numbers = #tpu.dot_dimension_numbers<[1], [1], [0], [0], [0, 0, 1, 0], [], []>, transpose_lhs_hint = false} : vector<64x64xf32>, vector<128x64xf32>, vector<64x128xf32> -> vector<64x128xf32>
    %add3A_186 = vector.broadcast %transpose3A : vector<64x1xf32> to vector<64x128xf32>
    %add3A_187 = arith.addf %dot_general3A_185, %add3A_186 : vector<64x128xf32>
    %swap3A_188 = arith.constant 0 : index
    %swap3A_189 = arith.constant 2304 : index
    %swap3A_190 = vector.load %arg3[%swap3A_188, %swap3A_189] : memref<64x2560xf32, #tpu.memory_space<vmem>>, vector<64x128xf32>
    tpu.vector_store %arg3[%swap3A_188, %swap3A_189], %add3A_182 {strides = array<i32>} : memref<64x2560xf32, #tpu.memory_space<vmem>>, vector<64x128xf32>,
    %swap3A_191 = arith.constant 0 : index
    %swap3A_192 = arith.constant 2432 : index
    %swap3A_193 = vector.load %arg3[%swap3A_191, %swap3A_192] : memref<64x2560xf32, #tpu.memory_space<vmem>>, vector<64x128xf32>
    tpu.vector_store %arg3[%swap3A_191, %swap3A_192], %add3A_187 {strides = array<i32>} : memref<64x2560xf32, #tpu.memory_space<vmem>>, vector<64x128xf32>,
    return
  }
  func.func @transform_0(%arg0: i32) -> (i32, i32) {
    %c0_i32 = arith.constant 0 : i32
    %c0_i32_0 = arith.constant 0 : i32
    return %arg0, %c0_i32 : i32, i32
  }
  func.func @transform_1(%arg0: i32) -> (i32, i32) {
    %c0_i32 = arith.constant 0 : i32
    %c0_i32_0 = arith.constant 0 : i32
    %c0_i32_1 = arith.constant 0 : i32
    return %c0_i32, %c0_i32_0 : i32, i32
  }
  func.func @transform_2(%arg0: i32) -> (i32, i32) {
    %c0_i32 = arith.constant 0 : i32
    %c0_i32_0 = arith.constant 0 : i32
    return %c0_i32, %arg0 : i32, i32
  }
}

module attributes {stable_mosaic.version = 14 : i64} {
  func.func @_node_global_body(%arg0: memref<10000x64xf32, #tpu.memory_space<vmem>>, %arg1: memref<2x10240x64xf32, #tpu.memory_space<vmem>>, %arg2: memref<2x10240x16xf32, #tpu.memory_space<vmem>>, %arg3: memref<2x64xf32, #tpu.memory_space<vmem>>, %arg4: memref<16x64xf32, #tpu.memory_space<vmem>>, %arg5: memref<10000x1xi32, #tpu.memory_space<vmem>>, %arg6: memref<192x64xf32, #tpu.memory_space<vmem>>, %arg7: memref<1x64xf32, #tpu.memory_space<vmem>>, %arg8: memref<2x64x64xf32, #tpu.memory_space<vmem>>, %arg9: memref<2x64xf32, #tpu.memory_space<vmem>>, %arg10: memref<3x64xf32, #tpu.memory_space<vmem>>, %arg11: memref<3x64xf32, #tpu.memory_space<vmem>>, %arg12: memref<192x64xf32, #tpu.memory_space<vmem>>, %arg13: memref<1x64xf32, #tpu.memory_space<vmem>>, %arg14: memref<2x64x64xf32, #tpu.memory_space<vmem>>, %arg15: memref<2x64xf32, #tpu.memory_space<vmem>>, %arg16: memref<3x64xf32, #tpu.memory_space<vmem>>, %arg17: memref<3x64xf32, #tpu.memory_space<vmem>>, %arg18: memref<10000x64xf32, #tpu.memory_space<vmem>>, %arg19: memref<16x64xf32, #tpu.memory_space<vmem>>) attributes {dimension_semantics = [], scalar_prefetch = 0 : i64, scratch_operands = 0 : i64, tpu.core_type = #tpu.core_type<tc>} {
    %get3A = arith.constant 0 : index
    %get3A_0 = arith.constant 0 : index
    %get3A_1 = arith.constant 0 : index
    %get3A_2 = vector.load %arg2[%get3A, %get3A_0, %get3A_1] : memref<2x10240x16xf32, #tpu.memory_space<vmem>>, vector<1x10240x1xf32>
    %get3A_3 = vector.shape_cast %get3A_2 : vector<1x10240x1xf32> to vector<10240x1xf32>
    %get3A_4 = arith.constant 1 : index
    %get3A_5 = arith.constant 0 : index
    %get3A_6 = arith.constant 0 : index
    %get3A_7 = vector.load %arg2[%get3A_4, %get3A_5, %get3A_6] : memref<2x10240x16xf32, #tpu.memory_space<vmem>>, vector<1x10240x1xf32>
    %get3A_8 = vector.shape_cast %get3A_7 : vector<1x10240x1xf32> to vector<10240x1xf32>
    %add3A = arith.addf %get3A_3, %get3A_8 : vector<10240x1xf32>
    %get3A_9 = arith.constant 0 : index
    %get3A_10 = arith.constant 0 : index
    %get3A_11 = arith.constant 0 : index
    %get3A_12 = vector.load %arg1[%get3A_9, %get3A_10, %get3A_11] : memref<2x10240x64xf32, #tpu.memory_space<vmem>>, vector<1x10240x64xf32>
    %get3A_13 = vector.shape_cast %get3A_12 : vector<1x10240x64xf32> to vector<10240x64xf32>
    %get3A_14 = arith.constant 1 : index
    %get3A_15 = arith.constant 0 : index
    %get3A_16 = arith.constant 0 : index
    %get3A_17 = vector.load %arg1[%get3A_14, %get3A_15, %get3A_16] : memref<2x10240x64xf32, #tpu.memory_space<vmem>>, vector<1x10240x64xf32>
    %get3A_18 = vector.shape_cast %get3A_17 : vector<1x10240x64xf32> to vector<10240x64xf32>
    %add3A_19 = arith.addf %get3A_13, %get3A_18 : vector<10240x64xf32>
    %get3A_20 = arith.constant 0 : index
    %get3A_21 = arith.constant 0 : index
    %get3A_22 = vector.load %arg3[%get3A_20, %get3A_21] : memref<2x64xf32, #tpu.memory_space<vmem>>, vector<1x64xf32>
    %get3A_23 = arith.constant 1 : index
    %get3A_24 = arith.constant 0 : index
    %get3A_25 = vector.load %arg3[%get3A_23, %get3A_24] : memref<2x64xf32, #tpu.memory_space<vmem>>, vector<1x64xf32>
    %mul3A = vector.broadcast %get3A_22 : vector<1x64xf32> to vector<10240x64xf32>
    %mul3A_26 = arith.mulf %add3A_19, %mul3A : vector<10240x64xf32>
    %mul3A_27 = vector.broadcast %add3A : vector<10240x1xf32> to vector<10240x64xf32>
    %mul3A_28 = vector.broadcast %get3A_25 : vector<1x64xf32> to vector<10240x64xf32>
    %mul3A_29 = arith.mulf %mul3A_27, %mul3A_28 : vector<10240x64xf32>
    %add3A_30 = arith.addf %mul3A_26, %mul3A_29 : vector<10240x64xf32>
    %max3A = arith.constant 1.000000e+00 : f32
    %max3A_31 = vector.broadcast %max3A : f32 to vector<10240x1xf32>
    %max3A_32 = arith.maximumf %add3A, %max3A_31 : vector<10240x1xf32>
    %div3A = vector.broadcast %max3A_32 : vector<10240x1xf32> to vector<10240x64xf32>
    %div3A_33 = arith.divf %add3A_30, %div3A : vector<10240x64xf32>
    %slice3A = vector.extract_strided_slice %div3A_33 {offsets = [0, 0], sizes = [10000, 64], strides = [1, 1]} : vector<10240x64xf32> to vector<10000x64xf32>
    %get3A_34 = arith.constant 0 : index
    %get3A_35 = arith.constant 0 : index
    %get3A_36 = vector.load %arg5[%get3A_34, %get3A_35] : memref<10000x1xi32, #tpu.memory_space<vmem>>, vector<10000x1xi32>
    %iota3A = tpu.iota {dimensions = array<i32: 1>} : vector<10000x16xi32>
    %eq3A = vector.broadcast %get3A_36 : vector<10000x1xi32> to vector<10000x16xi32>
    %eq3A_37 = arith.cmpi eq, %eq3A, %iota3A : vector<10000x16xi32>
    %convert_element_type3A = arith.extui %eq3A_37 : vector<10000x16xi1> to vector<10000x16xi32>
    %convert_element_type3A_38 = arith.sitofp %convert_element_type3A : vector<10000x16xi32> to vector<10000x16xf32>
    %get3A_39 = arith.constant 0 : index
    %get3A_40 = arith.constant 0 : index
    %get3A_41 = vector.load %arg4[%get3A_39, %get3A_40] : memref<16x64xf32, #tpu.memory_space<vmem>>, vector<16x64xf32>
    %dot_general3A = arith.constant dense<0.000000e+00> : vector<10000x64xf32>
    %dot_general3A_42 = tpu.matmul %convert_element_type3A_38, %get3A_41, %dot_general3A {dimension_numbers = #tpu.dot_dimension_numbers<[1], [0], [0], [1], [0, 0, 1, 1], [], []>, transpose_lhs_hint = false} : vector<10000x16xf32>, vector<16x64xf32>, vector<10000x64xf32> -> vector<10000x64xf32>
    %get3A_43 = arith.constant 0 : index
    %get3A_44 = arith.constant 0 : index
    %get3A_45 = vector.load %arg0[%get3A_43, %get3A_44] : memref<10000x64xf32, #tpu.memory_space<vmem>>, vector<10000x64xf32>
    %get3A_46 = arith.constant 0 : index
    %get3A_47 = arith.constant 0 : index
    %get3A_48 = vector.load %arg6[%get3A_46, %get3A_47] : memref<192x64xf32, #tpu.memory_space<vmem>>, vector<192x64xf32>
    %slice3A_49 = vector.extract_strided_slice %get3A_48 {offsets = [0, 0], sizes = [64, 64], strides = [1, 1]} : vector<192x64xf32> to vector<64x64xf32>
    %dot_general3A_50 = arith.constant dense<0.000000e+00> : vector<10000x64xf32>
    %dot_general3A_51 = tpu.matmul %get3A_45, %slice3A_49, %dot_general3A_50 {dimension_numbers = #tpu.dot_dimension_numbers<[1], [0], [0], [1], [0, 0, 1, 1], [], []>, transpose_lhs_hint = false} : vector<10000x64xf32>, vector<64x64xf32>, vector<10000x64xf32> -> vector<10000x64xf32>
    %slice3A_52 = vector.extract_strided_slice %get3A_48 {offsets = [64, 0], sizes = [64, 64], strides = [1, 1]} : vector<192x64xf32> to vector<64x64xf32>
    %dot_general3A_53 = arith.constant dense<0.000000e+00> : vector<10000x64xf32>
    %dot_general3A_54 = tpu.matmul %slice3A, %slice3A_52, %dot_general3A_53 {dimension_numbers = #tpu.dot_dimension_numbers<[1], [0], [0], [1], [0, 0, 1, 1], [], []>, transpose_lhs_hint = false} : vector<10000x64xf32>, vector<64x64xf32>, vector<10000x64xf32> -> vector<10000x64xf32>
    %add3A_55 = arith.addf %dot_general3A_51, %dot_general3A_54 : vector<10000x64xf32>
    %slice3A_56 = vector.extract_strided_slice %get3A_48 {offsets = [128, 0], sizes = [64, 64], strides = [1, 1]} : vector<192x64xf32> to vector<64x64xf32>
    %dot_general3A_57 = arith.constant dense<0.000000e+00> : vector<10000x64xf32>
    %dot_general3A_58 = tpu.matmul %dot_general3A_42, %slice3A_56, %dot_general3A_57 {dimension_numbers = #tpu.dot_dimension_numbers<[1], [0], [0], [1], [0, 0, 1, 1], [], []>, transpose_lhs_hint = false} : vector<10000x64xf32>, vector<64x64xf32>, vector<10000x64xf32> -> vector<10000x64xf32>
    %add3A_59 = arith.addf %add3A_55, %dot_general3A_58 : vector<10000x64xf32>
    %get3A_60 = arith.constant 0 : index
    %get3A_61 = arith.constant 0 : index
    %get3A_62 = vector.load %arg7[%get3A_60, %get3A_61] : memref<1x64xf32, #tpu.memory_space<vmem>>, vector<1x64xf32>
    %add3A_63 = vector.broadcast %get3A_62 : vector<1x64xf32> to vector<10000x64xf32>
    %add3A_64 = arith.addf %add3A_59, %add3A_63 : vector<10000x64xf32>
    %max3A_65 = arith.constant 0.000000e+00 : f32
    %max3A_66 = vector.broadcast %max3A_65 : f32 to vector<10000x64xf32>
    %max3A_67 = arith.maximumf %add3A_64, %max3A_66 : vector<10000x64xf32>
    %reduce_sum3A = arith.constant dense<0.000000e+00> : vector<64xf32>
    %reduce_sum3A_68 = vector.multi_reduction <add>, %max3A_67, %reduce_sum3A [0] : vector<10000x64xf32> to vector<64xf32>
    %broadcast_in_dim3A = vector.shape_cast %reduce_sum3A_68 : vector<64xf32> to vector<1x64xf32>
    %div3A_69 = arith.constant 1.000000e+04 : f32
    %div3A_70 = vector.broadcast %div3A_69 : f32 to vector<1x64xf32>
    %div3A_71 = arith.divf %broadcast_in_dim3A, %div3A_70 : vector<1x64xf32>
    %mul3A_72 = arith.mulf %max3A_67, %max3A_67 : vector<10000x64xf32>
    %reduce_sum3A_73 = arith.constant dense<0.000000e+00> : vector<64xf32>
    %reduce_sum3A_74 = vector.multi_reduction <add>, %mul3A_72, %reduce_sum3A_73 [0] : vector<10000x64xf32> to vector<64xf32>
    %broadcast_in_dim3A_75 = vector.shape_cast %reduce_sum3A_74 : vector<64xf32> to vector<1x64xf32>
    %div3A_76 = arith.constant 1.000000e+04 : f32
    %div3A_77 = vector.broadcast %div3A_76 : f32 to vector<1x64xf32>
    %div3A_78 = arith.divf %broadcast_in_dim3A_75, %div3A_77 : vector<1x64xf32>
    %mul3A_79 = arith.mulf %div3A_71, %div3A_71 : vector<1x64xf32>
    %sub3A = arith.subf %div3A_78, %mul3A_79 : vector<1x64xf32>
    %sub3A_80 = vector.broadcast %div3A_71 : vector<1x64xf32> to vector<10000x64xf32>
    %sub3A_81 = arith.subf %max3A_67, %sub3A_80 : vector<10000x64xf32>
    %get3A_82 = arith.constant 0 : index
    %get3A_83 = arith.constant 0 : index
    %get3A_84 = vector.load %arg10[%get3A_82, %get3A_83] : memref<3x64xf32, #tpu.memory_space<vmem>>, vector<1x64xf32>
    %add3A_85 = arith.constant 9.99999974E-6 : f32
    %add3A_86 = vector.broadcast %add3A_85 : f32 to vector<1x64xf32>
    %add3A_87 = arith.addf %sub3A, %add3A_86 : vector<1x64xf32>
    %rsqrt3A = math.rsqrt %add3A_87 : vector<1x64xf32>
    %mul3A_88 = arith.mulf %get3A_84, %rsqrt3A : vector<1x64xf32>
    %mul3A_89 = vector.broadcast %mul3A_88 : vector<1x64xf32> to vector<10000x64xf32>
    %mul3A_90 = arith.mulf %sub3A_81, %mul3A_89 : vector<10000x64xf32>
    %get3A_91 = arith.constant 0 : index
    %get3A_92 = arith.constant 0 : index
    %get3A_93 = vector.load %arg11[%get3A_91, %get3A_92] : memref<3x64xf32, #tpu.memory_space<vmem>>, vector<1x64xf32>
    %add3A_94 = vector.broadcast %get3A_93 : vector<1x64xf32> to vector<10000x64xf32>
    %add3A_95 = arith.addf %mul3A_90, %add3A_94 : vector<10000x64xf32>
    %get3A_96 = arith.constant 0 : index
    %get3A_97 = arith.constant 0 : index
    %get3A_98 = arith.constant 0 : index
    %get3A_99 = vector.load %arg8[%get3A_96, %get3A_97, %get3A_98] : memref<2x64x64xf32, #tpu.memory_space<vmem>>, vector<1x64x64xf32>
    %get3A_100 = vector.shape_cast %get3A_99 : vector<1x64x64xf32> to vector<64x64xf32>
    %dot_general3A_101 = arith.constant dense<0.000000e+00> : vector<10000x64xf32>
    %dot_general3A_102 = tpu.matmul %add3A_95, %get3A_100, %dot_general3A_101 {dimension_numbers = #tpu.dot_dimension_numbers<[1], [0], [0], [1], [0, 0, 1, 1], [], []>, transpose_lhs_hint = false} : vector<10000x64xf32>, vector<64x64xf32>, vector<10000x64xf32> -> vector<10000x64xf32>
    %get3A_103 = arith.constant 0 : index
    %get3A_104 = arith.constant 0 : index
    %get3A_105 = vector.load %arg9[%get3A_103, %get3A_104] : memref<2x64xf32, #tpu.memory_space<vmem>>, vector<1x64xf32>
    %add3A_106 = vector.broadcast %get3A_105 : vector<1x64xf32> to vector<10000x64xf32>
    %add3A_107 = arith.addf %dot_general3A_102, %add3A_106 : vector<10000x64xf32>
    %max3A_108 = arith.constant 0.000000e+00 : f32
    %max3A_109 = vector.broadcast %max3A_108 : f32 to vector<10000x64xf32>
    %max3A_110 = arith.maximumf %add3A_107, %max3A_109 : vector<10000x64xf32>
    %reduce_sum3A_111 = arith.constant dense<0.000000e+00> : vector<64xf32>
    %reduce_sum3A_112 = vector.multi_reduction <add>, %max3A_110, %reduce_sum3A_111 [0] : vector<10000x64xf32> to vector<64xf32>
    %broadcast_in_dim3A_113 = vector.shape_cast %reduce_sum3A_112 : vector<64xf32> to vector<1x64xf32>
    %div3A_114 = arith.constant 1.000000e+04 : f32
    %div3A_115 = vector.broadcast %div3A_114 : f32 to vector<1x64xf32>
    %div3A_116 = arith.divf %broadcast_in_dim3A_113, %div3A_115 : vector<1x64xf32>
    %mul3A_117 = arith.mulf %max3A_110, %max3A_110 : vector<10000x64xf32>
    %reduce_sum3A_118 = arith.constant dense<0.000000e+00> : vector<64xf32>
    %reduce_sum3A_119 = vector.multi_reduction <add>, %mul3A_117, %reduce_sum3A_118 [0] : vector<10000x64xf32> to vector<64xf32>
    %broadcast_in_dim3A_120 = vector.shape_cast %reduce_sum3A_119 : vector<64xf32> to vector<1x64xf32>
    %div3A_121 = arith.constant 1.000000e+04 : f32
    %div3A_122 = vector.broadcast %div3A_121 : f32 to vector<1x64xf32>
    %div3A_123 = arith.divf %broadcast_in_dim3A_120, %div3A_122 : vector<1x64xf32>
    %mul3A_124 = arith.mulf %div3A_116, %div3A_116 : vector<1x64xf32>
    %sub3A_125 = arith.subf %div3A_123, %mul3A_124 : vector<1x64xf32>
    %sub3A_126 = vector.broadcast %div3A_116 : vector<1x64xf32> to vector<10000x64xf32>
    %sub3A_127 = arith.subf %max3A_110, %sub3A_126 : vector<10000x64xf32>
    %get3A_128 = arith.constant 1 : index
    %get3A_129 = arith.constant 0 : index
    %get3A_130 = vector.load %arg10[%get3A_128, %get3A_129] : memref<3x64xf32, #tpu.memory_space<vmem>>, vector<1x64xf32>
    %add3A_131 = arith.constant 9.99999974E-6 : f32
    %add3A_132 = vector.broadcast %add3A_131 : f32 to vector<1x64xf32>
    %add3A_133 = arith.addf %sub3A_125, %add3A_132 : vector<1x64xf32>
    %rsqrt3A_134 = math.rsqrt %add3A_133 : vector<1x64xf32>
    %mul3A_135 = arith.mulf %get3A_130, %rsqrt3A_134 : vector<1x64xf32>
    %mul3A_136 = vector.broadcast %mul3A_135 : vector<1x64xf32> to vector<10000x64xf32>
    %mul3A_137 = arith.mulf %sub3A_127, %mul3A_136 : vector<10000x64xf32>
    %get3A_138 = arith.constant 1 : index
    %get3A_139 = arith.constant 0 : index
    %get3A_140 = vector.load %arg11[%get3A_138, %get3A_139] : memref<3x64xf32, #tpu.memory_space<vmem>>, vector<1x64xf32>
    %add3A_141 = vector.broadcast %get3A_140 : vector<1x64xf32> to vector<10000x64xf32>
    %add3A_142 = arith.addf %mul3A_137, %add3A_141 : vector<10000x64xf32>
    %get3A_143 = arith.constant 1 : index
    %get3A_144 = arith.constant 0 : index
    %get3A_145 = arith.constant 0 : index
    %get3A_146 = vector.load %arg8[%get3A_143, %get3A_144, %get3A_145] : memref<2x64x64xf32, #tpu.memory_space<vmem>>, vector<1x64x64xf32>
    %get3A_147 = vector.shape_cast %get3A_146 : vector<1x64x64xf32> to vector<64x64xf32>
    %dot_general3A_148 = arith.constant dense<0.000000e+00> : vector<10000x64xf32>
    %dot_general3A_149 = tpu.matmul %add3A_142, %get3A_147, %dot_general3A_148 {dimension_numbers = #tpu.dot_dimension_numbers<[1], [0], [0], [1], [0, 0, 1, 1], [], []>, transpose_lhs_hint = false} : vector<10000x64xf32>, vector<64x64xf32>, vector<10000x64xf32> -> vector<10000x64xf32>
    %get3A_150 = arith.constant 1 : index
    %get3A_151 = arith.constant 0 : index
    %get3A_152 = vector.load %arg9[%get3A_150, %get3A_151] : memref<2x64xf32, #tpu.memory_space<vmem>>, vector<1x64xf32>
    %add3A_153 = vector.broadcast %get3A_152 : vector<1x64xf32> to vector<10000x64xf32>
    %add3A_154 = arith.addf %dot_general3A_149, %add3A_153 : vector<10000x64xf32>
    %max3A_155 = arith.constant 0.000000e+00 : f32
    %max3A_156 = vector.broadcast %max3A_155 : f32 to vector<10000x64xf32>
    %max3A_157 = arith.maximumf %add3A_154, %max3A_156 : vector<10000x64xf32>
    %reduce_sum3A_158 = arith.constant dense<0.000000e+00> : vector<64xf32>
    %reduce_sum3A_159 = vector.multi_reduction <add>, %max3A_157, %reduce_sum3A_158 [0] : vector<10000x64xf32> to vector<64xf32>
    %broadcast_in_dim3A_160 = vector.shape_cast %reduce_sum3A_159 : vector<64xf32> to vector<1x64xf32>
    %div3A_161 = arith.constant 1.000000e+04 : f32
    %div3A_162 = vector.broadcast %div3A_161 : f32 to vector<1x64xf32>
    %div3A_163 = arith.divf %broadcast_in_dim3A_160, %div3A_162 : vector<1x64xf32>
    %mul3A_164 = arith.mulf %max3A_157, %max3A_157 : vector<10000x64xf32>
    %reduce_sum3A_165 = arith.constant dense<0.000000e+00> : vector<64xf32>
    %reduce_sum3A_166 = vector.multi_reduction <add>, %mul3A_164, %reduce_sum3A_165 [0] : vector<10000x64xf32> to vector<64xf32>
    %broadcast_in_dim3A_167 = vector.shape_cast %reduce_sum3A_166 : vector<64xf32> to vector<1x64xf32>
    %div3A_168 = arith.constant 1.000000e+04 : f32
    %div3A_169 = vector.broadcast %div3A_168 : f32 to vector<1x64xf32>
    %div3A_170 = arith.divf %broadcast_in_dim3A_167, %div3A_169 : vector<1x64xf32>
    %mul3A_171 = arith.mulf %div3A_163, %div3A_163 : vector<1x64xf32>
    %sub3A_172 = arith.subf %div3A_170, %mul3A_171 : vector<1x64xf32>
    %sub3A_173 = vector.broadcast %div3A_163 : vector<1x64xf32> to vector<10000x64xf32>
    %sub3A_174 = arith.subf %max3A_157, %sub3A_173 : vector<10000x64xf32>
    %get3A_175 = arith.constant 2 : index
    %get3A_176 = arith.constant 0 : index
    %get3A_177 = vector.load %arg10[%get3A_175, %get3A_176] : memref<3x64xf32, #tpu.memory_space<vmem>>, vector<1x64xf32>
    %add3A_178 = arith.constant 9.99999974E-6 : f32
    %add3A_179 = vector.broadcast %add3A_178 : f32 to vector<1x64xf32>
    %add3A_180 = arith.addf %sub3A_172, %add3A_179 : vector<1x64xf32>
    %rsqrt3A_181 = math.rsqrt %add3A_180 : vector<1x64xf32>
    %mul3A_182 = arith.mulf %get3A_177, %rsqrt3A_181 : vector<1x64xf32>
    %mul3A_183 = vector.broadcast %mul3A_182 : vector<1x64xf32> to vector<10000x64xf32>
    %mul3A_184 = arith.mulf %sub3A_174, %mul3A_183 : vector<10000x64xf32>
    %get3A_185 = arith.constant 2 : index
    %get3A_186 = arith.constant 0 : index
    %get3A_187 = vector.load %arg11[%get3A_185, %get3A_186] : memref<3x64xf32, #tpu.memory_space<vmem>>, vector<1x64xf32>
    %add3A_188 = vector.broadcast %get3A_187 : vector<1x64xf32> to vector<10000x64xf32>
    %add3A_189 = arith.addf %mul3A_184, %add3A_188 : vector<10000x64xf32>
    %swap3A = arith.constant 0 : index
    %swap3A_190 = arith.constant 0 : index
    %swap3A_191 = vector.load %arg18[%swap3A, %swap3A_190] : memref<10000x64xf32, #tpu.memory_space<vmem>>, vector<10000x64xf32>
    tpu.vector_store %arg18[%swap3A, %swap3A_190], %add3A_189 {strides = array<i32>} : memref<10000x64xf32, #tpu.memory_space<vmem>>, vector<10000x64xf32>,
    %broadcast_in_dim3A_192 = arith.constant 1.000000e+00 : f32
    %broadcast_in_dim3A_193 = vector.broadcast %broadcast_in_dim3A_192 : f32 to vector<10000x1xf32>
    %dot_general3A_194 = arith.constant dense<0.000000e+00> : vector<16x1xf32>
    %dot_general3A_195 = tpu.matmul %convert_element_type3A_38, %broadcast_in_dim3A_193, %dot_general3A_194 {dimension_numbers = #tpu.dot_dimension_numbers<[0], [0], [1], [1], [0, 1, 1, 1], [], []>, transpose_lhs_hint = false} : vector<10000x16xf32>, vector<10000x1xf32>, vector<16x1xf32> -> vector<16x1xf32>
    %max3A_196 = arith.constant 1.000000e+00 : f32
    %max3A_197 = vector.broadcast %max3A_196 : f32 to vector<16x1xf32>
    %max3A_198 = arith.maximumf %dot_general3A_195, %max3A_197 : vector<16x1xf32>
    %dot_general3A_199 = arith.constant dense<0.000000e+00> : vector<16x64xf32>
    %dot_general3A_200 = tpu.matmul %convert_element_type3A_38, %slice3A, %dot_general3A_199 {dimension_numbers = #tpu.dot_dimension_numbers<[0], [0], [1], [1], [0, 1, 1, 1], [], []>, transpose_lhs_hint = false} : vector<10000x16xf32>, vector<10000x64xf32>, vector<16x64xf32> -> vector<16x64xf32>
    %div3A_201 = vector.broadcast %max3A_198 : vector<16x1xf32> to vector<16x64xf32>
    %div3A_202 = arith.divf %dot_general3A_200, %div3A_201 : vector<16x64xf32>
    %dot_general3A_203 = arith.constant dense<0.000000e+00> : vector<16x64xf32>
    %dot_general3A_204 = tpu.matmul %convert_element_type3A_38, %add3A_189, %dot_general3A_203 {dimension_numbers = #tpu.dot_dimension_numbers<[0], [0], [1], [1], [0, 1, 1, 1], [], []>, transpose_lhs_hint = false} : vector<10000x16xf32>, vector<10000x64xf32>, vector<16x64xf32> -> vector<16x64xf32>
    %div3A_205 = vector.broadcast %max3A_198 : vector<16x1xf32> to vector<16x64xf32>
    %div3A_206 = arith.divf %dot_general3A_204, %div3A_205 : vector<16x64xf32>
    %get3A_207 = arith.constant 0 : index
    %get3A_208 = arith.constant 0 : index
    %get3A_209 = vector.load %arg12[%get3A_207, %get3A_208] : memref<192x64xf32, #tpu.memory_space<vmem>>, vector<192x64xf32>
    %slice3A_210 = vector.extract_strided_slice %get3A_209 {offsets = [0, 0], sizes = [64, 64], strides = [1, 1]} : vector<192x64xf32> to vector<64x64xf32>
    %dot_general3A_211 = arith.constant dense<0.000000e+00> : vector<16x64xf32>
    %dot_general3A_212 = tpu.matmul %div3A_202, %slice3A_210, %dot_general3A_211 {dimension_numbers = #tpu.dot_dimension_numbers<[1], [0], [0], [1], [0, 0, 1, 1], [], []>, transpose_lhs_hint = false} : vector<16x64xf32>, vector<64x64xf32>, vector<16x64xf32> -> vector<16x64xf32>
    %slice3A_213 = vector.extract_strided_slice %get3A_209 {offsets = [64, 0], sizes = [64, 64], strides = [1, 1]} : vector<192x64xf32> to vector<64x64xf32>
    %dot_general3A_214 = arith.constant dense<0.000000e+00> : vector<16x64xf32>
    %dot_general3A_215 = tpu.matmul %div3A_206, %slice3A_213, %dot_general3A_214 {dimension_numbers = #tpu.dot_dimension_numbers<[1], [0], [0], [1], [0, 0, 1, 1], [], []>, transpose_lhs_hint = false} : vector<16x64xf32>, vector<64x64xf32>, vector<16x64xf32> -> vector<16x64xf32>
    %add3A_216 = arith.addf %dot_general3A_212, %dot_general3A_215 : vector<16x64xf32>
    %slice3A_217 = vector.extract_strided_slice %get3A_209 {offsets = [128, 0], sizes = [64, 64], strides = [1, 1]} : vector<192x64xf32> to vector<64x64xf32>
    %dot_general3A_218 = arith.constant dense<0.000000e+00> : vector<16x64xf32>
    %dot_general3A_219 = tpu.matmul %get3A_41, %slice3A_217, %dot_general3A_218 {dimension_numbers = #tpu.dot_dimension_numbers<[1], [0], [0], [1], [0, 0, 1, 1], [], []>, transpose_lhs_hint = false} : vector<16x64xf32>, vector<64x64xf32>, vector<16x64xf32> -> vector<16x64xf32>
    %add3A_220 = arith.addf %add3A_216, %dot_general3A_219 : vector<16x64xf32>
    %get3A_221 = arith.constant 0 : index
    %get3A_222 = arith.constant 0 : index
    %get3A_223 = vector.load %arg13[%get3A_221, %get3A_222] : memref<1x64xf32, #tpu.memory_space<vmem>>, vector<1x64xf32>
    %add3A_224 = vector.broadcast %get3A_223 : vector<1x64xf32> to vector<16x64xf32>
    %add3A_225 = arith.addf %add3A_220, %add3A_224 : vector<16x64xf32>
    %max3A_226 = arith.constant 0.000000e+00 : f32
    %max3A_227 = vector.broadcast %max3A_226 : f32 to vector<16x64xf32>
    %max3A_228 = arith.maximumf %add3A_225, %max3A_227 : vector<16x64xf32>
    %reduce_sum3A_229 = arith.constant dense<0.000000e+00> : vector<64xf32>
    %reduce_sum3A_230 = vector.multi_reduction <add>, %max3A_228, %reduce_sum3A_229 [0] : vector<16x64xf32> to vector<64xf32>
    %broadcast_in_dim3A_231 = vector.shape_cast %reduce_sum3A_230 : vector<64xf32> to vector<1x64xf32>
    %div3A_232 = arith.constant 1.600000e+01 : f32
    %div3A_233 = vector.broadcast %div3A_232 : f32 to vector<1x64xf32>
    %div3A_234 = arith.divf %broadcast_in_dim3A_231, %div3A_233 : vector<1x64xf32>
    %mul3A_235 = arith.mulf %max3A_228, %max3A_228 : vector<16x64xf32>
    %reduce_sum3A_236 = arith.constant dense<0.000000e+00> : vector<64xf32>
    %reduce_sum3A_237 = vector.multi_reduction <add>, %mul3A_235, %reduce_sum3A_236 [0] : vector<16x64xf32> to vector<64xf32>
    %broadcast_in_dim3A_238 = vector.shape_cast %reduce_sum3A_237 : vector<64xf32> to vector<1x64xf32>
    %div3A_239 = arith.constant 1.600000e+01 : f32
    %div3A_240 = vector.broadcast %div3A_239 : f32 to vector<1x64xf32>
    %div3A_241 = arith.divf %broadcast_in_dim3A_238, %div3A_240 : vector<1x64xf32>
    %mul3A_242 = arith.mulf %div3A_234, %div3A_234 : vector<1x64xf32>
    %sub3A_243 = arith.subf %div3A_241, %mul3A_242 : vector<1x64xf32>
    %sub3A_244 = vector.broadcast %div3A_234 : vector<1x64xf32> to vector<16x64xf32>
    %sub3A_245 = arith.subf %max3A_228, %sub3A_244 : vector<16x64xf32>
    %get3A_246 = arith.constant 0 : index
    %get3A_247 = arith.constant 0 : index
    %get3A_248 = vector.load %arg16[%get3A_246, %get3A_247] : memref<3x64xf32, #tpu.memory_space<vmem>>, vector<1x64xf32>
    %add3A_249 = arith.constant 9.99999974E-6 : f32
    %add3A_250 = vector.broadcast %add3A_249 : f32 to vector<1x64xf32>
    %add3A_251 = arith.addf %sub3A_243, %add3A_250 : vector<1x64xf32>
    %rsqrt3A_252 = math.rsqrt %add3A_251 : vector<1x64xf32>
    %mul3A_253 = arith.mulf %get3A_248, %rsqrt3A_252 : vector<1x64xf32>
    %mul3A_254 = vector.broadcast %mul3A_253 : vector<1x64xf32> to vector<16x64xf32>
    %mul3A_255 = arith.mulf %sub3A_245, %mul3A_254 : vector<16x64xf32>
    %get3A_256 = arith.constant 0 : index
    %get3A_257 = arith.constant 0 : index
    %get3A_258 = vector.load %arg17[%get3A_256, %get3A_257] : memref<3x64xf32, #tpu.memory_space<vmem>>, vector<1x64xf32>
    %add3A_259 = vector.broadcast %get3A_258 : vector<1x64xf32> to vector<16x64xf32>
    %add3A_260 = arith.addf %mul3A_255, %add3A_259 : vector<16x64xf32>
    %get3A_261 = arith.constant 0 : index
    %get3A_262 = arith.constant 0 : index
    %get3A_263 = arith.constant 0 : index
    %get3A_264 = vector.load %arg14[%get3A_261, %get3A_262, %get3A_263] : memref<2x64x64xf32, #tpu.memory_space<vmem>>, vector<1x64x64xf32>
    %get3A_265 = vector.shape_cast %get3A_264 : vector<1x64x64xf32> to vector<64x64xf32>
    %dot_general3A_266 = arith.constant dense<0.000000e+00> : vector<16x64xf32>
    %dot_general3A_267 = tpu.matmul %add3A_260, %get3A_265, %dot_general3A_266 {dimension_numbers = #tpu.dot_dimension_numbers<[1], [0], [0], [1], [0, 0, 1, 1], [], []>, transpose_lhs_hint = false} : vector<16x64xf32>, vector<64x64xf32>, vector<16x64xf32> -> vector<16x64xf32>
    %get3A_268 = arith.constant 0 : index
    %get3A_269 = arith.constant 0 : index
    %get3A_270 = vector.load %arg15[%get3A_268, %get3A_269] : memref<2x64xf32, #tpu.memory_space<vmem>>, vector<1x64xf32>
    %add3A_271 = vector.broadcast %get3A_270 : vector<1x64xf32> to vector<16x64xf32>
    %add3A_272 = arith.addf %dot_general3A_267, %add3A_271 : vector<16x64xf32>
    %max3A_273 = arith.constant 0.000000e+00 : f32
    %max3A_274 = vector.broadcast %max3A_273 : f32 to vector<16x64xf32>
    %max3A_275 = arith.maximumf %add3A_272, %max3A_274 : vector<16x64xf32>
    %reduce_sum3A_276 = arith.constant dense<0.000000e+00> : vector<64xf32>
    %reduce_sum3A_277 = vector.multi_reduction <add>, %max3A_275, %reduce_sum3A_276 [0] : vector<16x64xf32> to vector<64xf32>
    %broadcast_in_dim3A_278 = vector.shape_cast %reduce_sum3A_277 : vector<64xf32> to vector<1x64xf32>
    %div3A_279 = arith.constant 1.600000e+01 : f32
    %div3A_280 = vector.broadcast %div3A_279 : f32 to vector<1x64xf32>
    %div3A_281 = arith.divf %broadcast_in_dim3A_278, %div3A_280 : vector<1x64xf32>
    %mul3A_282 = arith.mulf %max3A_275, %max3A_275 : vector<16x64xf32>
    %reduce_sum3A_283 = arith.constant dense<0.000000e+00> : vector<64xf32>
    %reduce_sum3A_284 = vector.multi_reduction <add>, %mul3A_282, %reduce_sum3A_283 [0] : vector<16x64xf32> to vector<64xf32>
    %broadcast_in_dim3A_285 = vector.shape_cast %reduce_sum3A_284 : vector<64xf32> to vector<1x64xf32>
    %div3A_286 = arith.constant 1.600000e+01 : f32
    %div3A_287 = vector.broadcast %div3A_286 : f32 to vector<1x64xf32>
    %div3A_288 = arith.divf %broadcast_in_dim3A_285, %div3A_287 : vector<1x64xf32>
    %mul3A_289 = arith.mulf %div3A_281, %div3A_281 : vector<1x64xf32>
    %sub3A_290 = arith.subf %div3A_288, %mul3A_289 : vector<1x64xf32>
    %sub3A_291 = vector.broadcast %div3A_281 : vector<1x64xf32> to vector<16x64xf32>
    %sub3A_292 = arith.subf %max3A_275, %sub3A_291 : vector<16x64xf32>
    %get3A_293 = arith.constant 1 : index
    %get3A_294 = arith.constant 0 : index
    %get3A_295 = vector.load %arg16[%get3A_293, %get3A_294] : memref<3x64xf32, #tpu.memory_space<vmem>>, vector<1x64xf32>
    %add3A_296 = arith.constant 9.99999974E-6 : f32
    %add3A_297 = vector.broadcast %add3A_296 : f32 to vector<1x64xf32>
    %add3A_298 = arith.addf %sub3A_290, %add3A_297 : vector<1x64xf32>
    %rsqrt3A_299 = math.rsqrt %add3A_298 : vector<1x64xf32>
    %mul3A_300 = arith.mulf %get3A_295, %rsqrt3A_299 : vector<1x64xf32>
    %mul3A_301 = vector.broadcast %mul3A_300 : vector<1x64xf32> to vector<16x64xf32>
    %mul3A_302 = arith.mulf %sub3A_292, %mul3A_301 : vector<16x64xf32>
    %get3A_303 = arith.constant 1 : index
    %get3A_304 = arith.constant 0 : index
    %get3A_305 = vector.load %arg17[%get3A_303, %get3A_304] : memref<3x64xf32, #tpu.memory_space<vmem>>, vector<1x64xf32>
    %add3A_306 = vector.broadcast %get3A_305 : vector<1x64xf32> to vector<16x64xf32>
    %add3A_307 = arith.addf %mul3A_302, %add3A_306 : vector<16x64xf32>
    %get3A_308 = arith.constant 1 : index
    %get3A_309 = arith.constant 0 : index
    %get3A_310 = arith.constant 0 : index
    %get3A_311 = vector.load %arg14[%get3A_308, %get3A_309, %get3A_310] : memref<2x64x64xf32, #tpu.memory_space<vmem>>, vector<1x64x64xf32>
    %get3A_312 = vector.shape_cast %get3A_311 : vector<1x64x64xf32> to vector<64x64xf32>
    %dot_general3A_313 = arith.constant dense<0.000000e+00> : vector<16x64xf32>
    %dot_general3A_314 = tpu.matmul %add3A_307, %get3A_312, %dot_general3A_313 {dimension_numbers = #tpu.dot_dimension_numbers<[1], [0], [0], [1], [0, 0, 1, 1], [], []>, transpose_lhs_hint = false} : vector<16x64xf32>, vector<64x64xf32>, vector<16x64xf32> -> vector<16x64xf32>
    %get3A_315 = arith.constant 1 : index
    %get3A_316 = arith.constant 0 : index
    %get3A_317 = vector.load %arg15[%get3A_315, %get3A_316] : memref<2x64xf32, #tpu.memory_space<vmem>>, vector<1x64xf32>
    %add3A_318 = vector.broadcast %get3A_317 : vector<1x64xf32> to vector<16x64xf32>
    %add3A_319 = arith.addf %dot_general3A_314, %add3A_318 : vector<16x64xf32>
    %max3A_320 = arith.constant 0.000000e+00 : f32
    %max3A_321 = vector.broadcast %max3A_320 : f32 to vector<16x64xf32>
    %max3A_322 = arith.maximumf %add3A_319, %max3A_321 : vector<16x64xf32>
    %reduce_sum3A_323 = arith.constant dense<0.000000e+00> : vector<64xf32>
    %reduce_sum3A_324 = vector.multi_reduction <add>, %max3A_322, %reduce_sum3A_323 [0] : vector<16x64xf32> to vector<64xf32>
    %broadcast_in_dim3A_325 = vector.shape_cast %reduce_sum3A_324 : vector<64xf32> to vector<1x64xf32>
    %div3A_326 = arith.constant 1.600000e+01 : f32
    %div3A_327 = vector.broadcast %div3A_326 : f32 to vector<1x64xf32>
    %div3A_328 = arith.divf %broadcast_in_dim3A_325, %div3A_327 : vector<1x64xf32>
    %mul3A_329 = arith.mulf %max3A_322, %max3A_322 : vector<16x64xf32>
    %reduce_sum3A_330 = arith.constant dense<0.000000e+00> : vector<64xf32>
    %reduce_sum3A_331 = vector.multi_reduction <add>, %mul3A_329, %reduce_sum3A_330 [0] : vector<16x64xf32> to vector<64xf32>
    %broadcast_in_dim3A_332 = vector.shape_cast %reduce_sum3A_331 : vector<64xf32> to vector<1x64xf32>
    %div3A_333 = arith.constant 1.600000e+01 : f32
    %div3A_334 = vector.broadcast %div3A_333 : f32 to vector<1x64xf32>
    %div3A_335 = arith.divf %broadcast_in_dim3A_332, %div3A_334 : vector<1x64xf32>
    %mul3A_336 = arith.mulf %div3A_328, %div3A_328 : vector<1x64xf32>
    %sub3A_337 = arith.subf %div3A_335, %mul3A_336 : vector<1x64xf32>
    %sub3A_338 = vector.broadcast %div3A_328 : vector<1x64xf32> to vector<16x64xf32>
    %sub3A_339 = arith.subf %max3A_322, %sub3A_338 : vector<16x64xf32>
    %get3A_340 = arith.constant 2 : index
    %get3A_341 = arith.constant 0 : index
    %get3A_342 = vector.load %arg16[%get3A_340, %get3A_341] : memref<3x64xf32, #tpu.memory_space<vmem>>, vector<1x64xf32>
    %add3A_343 = arith.constant 9.99999974E-6 : f32
    %add3A_344 = vector.broadcast %add3A_343 : f32 to vector<1x64xf32>
    %add3A_345 = arith.addf %sub3A_337, %add3A_344 : vector<1x64xf32>
    %rsqrt3A_346 = math.rsqrt %add3A_345 : vector<1x64xf32>
    %mul3A_347 = arith.mulf %get3A_342, %rsqrt3A_346 : vector<1x64xf32>
    %mul3A_348 = vector.broadcast %mul3A_347 : vector<1x64xf32> to vector<16x64xf32>
    %mul3A_349 = arith.mulf %sub3A_339, %mul3A_348 : vector<16x64xf32>
    %get3A_350 = arith.constant 2 : index
    %get3A_351 = arith.constant 0 : index
    %get3A_352 = vector.load %arg17[%get3A_350, %get3A_351] : memref<3x64xf32, #tpu.memory_space<vmem>>, vector<1x64xf32>
    %add3A_353 = vector.broadcast %get3A_352 : vector<1x64xf32> to vector<16x64xf32>
    %add3A_354 = arith.addf %mul3A_349, %add3A_353 : vector<16x64xf32>
    %swap3A_355 = arith.constant 0 : index
    %swap3A_356 = arith.constant 0 : index
    %swap3A_357 = vector.load %arg19[%swap3A_355, %swap3A_356] : memref<16x64xf32, #tpu.memory_space<vmem>>, vector<16x64xf32>
    tpu.vector_store %arg19[%swap3A_355, %swap3A_356], %add3A_354 {strides = array<i32>} : memref<16x64xf32, #tpu.memory_space<vmem>>, vector<16x64xf32>,
    return
  }
}

</mosaic_0001>

<sc_bundles>
// kernel: kernel.10.cloned.1.call-start
scs
__scs_entry_jumppad:
0x0: {  	(pc) =	sbr.rel $0x88, $3  }
0x1: {  	(tag) =	ssettag $0x0;
	lr =	simm.s32 $0x1  }
0x2: {  	[smem:$0x3F8A] =	sst lr;
	_ =	strace $0xD0000000  }
0x3: {  	_ = 	snop  }
0x4: {  	_ = 	snop  }
0x5: {  	_ = 	snop  }
0x6: {  	_ = 	snop  }
0x7: {  	_ = 	snop  }
__scs_overlays_trampoline_lowered:
0x8: {  	[smem:$0x3F99] =	sst s0  }
0x9: {  	[smem:$0x3F9A] =	sst s1  }
0xa: {  	[smem:$0x3F9B] =	sst s2  }
0xb: {  	[smem:$0x3F9C] =	sst s3  }
0xc: {  	[smem:$0x3F9D] =	sst s4  }
0xd: {  	[smem:$0x3F9E] =	sst s5  }
0xe: {  	[smem:$0x3F9F] =	sst s6  }
0xf: {  	[smem:$0x3FA0] =	sst s7  }
0x10: {  	[smem:$0x3FA1] =	sst s8  }
0x11: {  	[smem:$0x3FA2] =	sst s9;
	s0 =	simm.s32 @!p0 $0x0  }
0x12: {  	s1 =	sld [smem:$0x3F88];
	s0 =	simm.s32 @p0 $0x1  }
0x13: {  	[smem:$0x3FA3] =	sst s0;
	s0 =	simm.s32 @!p1 $0x0  }
0x14: {  	s2 =	sld [smem:$0x3F87];
	s0 =	simm.s32 @p1 $0x1  }
0x15: {  	[smem:$0x3FA4] =	sst s0;
	s0 =	simm.s32 @!p2 $0x0  }
0x16: {  	s3 =	sld [smem:$0x3FDB];
	s0 =	simm.s32 @p2 $0x1  }
0x17: {  	s4 =	simm.s32 $0x1BF5;
	[smem:$0x3FA6] =	sst s0  }
0x18: {  	s0 =	sld [smem:$0x3F89];
	_ =	swait.ge [sflag:s4], $0x0  }
0x19: {  	s7 =	sld [smem:$0x3F8A]  }
0x1a: {  	s8 =	sadd.s32 $0xFFFFE003, lr  }
0x1b: {  	s9 =	sadd.s32 $0xFFFFFEF7, lr;
	s5 =	simm.s32 $0xFFFFFFFF;
	p2 =	slt.u32 s8, $0xFFFFF086  }
0x1c: {  	p1 =	slt.u32 s9, $0xF7A;
	s5 =	simm.s32 @!p2 $0x0  }
0x1d: {  	s5 =	simm.s32 @p1 $0x1;
	p0 =	seq.s32 s7, s2  }
0x1e: {  	s7 =	smul.u32 @!p0 $0xF7A, s2;
	p2 =	seq.s32 @!p0 s5, $0x0  }
0x1f: {  	s9 =	smul.u32 $0xF7A, s1;
	s8 =	simm.s32 @!p0 $0x1BF5;
	p2 =	por !p2, p0  }
0x20: {  	[sflag:s8] =	ssyncset.s32 @!p0 $0xFFFFF086;
	s6 =	sadd.s32 @!p0 s3, s7;
	s7 =	simm.s32 @!p0 $0x108  }
0x21: {  	s3 =	sadd.s32 s3, s9;
	s6 =	sadd.s32 @!p0 $0x88, s6;
	s7 =	simm.s32 @p2 $0x1082  }
0x22: {  	[simem:s7], [sflag:s8] =	dma.local @!p0 [hbm:s6], $0xF7A  }
0x23: {  	s9 =	sor.u32 $0xD0000000, s2;
	s6 =	simm.s32 $0x108;
	_ =	swait.ge @!p0 [sflag:s8], $0x0  }
0x24: {  	s3 =	sadd.s32 $0x88, s3;
	s6 =	simm.s32 @!p1 $0x1082;
	[sflag:s4] =	ssyncset.s32 $0xFFFFF086  }
0x25: {  	[simem:s6], [sflag:s4] =	dma.local [hbm:s3], $0xF7A  }
0x26: {  	[smem:$0x3F8A] =	sst s1;
	(tag) =	ssettag s2;
	_ =	strace s9  }
0x27: {  	s1 =	sld [smem:$0x3F9A]  }
0x28: {  	s2 =	sld [smem:$0x3F9B]  }
0x29: {  	s4 =	sld [smem:$0x3F9D]  }
0x2a: {  	p0 =	seq.s32 s5, $0x0;
	s5 =	sld [smem:$0x3F9E]  }
0x2b: {  	s6 =	sld [smem:$0x3F9F]  }
0x2c: {  	s7 =	sld [smem:$0x3FA0]  }
0x2d: {  	s3 =	simm.s32 $0x108;
	s8 =	sld [smem:$0x3FA1]  }
0x2e: {  	s3 =	simm.s32 @!p0 $0x1082;
	s9 =	sld [smem:$0x3FA2]  }
0x2f: {  	lr =	sadd.s32 s0, s3;
	s0 =	sld [smem:$0x3F99]  }
0x30: {  	s3 =	sld [smem:$0x3F9C]  }
0x31: {  	[smem:$0x3FA5] =	sst s10  }
0x32: {  	s10 =	sld [smem:$0x3FA3];
	_ =	sdelay $0x3  }
0x33: {  	p0 =	seq.s32 s10, $0x1;
	s10 =	sld [smem:$0x3FA5];
	_ =	sdelay $0x3  }
0x34: {  	[smem:$0x3FA5] =	sst s10  }
0x35: {  	s10 =	sld [smem:$0x3FA4];
	_ =	sdelay $0x3  }
0x36: {  	p1 =	seq.s32 s10, $0x1;
	s10 =	sld [smem:$0x3FA5];
	_ =	sdelay $0x3  }
0x37: {  	[smem:$0x3FA5] =	sst s10  }
0x38: {  	s10 =	sld [smem:$0x3FA6]  }
0x39: {  	_ = 	snop;
	(pc) =	sbr.ind lr, $3  }
0x3a: {  	_ = 	snop  }
0x3b: {  	_ = 	snop  }
0x3c: {  	p2 =	seq.s32 s10, $0x1;
	s10 =	sld [smem:$0x3FA5]  }
0x3d: {  	_ =	shalt  }
0x3e: {  	_ =	shalt  }
0x3f: {  	_ =	shalt  }
0x40: {  	_ =	shalt  }
0x41: {  	_ =	shalt  }
0x42: {  	_ =	shalt  }
0x43: {  	_ =	shalt  }
0x44: {  	_ =	shalt  }
0x45: {  	_ =	shalt  }
0x46: {  	_ =	shalt  }
0x47: {  	_ =	shalt  }
0x48: {  	_ =	shalt  }
0x49: {  	_ =	shalt  }
0x4a: {  	_ =	shalt  }
0x4b: {  	_ =	shalt  }
0x4c: {  	_ =	shalt  }
0x4d: {  	_ =	shalt  }
0x4e: {  	_ =	shalt  }
0x4f: {  	_ =	shalt  }
0x50: {  	_ =	shalt  }
0x51: {  	_ =	shalt  }
0x52: {  	_ =	shalt  }
0x53: {  	_ =	shalt  }
0x54: {  	_ =	shalt  }
0x55: {  	_ =	shalt  }
0x56: {  	_ =	shalt  }
0x57: {  	_ =	shalt  }
0x58: {  	_ =	shalt  }
0x59: {  	_ =	shalt  }
0x5a: {  	_ =	shalt  }
0x5b: {  	_ =	shalt  }
0x5c: {  	_ =	shalt  }
0x5d: {  	_ =	shalt  }
0x5e: {  	_ =	shalt  }
0x5f: {  	_ =	shalt  }
0x60: {  	_ =	shalt  }
0x61: {  	_ =	shalt  }
0x62: {  	_ =	shalt  }
0x63: {  	_ =	shalt  }
0x64: {  	_ =	shalt  }
0x65: {  	_ =	shalt  }
0x66: {  	_ =	shalt  }
0x67: {  	_ =	shalt  }
0x68: {  	_ =	shalt  }
0x69: {  	_ =	shalt  }
0x6a: {  	_ =	shalt  }
0x6b: {  	_ =	shalt  }
0x6c: {  	_ =	shalt  }
0x6d: {  	_ =	shalt  }
0x6e: {  	_ =	shalt  }
0x6f: {  	_ =	shalt  }
0x70: {  	_ =	shalt  }
0x71: {  	_ =	shalt  }
0x72: {  	_ =	shalt  }
0x73: {  	_ =	shalt  }
0x74: {  	_ =	shalt  }
0x75: {  	_ =	shalt  }
0x76: {  	_ =	shalt  }
0x77: {  	_ =	shalt  }
0x78: {  	_ =	shalt  }
0x79: {  	_ =	shalt  }
0x7a: {  	_ =	shalt  }
0x7b: {  	_ =	shalt  }
0x7c: {  	_ =	shalt  }
0x7d: {  	_ =	shalt  }
0x7e: {  	_ =	shalt  }
0x7f: {  	_ =	shalt  }
0x80: {  	_ =	shalt  }
0x81: {  	_ =	shalt  }
0x82: {  	_ =	shalt  }
0x83: {  	_ =	shalt  }
0x84: {  	_ =	shalt  }
0x85: {  	_ =	shalt  }
0x86: {  	_ =	shalt  }
0x87: {  	_ =	shalt  }
.Lfunc_end0:
.L_simem_size_0:
called_computation.2_lowered:
.L_overlay_start_0:
0x88: {  	s2 =	sld [smem:$0x3FD9]  }
0x89: {  	s3 =	sld [smem:$0x3FFE];
	_ =	sdelay $0x1  }
0x8a: {  	s1 =	srdreg.scid  }
0x8b: {  	s0 =	sand.u32 $0x1, s1  }
0x8c: {  	s15 =	sshll.u32 s0, $0xA;
	s2 =	sadd.s32 s3, s2  }
0x8d: {  	s2 =	sadd.s32 s2, s15  }
0x8e: {  	[smem:$0x3FB1] =	sst s2  }
0x8f: {  	_ = 	snop  }
0x90: {  	s2 =	sld [smem:$0x3FD0];
	_ =	sdelay $0x2  }
0x91: {  	s4 =	simm.s32 $0xB;
	s16 =	simm.s32 $0x10  }
0x92: {  	[smem:s16], [sflag:s4] =	dma.local [hbm:s2], $0x1  }
0x93: {  	_ =	swait.eq [sflag:s4], $0x1  }
0x94: {  	[sflag:s4] =	ssyncset.done $0x0  }
0x95: {  	s17 =	sld [smem:$0x10];
	[sflag:s4] =	ssyncadd.s32 $0xFFFFFFFF  }
0x96: {  	s18 =	sld [smem:$0x12];
	(tm) =	ssettm $0x1  }
0x97: {  	s19 =	sld [smem:$0x3FFB];
	_ =	sdelay $0x3  }
0x98: {  	_ =	strace s19  }
0x99: {  	s2 =	sld [smem:$0x3FFC];
	_ =	sdelay $0x3  }
0x9a: {  	_ =	strace s2  }
0x9b: {  	s2 =	sld [smem:$0x3FFD];
	_ =	sdelay $0x3  }
0x9c: {  	_ =	strace s2  }
0x9d: {  	_ =	strace $0x8FFFFFFF  }
0x9e: {  	s20 =	sld [smem:$0x3FDB];
	_ =	sdelay $0x1  }
0x9f: {  	s5 =	simm.s32 $_scs_section_size  }
0xa0: {  	s6 =	simm.s32 $_size__tile_overlayer_lowered;
	s7 =	simm.s32 $_tile_overlayer_lowered  }
0xa1: {  	s8 =	simm.s32 $0x1BFF;
	s21 =	sshll.u32 s7, $0x1;
	s5 =	sadd.s32 s5, s20  }
0xa2: {  	s22 =	simm.s32 $0x0;
	s6 =	sshll.u32 s6, $0x1;
	s7 =	sadd.s32 s21, s5  }
0xa3: {  	[timem:s22], [sflag:s8] =	dma.local [hbm:s7], s6  }
0xa4: {  	_ =	swait.ge [sflag:s8], s6  }
0xa5: {  	s6 =	ssub.s32 $0x0, s6;
	[sflag:s8] =	ssyncset.done $0x0  }
0xa6: {  	[sflag:s8] =	ssyncadd.s32 s6;
	_ =	sdelay $0x1  }
0xa7: {  	s23 =	simm.s32 $0x1B8B  }
0xa8: {  	_ =	swait.ge [sflag:s23], $0x1  }
0xa9: {  	[sflag:s23] =	ssyncset.done $0x0  }
0xaa: {  	[sflag:s23] =	ssyncadd.s32 $0xFFFFFFFF  }
0xab: {  	s6 =	sld [smem:$0x0]  }
0xac: {  	s7 =	sand.u32 $0xFFFFFFFE, s1  }
0xad: {  	p0 =	sne.s32 s1, s7  }
0xae: {  	s7 =	sshll.u32 @p0 s7, $0xE  }
0xaf: {  	s7 =	sadd.s32 @p0 $0x11B8D, s7;
	s8 =	sshll.u32 @p0 s6, $0x11  }
0xb0: {  	s7 =	sor.u32 @p0 s8, s7  }
0xb1: {  	[sflag:s7] =	ssyncadd.remote.s32 @p0 $0x1;
	_ =	sdelay $0x1  }
0xb2: {  	s7 =	simm.s32 @p0 $0x1B8D  }
0xb3: {  	_ =	swait.eq @p0 [sflag:s7], $0x1  }
0xb4: {  	[sflag:s7] =	ssyncadd.s32 @p0 $0xFFFFFFFF  }
0xb5: {  	s8 =	sshll.u32 @!p0 s1, $0xE  }
0xb6: {  	s8 =	sor.u32 @!p0 $0x4000, s8;
	s7 =	simm.s32 @!p0 $0x1B8D  }
0xb7: {  	s6 =	sshll.u32 @!p0 s6, $0x11;
	s8 =	sadd.s32 @!p0 $0x11B8D, s8;
	_ =	swait.eq @!p0 [sflag:s7], $0x1  }
0xb8: {  	s6 =	sor.u32 @!p0 s6, s8;
	[sflag:s7] =	ssyncadd.s32 @!p0 $0xFFFFFFFF  }
0xb9: {  	s25 =	simm.s32 $0x1B8E;
	s24 =	sld [smem:$0x3FFE];
	[sflag:s6] =	ssyncadd.remote.s32 @!p0 $0x1  }
0xba: {  	s26 =	simm.s32 $execute0_lowered;
	[smem:$0x3FD2] =	sst s25  }
0xbb: {  	s7 =	sshll.u32 s26, $0x1;
	_ =	strace $0x8000004C;
	[dreg:$0x1] =	wrdreg $0xFFFFFFFF  }
0xbc: {  	s28 =	simm.s32 $_size_execute0_lowered;
	s5 =	sadd.s32 s5, s7;
	[dreg:$0x0] =	wrdreg $0x0  }
0xbd: {  	s7 =	sshll.u32 s28, $0x1;
	[dreg:$0x2] =	wrdreg s5  }
0xbe: {  	[dreg:$0x3] =	wrdreg s7  }
0xbf: {  	[dreg:$0x4] =	wrdreg $0xC0  }
0xc0: {  	_ =	task [dreg:s22], $0x5FFFF  }
0xc1: {  	[dreg:$0x1] =	wrdreg $0xFFFFFFFF  }
0xc2: {  	[dreg:$0x0] =	wrdreg $0x60  }
0xc3: {  	[dreg:$0x2] =	wrdreg s24  }
0xc4: {  	[dreg:$0x3] =	wrdreg s17  }
0xc5: {  	[dreg:$0x4] =	wrdreg s18  }
0xc6: {  	[dreg:$0x5] =	wrdreg $0x5A000  }
0xc7: {  	[dreg:$0x6] =	wrdreg $0xA  }
0xc8: {  	_ =	task.clear_ibuf [dreg:s22], $0x7FFFF;
	_ =	strace $0x9000004C  }
0xc9: {  	s29 =	simm.s32 $0xA;
	_ =	strace $0x8000004E  }
0xca: {  	_ =	swait.ge [sflag:s29], $0x1  }
0xcb: {  	[sflag:s29] =	ssyncadd.s32 $0xFFFFFFFF  }
0xcc: {  	_ =	strace $0x9000004E  }
0xcd: {  	_ =	sfence  }
0xce: {  	s30 =	sld [smem:$0x0];
	_ =	sdelay $0x2  }
0xcf: {  	s31 =	sshll.u32 s1, $0xD;
	s1 =	sshrl.u32 s1, $0x2  }
0xd0: {  	s4 =	sand.u32 $0x4000, s31;
	s1 =	sadd.s32 s1, s30  }
0xd1: {  	s0 =	sor.u32 s4, s0;
	s1 =	sshll.u32 s1, $0x11  }
0xd2: {  	s0 =	sor.u32 s1, s0  }
0xd3: {  	s0 =	sadd.s32 $0x8F2B, s0  }
0xd4: {  	[sflag:s0] =	ssyncadd.remote.s32 $0x1  }
0xd5: {  	_ =	sfence.sel $0xFFFF  }
0xd6: {  	[dreg:$0x0] =	wrdreg $0xFFFFFFFF;
	(pc) =	sbr.abs _section_cstart, $3  }
0xd7: {  	[dreg:$0x1] =	wrdreg $0xFFFFFFFF  }
0xd8: {  	_ =	task.clear_ibuf [dreg:s22], $0x2FFFF;
	_ =	strace $0x9FFFFFFF  }
0xd9: {  	(tm) =	ssettm $0x7FFFFFFF  }
tec
execute0_lowered:
.L_overlay_start_1:
0x0: {  	(tag) =	ssettag $0x1  }
0x1: {  	s9 =	rddreg [dreg:$0x0]  }
0x2: {  	s1 =	rddreg [dreg:$0x1]  }
0x3: {  	s3 =	rddreg [dreg:$0x2]  }
0x4: {  	s4 =	rddreg [dreg:$0x3]  }
0x5: {  	s5 =	simm.s32 $0x0;
	s0 =	stileid.u32;
	s10 =	srdreg.scid  }
0x6: {  	s21 =	simm.s32 $0x5200;
	[smem:$0x7FF] =	sst s5;
	s6 =	sshll.u32 s0, $0x6  }
0x7: {  	s7 =	sadd.s32 $0x537A00, s9;
	s8 =	sadd.s32 $0x55F000, s9;
	s28 =	smul.u32 $0xA000, s0  }
0x8: {  	s11 =	sshll.u32 s0, $0xC;
	s16 =	sand.u32 $0x1, s10;
	s18 =	smul.u32 $0x2800, s0  }
0x9: {  	_ =	strace $0x8000004D;
	s15 =	sadd.s32 s6, s9;
	s17 =	sadd.s32 s11, s9  }
0xa: {  	s29 =	smul.u32 $0x5000, s16;
	s12 =	ssub.s32 $0x2, s16;
	s30 =	sshll.u32 s16, $0xB  }
0xb: {  	s16 =	sshll.u32 s16, $0x5;
	s13 =	sshrl.u32 s12, $0x1;
	s10 =	sshrl.u32 s28, $0x2  }
0xc: {  	s23 =	sshrl.u32 s18, $0x3;
	s17 =	sadd.s32 s30, s17;
	s31 =	sadd.s32 s16, s15  }
0xd: {  	s19 =	sadd.s32 s29, s9;
	s20 =	ssub.s32 s12, s13;
	s14 =	sadd.s32 s10, s4  }
0xe: {  	s9 =	sshll.u32 s0, $0x1;
	s16 =	sadd.s32 $0x55F200, s17;
	s17 =	sadd.s32 $0x555200, s31  }
0xf: {  	s10 =	sadd.s32 s18, s4;
	s18 =	sadd.s32 $0x54B400, s31;
	s11 =	sadd.s32 $0x800, s14  }
0x10: {  	s12 =	sadd.s32 $0x1000, s14;
	s13 =	sadd.s32 $0x1800, s14;
	s14 =	sadd.s32 $0x2000, s14  }
0x11: {  	s22 =	sadd.s32 $0x7D0200, s19;
	s15 =	smax.u32 s20, $0x1;
	s19 =	simm.s32 $0x4200  }
0x12: {  	s20 =	simm.s32 $0x2;
	s22 =	sadd.s32 s23, s22;
	s23 =	simm.s32 $0x0  }
.LBB2_1:
0x13: {  	[tilespmem:s19], [sflag:$0x2] =	stream.linear.gather [hbm4b:s8+s5], $0x1000, $0x38;
	[tilespmem:$0x8200] =	vst v63  }
0x14: {  	_ =	swait.ge [sflag:s20], $0x1000  }
0x15: {  	[sflag:s20] =	ssyncset.done $0x0  }
0x16: {  	[sflag:s20] =	ssyncadd.s32 $0xFFFFF000  }
0x17: {  	[tilespmem:s21], [sflag:$0x2] =	stream.linear.gather [hbm4b:s3+s5], $0x800, $0x38;
	[tilespmem:$0x8200] =	vst v63  }
0x18: {  	_ =	swait.ge [sflag:s20], $0x800  }
0x19: {  	[sflag:s20] =	ssyncset.done $0x0  }
0x1a: {  	[sflag:s20] =	ssyncadd.s32 $0xFFFFF800  }
0x1b: {  	[spmem:s10] =	stream.linear.scatter [tilespmem:s21], [sflag:$0x2], $0x800, $0x38;
	[tilespmem:$0x8200] =	vst v63  }
0x1c: {  	_ =	swait.ge [sflag:s20], $0x800  }
0x1d: {  	[sflag:s20] =	ssyncset.done $0x0  }
0x1e: {  	[sflag:s20] =	ssyncadd.s32 $0xFFFFF800  }
0x1f: {  	[spmem:s11] =	stream.linear.scatter [tilespmem:s21], [sflag:$0x2], $0x800, $0x38;
	[tilespmem:$0x8200] =	vst v63  }
0x20: {  	_ =	swait.ge [sflag:s20], $0x800  }
0x21: {  	[sflag:s20] =	ssyncset.done $0x0  }
0x22: {  	[sflag:s20] =	ssyncadd.s32 $0xFFFFF800  }
0x23: {  	[spmem:s12] =	stream.linear.scatter [tilespmem:s21], [sflag:$0x2], $0x800, $0x38;
	[tilespmem:$0x8200] =	vst v63  }
0x24: {  	_ =	swait.ge [sflag:s20], $0x800  }
0x25: {  	[sflag:s20] =	ssyncset.done $0x0  }
0x26: {  	[sflag:s20] =	ssyncadd.s32 $0xFFFFF800  }
0x27: {  	[spmem:s13] =	stream.linear.scatter [tilespmem:s21], [sflag:$0x2], $0x800, $0x38;
	[tilespmem:$0x8200] =	vst v63  }
0x28: {  	_ =	swait.ge [sflag:s20], $0x800  }
0x29: {  	[sflag:s20] =	ssyncset.done $0x0  }
0x2a: {  	[sflag:s20] =	ssyncadd.s32 $0xFFFFF800  }
0x2b: {  	[spmem:s14] =	stream.linear.scatter [tilespmem:s21], [sflag:$0x2], $0x800, $0x38;
	[tilespmem:$0x8200] =	vst v63  }
0x2c: {  	_ =	swait.ge [sflag:s20], $0x800  }
0x2d: {  	p0 =	sgt.u32 s9, $0x4E1;
	[sflag:s20] =	ssyncset.done $0x0  }
0x2e: {  	s24 =	sadd.s32 @!p0 $0x0, s18;
	[sflag:s20] =	ssyncadd.s32 $0xFFFFF800  }
0x2f: {  	s26 =	simm.s32 @!p0 $0x0;
	s28 =	simm.s32 @!p0 $0x3;
	[bflag:$0x0] =	sbarrier.arrive $0xFFFF  }
0x30: {  	[tilespmem:s26], [sflag:$0x3] =	stream.linear.gather @!p0 [hbm4b:s24+s26], $0x100, $0x38;
	[tilespmem:$0x8200] =	vst v63  }
0x31: {  	_ =	swait.ge @!p0 [sflag:s28], $0x100;
	p0 =	por p0, p0  }
0x32: {  	[sflag:s28] =	ssyncset.done @!p0 $0x0  }
0x33: {  	s24 =	sadd.s32 @!p0 $0x0, s17;
	s25 =	simm.s32 @!p0 $0x100;
	[sflag:s28] =	ssyncadd.s32 @!p0 $0xFFFFFF00  }
0x34: {  	[tilespmem:s25], [sflag:$0x3] =	stream.linear.gather @!p0 [hbm4b:s24+s26], $0x100, $0x38;
	[tilespmem:$0x8200] =	vst v63  }
0x35: {  	_ =	swait.ge @!p0 [sflag:s28], $0x100  }
0x36: {  	[sflag:s28] =	ssyncset.done @!p0 $0x0  }
0x37: {  	s29 =	simm.s32 @!p0 $0x1;
	s24 =	simm.s32 @!p0 $0x200;
	[sflag:s28] =	ssyncadd.s32 @!p0 $0xFFFFFF00  }
0x38: {  	[tilespmem:s24], [sflag:$0x1] =	stream.indirect.gather @!p0 [hbm4b:s1+s25], $0x40, s26, s25, $0xb8;
	[tilespmem:$0x8200] =	vst v63  }
0x39: {  	_ =	swait.ge @!p0 [sflag:s29], $0x4000  }
0x3a: {  	[sflag:s29] =	ssyncset.done @!p0 $0x0  }
0x3b: {  	[sflag:s29] =	ssyncadd.s32 @!p0 $0xFFFFC000  }
0x3c: {  	[tilespmem:s24], [sflag:$0x1] =	stream.indirect.gather.add.f32 @!p0 [hbm:s7], $0x40, s25, s25, $0xb8;
	[tilespmem:$0x8200] =	vst v63  }
0x3d: {  	_ =	swait.ge @!p0 [sflag:s29], $0x4000  }
0x3e: {  	[sflag:s29] =	ssyncset.done @!p0 $0x0  }
0x3f: {  	[sflag:s29] =	ssyncadd.s32 @!p0 $0xFFFFC000;
	s29 =	simm.s32 @!p0 $0x4200  }
0x40: {  	[spmem:s4] =	stream.indirect.scatter.add.f32 @!p0 [tilespmem:s29], [sflag:$0x3], $0x10, s26, s25, $0xb8;
	[tilespmem:$0x8200] =	vst v63  }
0x41: {  	_ =	swait.ge @!p0 [sflag:s28], $0x1000  }
0x42: {  	[sflag:s28] =	ssyncset.done @!p0 $0x0  }
0x43: {  	s25 =	simm.s32 $0x400;
	[sflag:s28] =	ssyncadd.s32 @!p0 $0xFFFFF000  }
0x44: {  	[hbm4b:s16+s26] =	stream.linear.scatter @!p0 [tilespmem:s24], [sflag:$0x2], $0x4000, $0x38;
	[tilespmem:$0x8200] =	vst v63  }
0x45: {  	s29 =	simm.s32 @!p0 $0x2;
	s28 =	sadd.s32 $0x20, s9;
	s26 =	simm.s32 $0x800  }
0x46: {  	p2 =	sgt.u32 s28, $0x4E1;
	s24 =	sadd.s32 $0x10000, s16;
	_ =	swait.ge @!p0 [sflag:s29], $0x4000  }
.LBB2_2:
0x47: {  	s30 =	sadd.s32 @!p2 s25, s18  }
0x48: {  	s31 =	simm.s32 @!p2 $0x0;
	[sflag:s29] =	ssyncset.done @!p0 $0x0;
	s0 =	smov.u32 s26  }
0x49: {  	s26 =	sadd.s32 $0x400, s26;
	s2 =	simm.s32 @!p2 $0x3;
	[sflag:s29] =	ssyncadd.s32 @!p0 $0xFFFFC000  }
0x4a: {  	[tilespmem:s31], [sflag:$0x3] =	stream.linear.gather @!p2 [hbm4b:s30+s31], $0x100, $0x38;
	[tilespmem:$0x8200] =	vst v63  }
0x4b: {  	p1 =	sne.s32 s26, $0xA000;
	p0 =	por p2, p2;
	_ =	swait.ge @!p2 [sflag:s2], $0x100  }
0x4c: {  	[sflag:s2] =	ssyncset.done @!p0 $0x0  }
0x4d: {  	s25 =	sadd.s32 @!p0 s25, s17;
	s29 =	simm.s32 @!p0 $0x100;
	[sflag:s2] =	ssyncadd.s32 @!p0 $0xFFFFFF00  }
0x4e: {  	[tilespmem:s29], [sflag:$0x3] =	stream.linear.gather @!p0 [hbm4b:s25+s31], $0x100, $0x38;
	[tilespmem:$0x8200] =	vst v63  }
0x4f: {  	s25 =	smov.u32 s0;
	_ =	swait.ge @!p0 [sflag:s2], $0x100  }
0x50: {  	[sflag:s2] =	ssyncset.done @!p0 $0x0  }
0x51: {  	s30 =	simm.s32 @!p0 $0x1;
	s0 =	simm.s32 @!p0 $0x200;
	[sflag:s2] =	ssyncadd.s32 @!p0 $0xFFFFFF00  }
0x52: {  	[tilespmem:s0], [sflag:$0x1] =	stream.indirect.gather @!p0 [hbm4b:s1+s29], $0x40, s31, s29, $0xb8;
	[tilespmem:$0x8200] =	vst v63  }
0x53: {  	_ =	swait.ge @!p0 [sflag:s30], $0x4000  }
0x54: {  	[sflag:s30] =	ssyncset.done @!p0 $0x0  }
0x55: {  	[sflag:s30] =	ssyncadd.s32 @!p0 $0xFFFFC000  }
0x56: {  	[tilespmem:s0], [sflag:$0x1] =	stream.indirect.gather.add.f32 @!p0 [hbm:s7], $0x40, s29, s29, $0xb8;
	[tilespmem:$0x8200] =	vst v63  }
0x57: {  	_ =	swait.ge @!p0 [sflag:s30], $0x4000  }
0x58: {  	[sflag:s30] =	ssyncset.done @!p0 $0x0  }
0x59: {  	[sflag:s30] =	ssyncadd.s32 @!p0 $0xFFFFC000;
	s30 =	simm.s32 @!p0 $0x4200  }
0x5a: {  	[spmem:s4] =	stream.indirect.scatter.add.f32 @!p0 [tilespmem:s30], [sflag:$0x3], $0x10, s31, s29, $0xb8;
	[tilespmem:$0x8200] =	vst v63  }
.Ltmp0:
0x5b: {  	_ =	swait.ge @!p0 [sflag:s2], $0x1000;
	(pc) =	sbr.rel @p1 .LBB2_2-.Ltmp0, $4  }
0x5c: {  	[sflag:s2] =	ssyncset.done @!p0 $0x0  }
0x5d: {  	s28 =	sadd.s32 $0x20, s28;
	s29 =	simm.s32 @!p0 $0x2;
	[sflag:s2] =	ssyncadd.s32 @!p0 $0xFFFFF000  }
0x5e: {  	[hbm4b:s24+s31] =	stream.linear.scatter @!p0 [tilespmem:s0], [sflag:$0x2], $0x4000, $0x38;
	[tilespmem:$0x8200] =	vst v63  }
0x5f: {  	p2 =	sgt.u32 s28, $0x4E1;
	s24 =	sadd.s32 $0x10000, s24;
	_ =	swait.ge @!p0 [sflag:s29], $0x4000  }
0x60: {  	s0 =	sadd.s32 @!p2 s25, s18;
	[sflag:s29] =	ssyncset.done @!p0 $0x0  }
0x61: {  	s2 =	simm.s32 @!p2 $0x0;
	s26 =	simm.s32 @!p2 $0x3;
	[sflag:s29] =	ssyncadd.s32 @!p0 $0xFFFFC000  }
0x62: {  	[tilespmem:s2], [sflag:$0x3] =	stream.linear.gather @!p2 [hbm4b:s0+s2], $0x100, $0x38;
	[tilespmem:$0x8200] =	vst v63  }
0x63: {  	p0 =	por p2, p2;
	_ =	swait.ge @!p2 [sflag:s26], $0x100  }
0x64: {  	[sflag:s26] =	ssyncset.done @!p0 $0x0  }
0x65: {  	s0 =	sadd.s32 @!p0 s25, s17;
	s25 =	simm.s32 @!p0 $0x100;
	[sflag:s26] =	ssyncadd.s32 @!p0 $0xFFFFFF00  }
0x66: {  	[tilespmem:s25], [sflag:$0x3] =	stream.linear.gather @!p0 [hbm4b:s0+s2], $0x100, $0x38;
	[tilespmem:$0x8200] =	vst v63  }
0x67: {  	_ =	swait.ge @!p0 [sflag:s26], $0x100  }
0x68: {  	[sflag:s26] =	ssyncset.done @!p0 $0x0  }
0x69: {  	s28 =	simm.s32 @!p0 $0x1;
	s0 =	simm.s32 @!p0 $0x200;
	[sflag:s26] =	ssyncadd.s32 @!p0 $0xFFFFFF00  }
0x6a: {  	[tilespmem:s0], [sflag:$0x1] =	stream.indirect.gather @!p0 [hbm4b:s1+s25], $0x40, s2, s25, $0xb8;
	[tilespmem:$0x8200] =	vst v63  }
0x6b: {  	_ =	swait.ge @!p0 [sflag:s28], $0x4000  }
0x6c: {  	[sflag:s28] =	ssyncset.done @!p0 $0x0  }
0x6d: {  	[sflag:s28] =	ssyncadd.s32 @!p0 $0xFFFFC000  }
0x6e: {  	[tilespmem:s0], [sflag:$0x1] =	stream.indirect.gather.add.f32 @!p0 [hbm:s7], $0x40, s25, s25, $0xb8;
	[tilespmem:$0x8200] =	vst v63  }
0x6f: {  	_ =	swait.ge @!p0 [sflag:s28], $0x4000  }
0x70: {  	[sflag:s28] =	ssyncset.done @!p0 $0x0  }
0x71: {  	[sflag:s28] =	ssyncadd.s32 @!p0 $0xFFFFC000;
	s28 =	simm.s32 @!p0 $0x4200  }
0x72: {  	[spmem:s4] =	stream.indirect.scatter.add.f32 @!p0 [tilespmem:s28], [sflag:$0x3], $0x10, s2, s25, $0xb8;
	[tilespmem:$0x8200] =	vst v63  }
0x73: {  	_ =	swait.ge @!p0 [sflag:s26], $0x1000  }
0x74: {  	[sflag:s26] =	ssyncset.done @!p0 $0x0  }
0x75: {  	s25 =	simm.s32 @!p0 $0x2;
	[sflag:s26] =	ssyncadd.s32 @!p0 $0xFFFFF000  }
0x76: {  	[hbm4b:s24+s2] =	stream.linear.scatter @!p0 [tilespmem:s0], [sflag:$0x2], $0x4000, $0x38;
	[tilespmem:$0x8200] =	vst v63  }
0x77: {  	_ =	swait.ge @!p0 [sflag:s25], $0x4000  }
0x78: {  	s23 =	sadd.s32 $0x1, s23;
	[sflag:s25] =	ssyncset.done @!p0 $0x0  }
0x79: {  	s30 =	sor.u32 $0x1C02, s6;
	[sflag:s25] =	ssyncadd.s32 @!p0 $0xFFFFC000;
	p0 =	sne.s32 s23, s15  }
.Ltmp1:
0x7a: {  	s31 =	sshrl.u32 s10, $0x3;
	[bflag:$0x0] =	sbarrier.arrive $0xFFFF;
	(pc) =	sbr.rel @p0 .LBB2_1-.Ltmp1, $4  }
0x7b: {  	[hbm:s22], [sflag:s30] =	dma.local [spmem:s31], $0x500  }
0x7c: {  	_ =	swait.ge [sflag:s20], $0x500  }
0x7d: {  	[sflag:s20] =	ssyncset.done $0x0  }
0x7e: {  	[sflag:s20] =	ssyncadd.s32 $0xFFFFFB00  }
0x7f: {  	_ =	sfence.sel $0x180000  }
0x80: {  	[bflag:$0x0] =	sbarrier.arrive $0xFFFF  }
0x81: {  	_ =	strace $0x9000004D  }
0x82: {  	s0 =	stileid.u32;
	[bflag:$0x2] =	sbarrier.arrive $0xFFFF  }
0x83: {  	p0 =	sne.s32 s0, $0x0;
	s0 =	rddreg [dreg:$0x4]  }
0x84: {  	s0 =	sadd.s32 @!p0 $0x100000, s0  }
0x85: {  	[sflag:s0] =	ssyncadd.tile.s32 @!p0 $0x1;
	_ =	shalt  }
.Lfunc_end2:
_tile_overlayer_lowered:
.L_overlay_start_2:
0x86: {  	(tag) =	ssettag $0x2  }
0x87: {  	s0 =	rddreg [dreg:$0x0];
	s2 =	stileid.u32  }
0x88: {  	s1 =	rddreg [dreg:$0x1];
	p0 =	sne.s32 s2, $0x0  }
0x89: {  	s3 =	rddreg [dreg:$0x2];
	[bflag:$0x3] =	sbarrier.arrive $0xFFFF;
	s2 =	simm.s32 @!p0 $0x1C02  }
0x8a: {  	[timem:s3], [sflag:s2] =	dma.local @!p0 [hbm:s0], s1  }
0x8b: {  	s0 =	simm.s32 @!p0 $0x2  }
0x8c: {  	_ =	swait.ge @!p0 [sflag:s0], s1  }
0x8d: {  	s1 =	ssub.s32 @!p0 $0x0, s1;
	[sflag:s0] =	ssyncset.done @!p0 $0x0  }
0x8e: {  	[sflag:s0] =	ssyncadd.s32 @!p0 s1  }
0x8f: {  	[bflag:$0x3] =	sbarrier.arrive $0xFFFF  }
0x90: {  	_ =	shalt  }

// kernel: kernel.13.cloned.1.call-start
scs
__scs_entry_jumppad:
0x0: {  	(pc) =	sbr.rel $0x88, $3  }
0x1: {  	(tag) =	ssettag $0x0;
	lr =	simm.s32 $0x1  }
0x2: {  	[smem:$0x3F8A] =	sst lr;
	_ =	strace $0xD0000000  }
0x3: {  	_ = 	snop  }
0x4: {  	_ = 	snop  }
0x5: {  	_ = 	snop  }
0x6: {  	_ = 	snop  }
0x7: {  	_ = 	snop  }
__scs_overlays_trampoline_lowered:
0x8: {  	[smem:$0x3F99] =	sst s0  }
0x9: {  	[smem:$0x3F9A] =	sst s1  }
0xa: {  	[smem:$0x3F9B] =	sst s2  }
0xb: {  	[smem:$0x3F9C] =	sst s3  }
0xc: {  	[smem:$0x3F9D] =	sst s4  }
0xd: {  	[smem:$0x3F9E] =	sst s5  }
0xe: {  	[smem:$0x3F9F] =	sst s6  }
0xf: {  	[smem:$0x3FA0] =	sst s7  }
0x10: {  	[smem:$0x3FA1] =	sst s8  }
0x11: {  	[smem:$0x3FA2] =	sst s9;
	s0 =	simm.s32 @!p0 $0x0  }
0x12: {  	s1 =	sld [smem:$0x3F88];
	s0 =	simm.s32 @p0 $0x1  }
0x13: {  	[smem:$0x3FA3] =	sst s0;
	s0 =	simm.s32 @!p1 $0x0  }
0x14: {  	s2 =	sld [smem:$0x3F87];
	s0 =	simm.s32 @p1 $0x1  }
0x15: {  	[smem:$0x3FA4] =	sst s0;
	s0 =	simm.s32 @!p2 $0x0  }
0x16: {  	s3 =	sld [smem:$0x3FDB];
	s0 =	simm.s32 @p2 $0x1  }
0x17: {  	s4 =	simm.s32 $0x1BF5;
	[smem:$0x3FA6] =	sst s0  }
0x18: {  	s0 =	sld [smem:$0x3F89];
	_ =	swait.ge [sflag:s4], $0x0  }
0x19: {  	s7 =	sld [smem:$0x3F8A]  }
0x1a: {  	s8 =	sadd.s32 $0xFFFFE003, lr  }
0x1b: {  	s9 =	sadd.s32 $0xFFFFFEF7, lr;
	s5 =	simm.s32 $0xFFFFFFFF;
	p2 =	slt.u32 s8, $0xFFFFF086  }
0x1c: {  	p1 =	slt.u32 s9, $0xF7A;
	s5 =	simm.s32 @!p2 $0x0  }
0x1d: {  	s5 =	simm.s32 @p1 $0x1;
	p0 =	seq.s32 s7, s2  }
0x1e: {  	s7 =	smul.u32 @!p0 $0xF7A, s2;
	p2 =	seq.s32 @!p0 s5, $0x0  }
0x1f: {  	s9 =	smul.u32 $0xF7A, s1;
	s8 =	simm.s32 @!p0 $0x1BF5;
	p2 =	por !p2, p0  }
0x20: {  	[sflag:s8] =	ssyncset.s32 @!p0 $0xFFFFF086;
	s6 =	sadd.s32 @!p0 s3, s7;
	s7 =	simm.s32 @!p0 $0x108  }
0x21: {  	s3 =	sadd.s32 s3, s9;
	s6 =	sadd.s32 @!p0 $0x88, s6;
	s7 =	simm.s32 @p2 $0x1082  }
0x22: {  	[simem:s7], [sflag:s8] =	dma.local @!p0 [hbm:s6], $0xF7A  }
0x23: {  	s9 =	sor.u32 $0xD0000000, s2;
	s6 =	simm.s32 $0x108;
	_ =	swait.ge @!p0 [sflag:s8], $0x0  }
0x24: {  	s3 =	sadd.s32 $0x88, s3;
	s6 =	simm.s32 @!p1 $0x1082;
	[sflag:s4] =	ssyncset.s32 $0xFFFFF086  }
0x25: {  	[simem:s6], [sflag:s4] =	dma.local [hbm:s3], $0xF7A  }
0x26: {  	[smem:$0x3F8A] =	sst s1;
	(tag) =	ssettag s2;
	_ =	strace s9  }
0x27: {  	s1 =	sld [smem:$0x3F9A]  }
0x28: {  	s2 =	sld [smem:$0x3F9B]  }
0x29: {  	s4 =	sld [smem:$0x3F9D]  }
0x2a: {  	p0 =	seq.s32 s5, $0x0;
	s5 =	sld [smem:$0x3F9E]  }
0x2b: {  	s6 =	sld [smem:$0x3F9F]  }
0x2c: {  	s7 =	sld [smem:$0x3FA0]  }
0x2d: {  	s3 =	simm.s32 $0x108;
	s8 =	sld [smem:$0x3FA1]  }
0x2e: {  	s3 =	simm.s32 @!p0 $0x1082;
	s9 =	sld [smem:$0x3FA2]  }
0x2f: {  	lr =	sadd.s32 s0, s3;
	s0 =	sld [smem:$0x3F99]  }
0x30: {  	s3 =	sld [smem:$0x3F9C]  }
0x31: {  	[smem:$0x3FA5] =	sst s10  }
0x32: {  	s10 =	sld [smem:$0x3FA3];
	_ =	sdelay $0x3  }
0x33: {  	p0 =	seq.s32 s10, $0x1;
	s10 =	sld [smem:$0x3FA5];
	_ =	sdelay $0x3  }
0x34: {  	[smem:$0x3FA5] =	sst s10  }
0x35: {  	s10 =	sld [smem:$0x3FA4];
	_ =	sdelay $0x3  }
0x36: {  	p1 =	seq.s32 s10, $0x1;
	s10 =	sld [smem:$0x3FA5];
	_ =	sdelay $0x3  }
0x37: {  	[smem:$0x3FA5] =	sst s10  }
0x38: {  	s10 =	sld [smem:$0x3FA6]  }
0x39: {  	_ = 	snop;
	(pc) =	sbr.ind lr, $3  }
0x3a: {  	_ = 	snop  }
0x3b: {  	_ = 	snop  }
0x3c: {  	p2 =	seq.s32 s10, $0x1;
	s10 =	sld [smem:$0x3FA5]  }
0x3d: {  	_ =	shalt  }
0x3e: {  	_ =	shalt  }
0x3f: {  	_ =	shalt  }
0x40: {  	_ =	shalt  }
0x41: {  	_ =	shalt  }
0x42: {  	_ =	shalt  }
0x43: {  	_ =	shalt  }
0x44: {  	_ =	shalt  }
0x45: {  	_ =	shalt  }
0x46: {  	_ =	shalt  }
0x47: {  	_ =	shalt  }
0x48: {  	_ =	shalt  }
0x49: {  	_ =	shalt  }
0x4a: {  	_ =	shalt  }
0x4b: {  	_ =	shalt  }
0x4c: {  	_ =	shalt  }
0x4d: {  	_ =	shalt  }
0x4e: {  	_ =	shalt  }
0x4f: {  	_ =	shalt  }
0x50: {  	_ =	shalt  }
0x51: {  	_ =	shalt  }
0x52: {  	_ =	shalt  }
0x53: {  	_ =	shalt  }
0x54: {  	_ =	shalt  }
0x55: {  	_ =	shalt  }
0x56: {  	_ =	shalt  }
0x57: {  	_ =	shalt  }
0x58: {  	_ =	shalt  }
0x59: {  	_ =	shalt  }
0x5a: {  	_ =	shalt  }
0x5b: {  	_ =	shalt  }
0x5c: {  	_ =	shalt  }
0x5d: {  	_ =	shalt  }
0x5e: {  	_ =	shalt  }
0x5f: {  	_ =	shalt  }
0x60: {  	_ =	shalt  }
0x61: {  	_ =	shalt  }
0x62: {  	_ =	shalt  }
0x63: {  	_ =	shalt  }
0x64: {  	_ =	shalt  }
0x65: {  	_ =	shalt  }
0x66: {  	_ =	shalt  }
0x67: {  	_ =	shalt  }
0x68: {  	_ =	shalt  }
0x69: {  	_ =	shalt  }
0x6a: {  	_ =	shalt  }
0x6b: {  	_ =	shalt  }
0x6c: {  	_ =	shalt  }
0x6d: {  	_ =	shalt  }
0x6e: {  	_ =	shalt  }
0x6f: {  	_ =	shalt  }
0x70: {  	_ =	shalt  }
0x71: {  	_ =	shalt  }
0x72: {  	_ =	shalt  }
0x73: {  	_ =	shalt  }
0x74: {  	_ =	shalt  }
0x75: {  	_ =	shalt  }
0x76: {  	_ =	shalt  }
0x77: {  	_ =	shalt  }
0x78: {  	_ =	shalt  }
0x79: {  	_ =	shalt  }
0x7a: {  	_ =	shalt  }
0x7b: {  	_ =	shalt  }
0x7c: {  	_ =	shalt  }
0x7d: {  	_ =	shalt  }
0x7e: {  	_ =	shalt  }
0x7f: {  	_ =	shalt  }
0x80: {  	_ =	shalt  }
0x81: {  	_ =	shalt  }
0x82: {  	_ =	shalt  }
0x83: {  	_ =	shalt  }
0x84: {  	_ =	shalt  }
0x85: {  	_ =	shalt  }
0x86: {  	_ =	shalt  }
0x87: {  	_ =	shalt  }
.Lfunc_end0:
.L_simem_size_0:
called_computation.3_lowered:
.L_overlay_start_0:
0x88: {  	s2 =	sld [smem:$0x3FD9]  }
0x89: {  	s3 =	sld [smem:$0x3FFE];
	_ =	sdelay $0x1  }
0x8a: {  	s1 =	srdreg.scid  }
0x8b: {  	s0 =	sand.u32 $0x1, s1  }
0x8c: {  	s16 =	sshll.u32 s0, $0xA;
	s2 =	sadd.s32 s3, s2  }
0x8d: {  	s2 =	sadd.s32 s2, s16  }
0x8e: {  	[smem:$0x3FB1] =	sst s2  }
0x8f: {  	_ = 	snop  }
0x90: {  	(tm) =	ssettm $0x1  }
0x91: {  	s17 =	sld [smem:$0x3FFB];
	_ =	sdelay $0x3  }
0x92: {  	_ =	strace s17  }
0x93: {  	s2 =	sld [smem:$0x3FFC];
	_ =	sdelay $0x3  }
0x94: {  	_ =	strace s2  }
0x95: {  	s2 =	sld [smem:$0x3FFD];
	_ =	sdelay $0x3  }
0x96: {  	_ =	strace s2  }
0x97: {  	_ =	strace $0x8FFFFFFF  }
0x98: {  	s18 =	sld [smem:$0x3FDB];
	_ =	sdelay $0x1  }
0x99: {  	s19 =	simm.s32 $_scs_section_size  }
0x9a: {  	s4 =	simm.s32 $_size__tile_overlayer_lowered;
	s5 =	simm.s32 $_tile_overlayer_lowered  }
0x9b: {  	s22 =	simm.s32 $0x1BFF;
	s21 =	sshll.u32 s5, $0x1;
	s2 =	sadd.s32 s19, s18  }
0x9c: {  	s6 =	simm.s32 $0x0;
	s20 =	sshll.u32 s4, $0x1;
	s4 =	sadd.s32 s21, s2  }
0x9d: {  	[timem:s6], [sflag:s22] =	dma.local [hbm:s4], s20  }
0x9e: {  	_ =	swait.ge [sflag:s22], s20  }
0x9f: {  	s3 =	ssub.s32 $0x0, s20;
	[sflag:s22] =	ssyncset.done $0x0  }
0xa0: {  	[sflag:s22] =	ssyncadd.s32 s3;
	_ =	sdelay $0x1  }
0xa1: {  	s23 =	simm.s32 $0x1B8B  }
0xa2: {  	_ =	swait.ge [sflag:s23], $0x1  }
0xa3: {  	[sflag:s23] =	ssyncset.done $0x0  }
0xa4: {  	s25 =	simm.s32 $0x1B8E;
	s24 =	sld [smem:$0x3FFE];
	[sflag:s23] =	ssyncadd.s32 $0xFFFFFFFF  }
0xa5: {  	s26 =	simm.s32 $execute0_lowered;
	[smem:$0x3FD2] =	sst s25  }
0xa6: {  	s4 =	sshll.u32 s26, $0x1;
	_ =	strace $0x8000004F;
	[dreg:$0x1] =	wrdreg $0xFFFFFFFF  }
0xa7: {  	s28 =	simm.s32 $_size_execute0_lowered;
	s2 =	sadd.s32 s2, s4;
	[dreg:$0x0] =	wrdreg $0x0  }
0xa8: {  	s4 =	sshll.u32 s28, $0x1;
	[dreg:$0x2] =	wrdreg s2  }
0xa9: {  	[dreg:$0x3] =	wrdreg s4  }
0xaa: {  	[dreg:$0x4] =	wrdreg $0xC0  }
0xab: {  	_ =	task [dreg:s6], $0x5FFFF  }
0xac: {  	[dreg:$0x1] =	wrdreg $0xFFFFFFFF  }
0xad: {  	[dreg:$0x0] =	wrdreg $0x60  }
0xae: {  	[dreg:$0x2] =	wrdreg s24  }
0xaf: {  	[dreg:$0x3] =	wrdreg $0x61000  }
0xb0: {  	[dreg:$0x4] =	wrdreg $0x9  }
0xb1: {  	_ =	task.clear_ibuf [dreg:s6], $0x5FFFF;
	_ =	strace $0x9000004F  }
0xb2: {  	s29 =	simm.s32 $0x9;
	_ =	strace $0x80000051  }
0xb3: {  	_ =	swait.ge [sflag:s29], $0x1  }
0xb4: {  	[sflag:s29] =	ssyncadd.s32 $0xFFFFFFFF  }
0xb5: {  	_ =	strace $0x90000051  }
0xb6: {  	_ =	sfence  }
0xb7: {  	s30 =	sld [smem:$0x0];
	_ =	sdelay $0x2  }
0xb8: {  	s31 =	sshll.u32 s1, $0xD;
	s1 =	sshrl.u32 s1, $0x2  }
0xb9: {  	s3 =	sand.u32 $0x4000, s31;
	s1 =	sadd.s32 s1, s30  }
0xba: {  	s0 =	sor.u32 s3, s0;
	s1 =	sshll.u32 s1, $0x11  }
0xbb: {  	s0 =	sor.u32 s1, s0  }
0xbc: {  	s0 =	sadd.s32 $0x8F2B, s0  }
0xbd: {  	[sflag:s0] =	ssyncadd.remote.s32 $0x1  }
0xbe: {  	_ =	sfence.sel $0xFFFF  }
0xbf: {  	[dreg:$0x0] =	wrdreg $0xFFFFFFFF;
	(pc) =	sbr.abs _section_cstart, $3  }
0xc0: {  	[dreg:$0x1] =	wrdreg $0xFFFFFFFF  }
0xc1: {  	_ =	task.clear_ibuf [dreg:s6], $0x2FFFF;
	_ =	strace $0x9FFFFFFF  }
0xc2: {  	(tm) =	ssettm $0x7FFFFFFF  }
0xc3: {  	_ =	shalt  }
tec
execute0_lowered:
.L_overlay_start_1:
0x0: {  	(tag) =	ssettag $0x1  }
0x1: {  	s5 =	rddreg [dreg:$0x0]  }
0x2: {  	s2 =	rddreg [dreg:$0x1]  }
0x3: {  	s0 =	rddreg [dreg:$0x2];
	s3 =	simm.s32 $0x0;
	s1 =	stileid.u32  }
0x4: {  	s29 =	srdreg.scid;
	[smem:$0x7FF] =	sst s3;
	s4 =	sshll.u32 s1, $0xC  }
0x5: {  	s17 =	sshll.u32 s1, $0x6;
	s13 =	sand.u32 $0x1, s29;
	s6 =	smul.u32 $0x28000, s1  }
0x6: {  	s14 =	smul.u32 $0xA000, s1;
	_ =	strace $0x80000050;
	s11 =	sadd.s32 s4, s5  }
0x7: {  	s12 =	sadd.s32 s17, s5;
	s4 =	sadd.s32 $0x7C6400, s5;
	s7 =	smul.u32 $0x14000, s13  }
0x8: {  	s8 =	ssub.s32 $0x2, s13;
	s30 =	sshll.u32 s13, $0xB;
	s13 =	sshll.u32 s13, $0x5  }
0x9: {  	s17 =	sor.u32 $0x1C01, s17;
	s9 =	sshrl.u32 s8, $0x1;
	s6 =	sshrl.u32 s6, $0x2  }
0xa: {  	s19 =	sshrl.u32 s14, $0x3;
	s31 =	sadd.s32 s30, s11;
	s13 =	sadd.s32 s13, s12  }
0xb: {  	s15 =	sadd.s32 s7, s5;
	s16 =	ssub.s32 s8, s9;
	s10 =	sadd.s32 s6, s2  }
0xc: {  	s5 =	sshll.u32 s1, $0x1;
	s6 =	sadd.s32 s14, s2;
	s12 =	sadd.s32 $0x555200, s31  }
0xd: {  	s13 =	sadd.s32 $0x54B400, s13;
	s14 =	simm.s32 $0x4100;
	s7 =	sadd.s32 $0x2000, s10  }
0xe: {  	s8 =	sadd.s32 $0x4000, s10;
	s9 =	sadd.s32 $0x6000, s10;
	s10 =	sadd.s32 $0x8000, s10  }
0xf: {  	s18 =	sadd.s32 $0x4600, s15;
	s11 =	smax.u32 s16, $0x1;
	s15 =	simm.s32 $0x1  }
0x10: {  	s16 =	sadd.s32 s19, s18;
	s18 =	sshrl.u32 s6, $0x3;
	s19 =	simm.s32 $0x0  }
.LBB2_1:
0x11: {  	[tilespmem:s14], [sflag:$0x1] =	stream.linear.gather [hbm4b:s4+s3], $0x2000, $0x38;
	[tilespmem:$0x10100] =	vst v63  }
0x12: {  	_ =	swait.ge [sflag:s15], $0x2000  }
0x13: {  	[sflag:s15] =	ssyncset.done $0x0  }
0x14: {  	[sflag:s15] =	ssyncadd.s32 $0xFFFFE000  }
0x15: {  	[spmem:s6] =	stream.linear.scatter [tilespmem:s14], [sflag:$0x1], $0x2000, $0x38;
	[tilespmem:$0x10100] =	vst v63  }
0x16: {  	_ =	swait.ge [sflag:s15], $0x2000  }
0x17: {  	[sflag:s15] =	ssyncset.done $0x0  }
0x18: {  	[sflag:s15] =	ssyncadd.s32 $0xFFFFE000  }
0x19: {  	[spmem:s7] =	stream.linear.scatter [tilespmem:s14], [sflag:$0x1], $0x2000, $0x38;
	[tilespmem:$0x10100] =	vst v63  }
0x1a: {  	_ =	swait.ge [sflag:s15], $0x2000  }
0x1b: {  	[sflag:s15] =	ssyncset.done $0x0  }
0x1c: {  	[sflag:s15] =	ssyncadd.s32 $0xFFFFE000  }
0x1d: {  	[spmem:s8] =	stream.linear.scatter [tilespmem:s14], [sflag:$0x1], $0x2000, $0x38;
	[tilespmem:$0x10100] =	vst v63  }
0x1e: {  	_ =	swait.ge [sflag:s15], $0x2000  }
0x1f: {  	[sflag:s15] =	ssyncset.done $0x0  }
0x20: {  	[sflag:s15] =	ssyncadd.s32 $0xFFFFE000  }
0x21: {  	[spmem:s9] =	stream.linear.scatter [tilespmem:s14], [sflag:$0x1], $0x2000, $0x38;
	[tilespmem:$0x10100] =	vst v63  }
0x22: {  	_ =	swait.ge [sflag:s15], $0x2000  }
0x23: {  	[sflag:s15] =	ssyncset.done $0x0  }
0x24: {  	[sflag:s15] =	ssyncadd.s32 $0xFFFFE000  }
0x25: {  	[spmem:s10] =	stream.linear.scatter [tilespmem:s14], [sflag:$0x1], $0x2000, $0x38;
	[tilespmem:$0x10100] =	vst v63  }
0x26: {  	_ =	swait.ge [sflag:s15], $0x2000  }
0x27: {  	s20 =	sadd.s32 $0x0, s5;
	[sflag:s15] =	ssyncset.done $0x0  }
0x28: {  	p0 =	sgt.u32 s20, $0x4E1;
	[sflag:s15] =	ssyncadd.s32 $0xFFFFE000  }
0x29: {  	s20 =	simm.s32 @!p0 $0x0;
	s22 =	simm.s32 @!p0 $0x2;
	[bflag:$0x0] =	sbarrier.arrive $0xFFFF  }
0x2a: {  	[tilespmem:s20], [sflag:$0x2] =	stream.linear.gather @!p0 [hbm4b:s13+s20], $0x100, $0x38;
	[tilespmem:$0x10100] =	vst v63  }
0x2b: {  	_ =	swait.ge @!p0 [sflag:s22], $0x100  }
0x2c: {  	[sflag:s22] =	ssyncset.done @!p0 $0x0;
	p0 =	por p0, p0  }
0x2d: {  	[sflag:s22] =	ssyncadd.s32 @!p0 $0xFFFFFF00;
	s24 =	simm.s32 @!p0 $0x100  }
0x2e: {  	[tilespmem:s24], [sflag:$0x2] =	stream.linear.gather @!p0 [hbm4b:s12+s20], $0x4000, $0x38;
	[tilespmem:$0x10100] =	vst v63  }
0x2f: {  	_ =	swait.ge @!p0 [sflag:s22], $0x4000  }
0x30: {  	[sflag:s22] =	ssyncset.done @!p0 $0x0  }
0x31: {  	s31 =	sadd.s32 $0x20, s5;
	s23 =	simm.s32 @!p0 $0x1;
	[sflag:s22] =	ssyncadd.s32 @!p0 $0xFFFFC000  }
0x32: {  	[spmem:s2] =	stream.indirect.scatter.add.f32 @!p0 [tilespmem:s24], [sflag:$0x1], $0x40, s20, s24, $0xb8;
	[tilespmem:$0x10100] =	vst v63  }
0x33: {  	s21 =	simm.s32 $0x40;
	p1 =	sgt.u32 s31, $0x4E1;
	_ =	swait.ge @!p0 [sflag:s23], $0x4000  }
0x34: {  	s22 =	sadd.s32 $0x400, s13;
	s20 =	sadd.s32 $0x10000, s12;
	[sflag:s23] =	ssyncset.done @!p0 $0x0  }
.LBB2_2:
0x35: {  	s24 =	simm.s32 @!p1 $0x0;
	s25 =	simm.s32 @!p1 $0x2;
	[sflag:s23] =	ssyncadd.s32 @!p0 $0xFFFFC000  }
0x36: {  	[tilespmem:s24], [sflag:$0x2] =	stream.linear.gather @!p1 [hbm4b:s22+s24], $0x100, $0x38;
	[tilespmem:$0x10100] =	vst v63  }
0x37: {  	s26 =	smov.u32 s21;
	s21 =	sadd.s32 $0x20, s21;
	_ =	swait.ge @!p1 [sflag:s25], $0x100  }
0x38: {  	p0 =	por p1, p1;
	p2 =	sne.s32 s21, $0x500;
	[sflag:s25] =	ssyncset.done @!p1 $0x0  }
0x39: {  	s28 =	simm.s32 @!p0 $0x100;
	[sflag:s25] =	ssyncadd.s32 @!p0 $0xFFFFFF00  }
0x3a: {  	[tilespmem:s28], [sflag:$0x2] =	stream.linear.gather @!p0 [hbm4b:s20+s24], $0x4000, $0x38;
	[tilespmem:$0x10100] =	vst v63  }
0x3b: {  	_ =	swait.ge @!p0 [sflag:s25], $0x4000  }
.Ltmp0:
0x3c: {  	[sflag:s25] =	ssyncset.done @!p0 $0x0;
	(pc) =	sbr.rel @p2 .LBB2_2-.Ltmp0, $4  }
0x3d: {  	s23 =	simm.s32 @!p0 $0x1;
	[sflag:s25] =	ssyncadd.s32 @!p0 $0xFFFFC000  }
0x3e: {  	[spmem:s2] =	stream.indirect.scatter.add.f32 @!p0 [tilespmem:s28], [sflag:$0x1], $0x40, s24, s28, $0xb8;
	[tilespmem:$0x10100] =	vst v63  }
0x3f: {  	s22 =	sadd.s32 $0x400, s22;
	s24 =	sadd.s32 s26, s5;
	_ =	swait.ge @!p0 [sflag:s23], $0x4000  }
0x40: {  	s20 =	sadd.s32 $0x10000, s20;
	p1 =	sgt.u32 s24, $0x4E1;
	[sflag:s23] =	ssyncset.done @!p0 $0x0  }
0x41: {  	s21 =	simm.s32 @!p1 $0x0;
	s24 =	simm.s32 @!p1 $0x2;
	[sflag:s23] =	ssyncadd.s32 @!p0 $0xFFFFC000  }
0x42: {  	[tilespmem:s21], [sflag:$0x2] =	stream.linear.gather @!p1 [hbm4b:s22+s21], $0x100, $0x38;
	[tilespmem:$0x10100] =	vst v63  }
0x43: {  	_ =	swait.ge @!p1 [sflag:s24], $0x100  }
0x44: {  	p0 =	por p1, p1;
	[sflag:s24] =	ssyncset.done @!p1 $0x0  }
0x45: {  	s22 =	simm.s32 @!p0 $0x100;
	[sflag:s24] =	ssyncadd.s32 @!p0 $0xFFFFFF00  }
0x46: {  	[tilespmem:s22], [sflag:$0x2] =	stream.linear.gather @!p0 [hbm4b:s20+s21], $0x4000, $0x38;
	[tilespmem:$0x10100] =	vst v63  }
0x47: {  	_ =	swait.ge @!p0 [sflag:s24], $0x4000  }
0x48: {  	[sflag:s24] =	ssyncset.done @!p0 $0x0  }
0x49: {  	s20 =	simm.s32 @!p0 $0x1;
	[sflag:s24] =	ssyncadd.s32 @!p0 $0xFFFFC000  }
0x4a: {  	[spmem:s2] =	stream.indirect.scatter.add.f32 @!p0 [tilespmem:s22], [sflag:$0x1], $0x40, s21, s22, $0xb8;
	[tilespmem:$0x10100] =	vst v63  }
0x4b: {  	_ =	swait.ge @!p0 [sflag:s20], $0x4000  }
0x4c: {  	s19 =	sadd.s32 $0x1, s19;
	[sflag:s20] =	ssyncset.done @!p0 $0x0  }
0x4d: {  	[sflag:s20] =	ssyncadd.s32 @!p0 $0xFFFFC000;
	p0 =	sne.s32 s19, s11  }
.Ltmp1:
0x4e: {  	[bflag:$0x0] =	sbarrier.arrive $0xFFFF;
	(pc) =	sbr.rel @p0 .LBB2_1-.Ltmp1, $4  }
0x4f: {  	[hbm:s16], [sflag:s17] =	dma.local [spmem:s18], $0x1400  }
0x50: {  	_ =	swait.ge [sflag:s15], $0x1400  }
0x51: {  	[sflag:s15] =	ssyncset.done $0x0  }
0x52: {  	[sflag:s15] =	ssyncadd.s32 $0xFFFFEC00  }
0x53: {  	_ =	sfence.sel $0x180000  }
0x54: {  	[bflag:$0x0] =	sbarrier.arrive $0xFFFF  }
0x55: {  	p0 =	sne.s32 s1, $0x0;
	_ =	strace $0x90000050  }
0x56: {  	s0 =	sadd.s32 @!p0 $0x100000, s0;
	[bflag:$0x2] =	sbarrier.arrive $0xFFFF  }
0x57: {  	[sflag:s0] =	ssyncadd.tile.s32 @!p0 $0x1;
	_ =	shalt  }
.Lfunc_end2:
_tile_overlayer_lowered:
.L_overlay_start_2:
0x58: {  	(tag) =	ssettag $0x2  }
0x59: {  	s0 =	rddreg [dreg:$0x0];
	s2 =	stileid.u32  }
0x5a: {  	s1 =	rddreg [dreg:$0x1];
	p0 =	sne.s32 s2, $0x0  }
0x5b: {  	s3 =	rddreg [dreg:$0x2];
	[bflag:$0x3] =	sbarrier.arrive $0xFFFF;
	s2 =	simm.s32 @!p0 $0x1C01  }
0x5c: {  	[timem:s3], [sflag:s2] =	dma.local @!p0 [hbm:s0], s1  }
0x5d: {  	s0 =	simm.s32 @!p0 $0x1  }
0x5e: {  	_ =	swait.ge @!p0 [sflag:s0], s1  }
0x5f: {  	s1 =	ssub.s32 @!p0 $0x0, s1;
	[sflag:s0] =	ssyncset.done @!p0 $0x0  }
0x60: {  	[sflag:s0] =	ssyncadd.s32 @!p0 s1  }
0x61: {  	[bflag:$0x3] =	sbarrier.arrive $0xFFFF  }
0x62: {  	_ =	shalt  }

// kernel: sparse-core-data-format-call.1.cloned.1.call-start
scs
called_computation.1_lowered:
.L_overlay_start_0:
0x0: {  	s2 =	sld [smem:$0x3FD9]  }
0x1: {  	s3 =	sld [smem:$0x3FFE];
	_ =	sdelay $0x1  }
0x2: {  	s1 =	srdreg.scid  }
0x3: {  	s0 =	sand.u32 $0x1, s1  }
0x4: {  	s15 =	sshll.u32 s0, $0xA;
	s2 =	sadd.s32 s3, s2  }
0x5: {  	s2 =	sadd.s32 s2, s15  }
0x6: {  	[smem:$0x3FB1] =	sst s2  }
0x7: {  	_ = 	snop  }
0x8: {  	s2 =	sld [smem:$0x3FD0];
	_ =	sdelay $0x2  }
0x9: {  	s16 =	simm.s32 $0xB;
	s4 =	simm.s32 $0x10  }
0xa: {  	[smem:s4], [sflag:s16] =	dma.local [hbm:s2], $0x1  }
0xb: {  	_ =	swait.eq [sflag:s16], $0x1  }
0xc: {  	[sflag:s16] =	ssyncset.done $0x0  }
0xd: {  	[sflag:s16] =	ssyncadd.s32 $0xFFFFFFFF  }
0xe: {  	s17 =	sld [smem:$0x11];
	(tm) =	ssettm $0x1  }
0xf: {  	s18 =	sld [smem:$0x3FFB];
	_ =	sdelay $0x3  }
0x10: {  	_ =	strace s18  }
0x11: {  	s3 =	sld [smem:$0x3FFC];
	_ =	sdelay $0x3  }
0x12: {  	_ =	strace s3  }
0x13: {  	s3 =	sld [smem:$0x3FFD];
	_ =	sdelay $0x3  }
0x14: {  	_ =	strace s3  }
0x15: {  	_ =	strace $0x8FFFFFFF  }
0x16: {  	s19 =	sld [smem:$0x3FDB];
	_ =	sdelay $0x1  }
0x17: {  	s20 =	simm.s32 $_scs_section_size  }
0x18: {  	s5 =	simm.s32 $_size__tile_overlayer_lowered;
	s6 =	simm.s32 $_tile_overlayer_lowered  }
0x19: {  	s23 =	simm.s32 $0x1BFF;
	s22 =	sshll.u32 s6, $0x1;
	s3 =	sadd.s32 s20, s19  }
0x1a: {  	s7 =	simm.s32 $0x0;
	s21 =	sshll.u32 s5, $0x1;
	s5 =	sadd.s32 s22, s3  }
0x1b: {  	[timem:s7], [sflag:s23] =	dma.local [hbm:s5], s21  }
0x1c: {  	_ =	swait.ge [sflag:s23], s21  }
0x1d: {  	s4 =	ssub.s32 $0x0, s21;
	[sflag:s23] =	ssyncset.done $0x0  }
0x1e: {  	[sflag:s23] =	ssyncadd.s32 s4;
	_ =	sdelay $0x1  }
0x1f: {  	s24 =	simm.s32 $0x1B8B  }
0x20: {  	_ =	swait.ge [sflag:s24], $0x1  }
0x21: {  	[sflag:s24] =	ssyncset.done $0x0  }
0x22: {  	s26 =	simm.s32 $0x1B8E;
	s25 =	sld [smem:$0x3FFE];
	[sflag:s24] =	ssyncadd.s32 $0xFFFFFFFF  }
0x23: {  	s27 =	simm.s32 $execute0_lowered;
	[smem:$0x3FD2] =	sst s26  }
0x24: {  	s5 =	sshll.u32 s27, $0x1;
	_ =	strace $0x80000046;
	[dreg:$0x1] =	wrdreg $0xFFFFFFFF  }
0x25: {  	s28 =	simm.s32 $_size_execute0_lowered;
	s3 =	sadd.s32 s3, s5;
	[dreg:$0x0] =	wrdreg $0x0  }
0x26: {  	s5 =	sshll.u32 s28, $0x1;
	[dreg:$0x2] =	wrdreg s3  }
0x27: {  	[dreg:$0x3] =	wrdreg s5  }
0x28: {  	[dreg:$0x4] =	wrdreg $0xC0  }
0x29: {  	_ =	task [dreg:s7], $0x5FFFF  }
0x2a: {  	[dreg:$0x1] =	wrdreg $0xFFFFFFFF  }
0x2b: {  	[dreg:$0x0] =	wrdreg $0x60  }
0x2c: {  	[dreg:$0x2] =	wrdreg s17  }
0x2d: {  	[dreg:$0x3] =	wrdreg s25  }
0x2e: {  	[dreg:$0x4] =	wrdreg $0x9  }
0x2f: {  	_ =	task.clear_ibuf [dreg:s7], $0x5FFFF;
	_ =	strace $0x90000046  }
0x30: {  	s29 =	simm.s32 $0x9;
	_ =	strace $0x80000048  }
0x31: {  	_ =	swait.ge [sflag:s29], $0x1  }
0x32: {  	[sflag:s29] =	ssyncadd.s32 $0xFFFFFFFF  }
0x33: {  	_ =	strace $0x90000048  }
0x34: {  	_ =	sfence  }
0x35: {  	s30 =	sld [smem:$0x0];
	_ =	sdelay $0x2  }
0x36: {  	s31 =	sshll.u32 s1, $0xD;
	s1 =	sshrl.u32 s1, $0x2  }
0x37: {  	s3 =	sand.u32 $0x4000, s31;
	s1 =	sadd.s32 s1, s30  }
0x38: {  	s0 =	sor.u32 s3, s0;
	s1 =	sshll.u32 s1, $0x11  }
0x39: {  	s0 =	sor.u32 s1, s0  }
0x3a: {  	s0 =	sadd.s32 $0x8F2B, s0  }
0x3b: {  	[sflag:s0] =	ssyncadd.remote.s32 $0x1  }
0x3c: {  	_ =	sfence.sel $0xFFFF  }
0x3d: {  	[dreg:$0x0] =	wrdreg $0xFFFFFFFF;
	(pc) =	sbr.abs _section_cstart, $3  }
0x3e: {  	[dreg:$0x1] =	wrdreg $0xFFFFFFFF  }
0x3f: {  	_ =	task.clear_ibuf [dreg:s7], $0x2FFFF;
	_ =	strace $0x9FFFFFFF  }
0x40: {  	(tm) =	ssettm $0x7FFFFFFF  }
0x41: {  	_ =	shalt  }
tec
execute0_lowered:
.L_overlay_start_1:
0x0: {  	(tag) =	ssettag $0x1  }
0x1: {  	s0 =	srdreg.scid;
	s2 =	rddreg [dreg:$0x0]  }
0x2: {  	s6 =	rddreg [dreg:$0x1];
	s1 =	stileid.u32  }
0x3: {  	s4 =	simm.s32 $0x1;
	s7 =	simm.s32 $0x2;
	s13 =	simm.s32 $0x0  }
0x4: {  	s8 =	simm.s32 $0x80;
	s9 =	simm.s32 $0x27400;
	s0 =	sshll.u32 s0, $0x4  }
.Ltmp0:
0x5: {  	s14 =	simm.s32 $0x0;
	s3 =	sand.u32 $0x10, s0;
	(pc) =	sbr.rel .LBB1_1-.Ltmp0, $4  }
0x6: {  	s11 =	simm.s32 $0x0;
	s12 =	simm.s32 $0x0;
	s3 =	sor.u32 s1, s3  }
0x7: {  	s0 =	rddreg [dreg:$0x2];
	_ =	strace $0x80000047;
	s5 =	ssub.s32 $0x501, s3  }
0x8: {  	s6 =	sadd.s32 $0x4600, s6;
	[sflag:s4] =	ssyncpa.u1 $0x0;
	s5 =	sshrl.u32 s5, $0x5  }
0x9: {  	[sflag:s7] =	ssyncpa.u1 $0x0;
	s10 =	smov.u32 s3;
	s7 =	sadd.s32 $0x1, s5  }
.LBB1_7:
0xa: {  	s15 =	sadd.s32 $0x20, s10  }
0xb: {  	s13 =	sadd.s32 $0x40, s11;
	s17 =	smov.u32 s11;
	p1 =	sgt.s32 s15, $0x4E1  }
0xc: {  	s17 =	smov.u32 @p1 s13  }
0xd: {  	s15 =	smov.u32 @p1 s3;
	p1 =	sgt.s32 s17, $0x3F  }
0xe: {  	s17 =	simm.s32 @p1 $0x0;
	p1 =	sne.s32 s12, s7  }
.Ltmp1:
0xf: {  	p0 =	slt.u32 s12, $0x2;
	(pc) =	sbr.rel @!p1 .LBB1_8-.Ltmp1, $4  }
0x10: {  	s16 =	simm.s32 @!p0 $0x2  }
0x11: {  	s14 =	smov.u32 s11;
	_ =	swait.ge @!p0 [sflag:s16], $0x4000  }
0x12: {  	s13 =	smov.u32 s10;
	[sflag:s16] =	ssyncset.done @!p0 $0x0;
	s10 =	smov.u32 s15  }
0x13: {  	s12 =	sadd.s32 $0x1, s12;
	[sflag:s16] =	ssyncadd.s32 @!p0 $0xFFFFC000;
	s11 =	smov.u32 s17  }
.LBB1_1:
0x14: {  	p0 =	sge.u32 s12, s5  }
0x15: {  	s16 =	smul.u32 @!p0 $0x9C40, s11  }
0x16: {  	s31 =	sadd.s32 $0xFFFFFFFF, s12;
	s15 =	sxor.u32 @!p0 $0xFFFFFFFF, s12;
	s17 =	sshll.u32 @!p0 s10, $0x5  }
0x17: {  	s18 =	simm.s32 @!p0 $0x4E200;
	s15 =	sshll.u32 @!p0 s15, $0xE;
	s16 =	sadd.s32 @!p0 s2, s16  }
0x18: {  	s15 =	sand.u32 @!p0 $0x4000, s15;
	s16 =	sadd.s32 @!p0 s17, s16;
	s17 =	simm.s32 @!p0 $0x100  }
0x19: {  	[tilespmem:s15], [sflag:$0x1] =	stream.strided.gather @!p0 [hbm4b:s16+s17], $0x4000, s18, s17, $0x38;
	[tilespmem:$0x10000] =	vst v63  }
0x1a: {  	p0 =	sge.u32 s31, s5  }
.Ltmp2:
0x1b: {  	_ = 	snop;
	(pc) =	sbr.rel @p0 .LBB1_7-.Ltmp2, $1  }
0x1c: {  	_ =	sdelay $0x3  }
0x1d: {  	_ =	swait.ge [sflag:s4], $0x4000;
	s15 =	sshll.u32 s12, $0xE  }
0x1e: {  	[sflag:s4] =	ssyncset.done $0x0;
	s16 =	sand.u32 $0x4000, s15  }
0x1f: {  	s17 =	simm.s32 $0x0;
	[sflag:s4] =	ssyncadd.s32 $0xFFFFC000;
	s15 =	sor.u32 $0x8000, s16  }
.LBB1_3:
0x20: {  	s18 =	sshll.u32 s17, $0x8  }
0x21: {  	s18 =	sand.u32 $0x3FFFFF00, s18  }
0x22: {  	s19 =	sshll.u32 s17, $0x7;
	s18 =	sadd.s32 s18, s16  }
0x23: {  	s19 =	sand.u32 $0x3FFFFF80, s19;
	v0 =	vmov s18  }
0x24: {  	s19 =	sadd.s32 s19, s15  }
0x25: {  	p0 =	por $0x1, $0x1;
	v1 =	vmov s19;
	s18 =	simm.s32 $0x0  }
.LBB1_4:
0x26: {  	s19 =	sshll.u32 s18, $0x7  }
0x27: {  	s19 =	sand.u32 $0x3FFFFF80, s19  }
0x28: {  	v2 =	vld.idx.msk [tilespmem:v0+s19+$0x0 ss:$0x1], $0xffff  }
0x29: {  	v3 =	vld.idx.msk [tilespmem:v0+s19+$0x10 ss:$0x1], $0xffff  }
0x2a: {  	v4 =	vld.idx.msk [tilespmem:v0+s19+$0x20 ss:$0x1], $0xffff  }
0x2b: {  	s31 =	sshll.u32 s18, $0xD;
	v5 =	vld.idx.msk [tilespmem:v0+s19+$0x30 ss:$0x1], $0xffff  }
0x2c: {  	s18 =	sand.u32 $0x3FFFE000, s31;
	v6 =	vld.idx.msk [tilespmem:v0+s19+$0x40 ss:$0x1], $0xffff  }
0x2d: {  	v63 =	vld.idx.msk [tilespmem:v0+s19+$0x70 ss:$0x1], $0xffff;
	[tilespmem:v1+s18+$0x0 ss:$0x1] =	vst.idx.msk $0xffff, v2  }
0x2e: {  	v2 =	vld.idx.msk [tilespmem:v0+s19+$0x50 ss:$0x1], $0xffff;
	[tilespmem:v1+s18+$0x10 ss:$0x1] =	vst.idx.msk $0xffff, v3  }
0x2f: {  	p1 =	por p0, p0;
	v3 =	vld.idx.msk [tilespmem:v0+s19+$0x60 ss:$0x1], $0xffff;
	[tilespmem:v1+s18+$0x20 ss:$0x1] =	vst.idx.msk $0xffff, v4  }
.Ltmp3:
0x30: {  	[tilespmem:v1+s18+$0x30 ss:$0x1] =	vst.idx.msk $0xffff, v5;
	(pc) =	sbr.rel @p1 .LBB1_4-.Ltmp3, $4  }
0x31: {  	[tilespmem:v1+s18+$0x40 ss:$0x1] =	vst.idx.msk $0xffff, v6  }
0x32: {  	[tilespmem:v1+s18+$0x70 ss:$0x1] =	vst.idx.msk $0xffff, v63  }
0x33: {  	[tilespmem:v1+s18+$0x50 ss:$0x1] =	vst.idx.msk $0xffff, v2  }
0x34: {  	p0 =	por $0x0, $0x0;
	[tilespmem:v1+s18+$0x60 ss:$0x1] =	vst.idx.msk $0xffff, v3;
	s18 =	simm.s32 $0x1  }
0x35: {  	s17 =	sadd.s32 $0x1, s17  }
0x36: {  	p0 =	sne.s32 s17, $0x40  }
.Ltmp4:
0x37: {  	_ = 	snop;
	(pc) =	sbr.rel @p0 .LBB1_3-.Ltmp4, $1  }
0x38: {  	_ =	sdelay $0x3  }
0x39: {  	s13 =	sand.u32 $0x1FFFFFF, s13  }
0x3a: {  	s16 =	smulhi.u32 $0x342DA8, s13  }
0x3b: {  	s14 =	smul.u32 $0x4E80, s14  }
0x3c: {  	s16 =	smul.u32 $0x4E8, s16  }
.Ltmp5:
0x3d: {  	_ = 	snop;
	(pc) =	sbr.rel .LBB1_7-.Ltmp5, $4  }
0x3e: {  	s13 =	ssub.s32 s13, s16  }
0x3f: {  	s14 =	sadd.s32 s6, s14;
	s13 =	sshll.u32 s13, $0x4  }
0x40: {  	s13 =	sadd.s32 s13, s14  }
0x41: {  	[hbm4b:s13+s8] =	stream.strided.scatter [tilespmem:s15], [sflag:$0x2], $0x4000, s9, s8, $0x38;
	[tilespmem:$0x10000] =	vst v63  }
.LBB1_8:
0x42: {  	_ =	sfence.sel $0x180000  }
0x43: {  	s2 =	simm.s32 $0x1;
	[bflag:$0x0] =	sbarrier.arrive $0xFFFF  }
0x44: {  	s31 =	simm.s32 $0x2;
	[sflag:s2] =	ssyncpa.u1 $0x1  }
0x45: {  	[sflag:s31] =	ssyncpa.u1 $0x1  }
0x46: {  	p0 =	sne.s32 s1, $0x0;
	_ =	strace $0x90000047  }
0x47: {  	s0 =	sadd.s32 @!p0 $0x100000, s0;
	[bflag:$0x2] =	sbarrier.arrive $0xFFFF  }
0x48: {  	[sflag:s0] =	ssyncadd.tile.s32 @!p0 $0x1;
	_ =	shalt  }
.Lfunc_end1:
_tile_overlayer_lowered:
.L_overlay_start_2:
0x49: {  	(tag) =	ssettag $0x2  }
0x4a: {  	s0 =	rddreg [dreg:$0x0];
	s2 =	stileid.u32  }
0x4b: {  	s1 =	rddreg [dreg:$0x1];
	p0 =	sne.s32 s2, $0x0  }
0x4c: {  	s3 =	rddreg [dreg:$0x2];
	[bflag:$0x3] =	sbarrier.arrive $0xFFFF;
	s2 =	simm.s32 @!p0 $0x1C01  }
0x4d: {  	[timem:s3], [sflag:s2] =	dma.local @!p0 [hbm:s0], s1  }
0x4e: {  	s0 =	simm.s32 @!p0 $0x1  }
0x4f: {  	_ =	swait.ge @!p0 [sflag:s0], s1  }
0x50: {  	s1 =	ssub.s32 @!p0 $0x0, s1;
	[sflag:s0] =	ssyncset.done @!p0 $0x0  }
0x51: {  	[sflag:s0] =	ssyncadd.s32 @!p0 s1  }
0x52: {  	[bflag:$0x3] =	sbarrier.arrive $0xFFFF  }
0x53: {  	_ =	shalt  }

// kernel: sparse-core-data-format-call.cloned.1.call-start
scs
called_computation_lowered:
.L_overlay_start_0:
0x0: {  	s1 =	sld [smem:$0x3FD9]  }
0x1: {  	s2 =	sld [smem:$0x3FFE];
	_ =	sdelay $0x1  }
0x2: {  	s3 =	srdreg.scid  }
0x3: {  	s0 =	sand.u32 $0x1, s3  }
0x4: {  	s17 =	sshll.u32 s0, $0xA;
	s1 =	sadd.s32 s2, s1  }
0x5: {  	s1 =	sadd.s32 s1, s17  }
0x6: {  	[smem:$0x3FB1] =	sst s1  }
0x7: {  	_ = 	snop  }
0x8: {  	(tm) =	ssettm $0x1  }
0x9: {  	s18 =	sld [smem:$0x3FFB];
	_ =	sdelay $0x3  }
0xa: {  	_ =	strace s18  }
0xb: {  	s1 =	sld [smem:$0x3FFC];
	_ =	sdelay $0x3  }
0xc: {  	_ =	strace s1  }
0xd: {  	s1 =	sld [smem:$0x3FFD];
	_ =	sdelay $0x3  }
0xe: {  	_ =	strace s1  }
0xf: {  	_ =	strace $0x8FFFFFFF  }
0x10: {  	s19 =	sld [smem:$0x3FDB];
	_ =	sdelay $0x1  }
0x11: {  	s20 =	simm.s32 $_scs_section_size  }
0x12: {  	s4 =	simm.s32 $_size__tile_overlayer_lowered;
	s5 =	simm.s32 $_tile_overlayer_lowered  }
0x13: {  	s23 =	simm.s32 $0x1BFF;
	s22 =	sshll.u32 s5, $0x1;
	s1 =	sadd.s32 s20, s19  }
0x14: {  	s6 =	simm.s32 $0x0;
	s21 =	sshll.u32 s4, $0x1;
	s4 =	sadd.s32 s22, s1  }
0x15: {  	[timem:s6], [sflag:s23] =	dma.local [hbm:s4], s21  }
0x16: {  	_ =	swait.ge [sflag:s23], s21  }
0x17: {  	s2 =	ssub.s32 $0x0, s21;
	[sflag:s23] =	ssyncset.done $0x0  }
0x18: {  	[sflag:s23] =	ssyncadd.s32 s2;
	_ =	sdelay $0x1  }
0x19: {  	s24 =	simm.s32 $0x1B8B  }
0x1a: {  	_ =	swait.ge [sflag:s24], $0x1  }
0x1b: {  	[sflag:s24] =	ssyncset.done $0x0  }
0x1c: {  	s26 =	simm.s32 $0x1B8E;
	s25 =	sld [smem:$0x3FFE];
	[sflag:s24] =	ssyncadd.s32 $0xFFFFFFFF  }
0x1d: {  	s27 =	simm.s32 $execute0_lowered;
	[smem:$0x3FD2] =	sst s26  }
0x1e: {  	s4 =	sshll.u32 s27, $0x1;
	_ =	strace $0x80000049;
	[dreg:$0x1] =	wrdreg $0xFFFFFFFF  }
0x1f: {  	s28 =	simm.s32 $_size_execute0_lowered;
	s1 =	sadd.s32 s1, s4;
	[dreg:$0x0] =	wrdreg $0x0  }
0x20: {  	s4 =	sshll.u32 s28, $0x1;
	[dreg:$0x2] =	wrdreg s1  }
0x21: {  	[dreg:$0x3] =	wrdreg s4  }
0x22: {  	[dreg:$0x4] =	wrdreg $0xC0  }
0x23: {  	_ =	task [dreg:s6], $0x5FFFF  }
0x24: {  	[dreg:$0x1] =	wrdreg $0xFFFFFFFF  }
0x25: {  	[dreg:$0x0] =	wrdreg $0x60  }
0x26: {  	[dreg:$0x2] =	wrdreg s25  }
0x27: {  	[dreg:$0x3] =	wrdreg $0x9  }
0x28: {  	_ =	task.clear_ibuf [dreg:s6], $0x4FFFF;
	_ =	strace $0x90000049  }
0x29: {  	s29 =	simm.s32 $0x9;
	_ =	strace $0x8000004B  }
0x2a: {  	_ =	swait.ge [sflag:s29], $0x1  }
0x2b: {  	[sflag:s29] =	ssyncadd.s32 $0xFFFFFFFF  }
0x2c: {  	_ =	strace $0x9000004B  }
0x2d: {  	_ =	sfence  }
0x2e: {  	s30 =	sld [smem:$0x0];
	_ =	sdelay $0x2  }
0x2f: {  	s31 =	sshll.u32 s3, $0xD;
	s3 =	sshrl.u32 s3, $0x2  }
0x30: {  	s2 =	sand.u32 $0x4000, s31;
	s1 =	sadd.s32 s3, s30  }
0x31: {  	s0 =	sor.u32 s2, s0;
	s1 =	sshll.u32 s1, $0x11  }
0x32: {  	s0 =	sor.u32 s1, s0  }
0x33: {  	s0 =	sadd.s32 $0x8F2B, s0  }
0x34: {  	[sflag:s0] =	ssyncadd.remote.s32 $0x1  }
0x35: {  	_ =	sfence.sel $0xFFFF  }
0x36: {  	[dreg:$0x0] =	wrdreg $0xFFFFFFFF;
	(pc) =	sbr.abs _section_cstart, $3  }
0x37: {  	[dreg:$0x1] =	wrdreg $0xFFFFFFFF  }
0x38: {  	_ =	task.clear_ibuf [dreg:s6], $0x2FFFF;
	_ =	strace $0x9FFFFFFF  }
0x39: {  	(tm) =	ssettm $0x7FFFFFFF  }
tec
execute0_lowered:
.L_overlay_start_1:
0x0: {  	(tag) =	ssettag $0x1  }
0x1: {  	s1 =	srdreg.scid  }
0x2: {  	s0 =	stileid.u32;
	s7 =	rddreg [dreg:$0x0];
	s31 =	simm.s32 $0x2  }
0x3: {  	s15 =	simm.s32 $0x0;
	s9 =	simm.s32 $0x800;
	s10 =	simm.s32 $0x138800  }
0x4: {  	s16 =	simm.s32 $0x0;
	s17 =	simm.s32 $0x0;
	s1 =	sshll.u32 s1, $0x4  }
0x5: {  	s12 =	simm.s32 $0x0;
	s3 =	sshll.u32 s0, $0x3;
	s1 =	sor.u32 s0, s1  }
0x6: {  	s14 =	simm.s32 $0x0;
	s3 =	sand.u32 $0x8, s3;
	s2 =	sand.u32 $0x1E, s1  }
0x7: {  	s4 =	ssub.s32 $0x10, s3;
	s1 =	rddreg [dreg:$0x1];
	s5 =	ssub.s32 $0x4E2, s2  }
0x8: {  	s6 =	sshrl.u32 s4, $0x4;
	s4 =	sshrl.u32 s4, $0x3;
	s8 =	sand.u32 $0x1E, s5  }
0x9: {  	s4 =	sand.u32 $0x1, s4;
	p0 =	sne.s32 s8, $0x0;
	s8 =	simm.s32 $0x1  }
.Ltmp0:
0xa: {  	s5 =	sshrl.u32 s5, $0x5;
	s8 =	simm.s32 @!p0 $0x0;
	(pc) =	sbr.rel .LBB1_1-.Ltmp0, $4  }
0xb: {  	_ =	strace $0x8000004A;
	s6 =	sadd.s32 s6, s4;
	s8 =	sadd.s32 s8, s5  }
0xc: {  	s13 =	smov.u32 s3;
	s5 =	simm.s32 $0x1;
	s6 =	smul.u32 s6, s8  }
0xd: {  	s11 =	smov.u32 s2;
	s4 =	sadd.s32 $0x4600, s7;
	[sflag:s5] =	ssyncpa.u1 $0x0  }
0xe: {  	s7 =	sadd.s32 $0x278600, s7;
	[sflag:s31] =	ssyncpa.u1 $0x0;
	s8 =	sadd.s32 $0x1, s6  }
.LBB1_9:
0xf: {  	s18 =	sadd.s32 $0x20, s11  }
0x10: {  	s15 =	sadd.s32 $0x8, s12;
	s19 =	smov.u32 s12;
	p1 =	sgt.s32 s18, $0x4E1  }
0x11: {  	s19 =	smov.u32 @p1 s15  }
0x12: {  	s21 =	smov.u32 s13;
	s15 =	sadd.s32 $0x10, s13;
	p2 =	sgt.s32 s19, $0x7  }
0x13: {  	s21 =	smov.u32 @p2 s15  }
0x14: {  	s18 =	smov.u32 @p1 s2;
	p1 =	sgt.s32 s21, $0xF  }
0x15: {  	p0 =	slt.u32 s14, $0x2;
	s21 =	smov.u32 @p1 s3;
	p1 =	sne.s32 s14, s8  }
.Ltmp1:
0x16: {  	s20 =	simm.s32 @!p0 $0x2;
	(pc) =	sbr.rel @!p1 .LBB1_10-.Ltmp1, $4  }
0x17: {  	s16 =	smov.u32 s12;
	_ =	swait.ge @!p0 [sflag:s20], $0x4000  }
0x18: {  	s17 =	smov.u32 s13;
	[sflag:s20] =	ssyncset.done @!p0 $0x0;
	s19 =	simm.s32 @p2 $0x0  }
0x19: {  	s15 =	smov.u32 s11;
	[sflag:s20] =	ssyncadd.s32 @!p0 $0xFFFFC000;
	s11 =	smov.u32 s18  }
0x1a: {  	s12 =	smov.u32 s19;
	s14 =	sadd.s32 $0x1, s14;
	s13 =	smov.u32 s21  }
.LBB1_1:
0x1b: {  	p0 =	sge.u32 s14, s6  }
0x1c: {  	s18 =	sand.u32 @!p0 $0x1FFFFFF, s11;
	s20 =	smul.u32 @!p0 $0x27400, s13  }
0x1d: {  	s19 =	smulhi.u32 @!p0 $0x342DA8, s18  }
0x1e: {  	s22 =	smul.u32 @!p0 $0x4E80, s12  }
0x1f: {  	s19 =	smul.u32 @!p0 $0x4E8, s19  }
0x20: {  	s31 =	sadd.s32 $0xFFFFFFFF, s14;
	s20 =	sadd.s32 @!p0 s4, s20  }
0x21: {  	s21 =	sxor.u32 @!p0 $0xFFFFFFFF, s14;
	s20 =	sadd.s32 @!p0 s22, s20;
	s18 =	ssub.s32 @!p0 s18, s19  }
0x22: {  	s19 =	sshll.u32 @!p0 s21, $0xE;
	s21 =	simm.s32 @!p0 $0x27400;
	s18 =	sshll.u32 @!p0 s18, $0x4  }
0x23: {  	s19 =	sand.u32 @!p0 $0x4000, s19;
	s18 =	sadd.s32 @!p0 s18, s20;
	s20 =	simm.s32 @!p0 $0x100  }
0x24: {  	[tilespmem:s19], [sflag:$0x1] =	stream.strided.gather @!p0 [hbm4b:s18+s20], $0x4000, s21, s20, $0x38;
	[tilespmem:$0x10000] =	vst v63  }
0x25: {  	p0 =	sge.u32 s31, s6  }
.Ltmp2:
0x26: {  	_ = 	snop;
	(pc) =	sbr.rel @p0 .LBB1_9-.Ltmp2, $1  }
0x27: {  	_ =	sdelay $0x3  }
0x28: {  	_ =	swait.ge [sflag:s5], $0x4000;
	s18 =	sshll.u32 s14, $0xE  }
0x29: {  	[sflag:s5] =	ssyncset.done $0x0;
	s19 =	sand.u32 $0x4000, s18  }
0x2a: {  	s20 =	simm.s32 $0x0;
	[sflag:s5] =	ssyncadd.s32 $0xFFFFC000;
	s18 =	sor.u32 $0x8000, s19  }
.LBB1_3:
0x2b: {  	s22 =	sshll.u32 s20, $0xB  }
0x2c: {  	s23 =	simm.s32 $0x0;
	s21 =	sadd.s32 s22, s19;
	s22 =	sadd.s32 s22, s18  }
.LBB1_4:
0x2d: {  	s24 =	sshll.u32 s23, $0x8  }
0x2e: {  	s24 =	sand.u32 $0x3FFFFF00, s24  }
0x2f: {  	s25 =	sshll.u32 s23, $0x7;
	s26 =	sadd.s32 s24, s21  }
0x30: {  	s25 =	sand.u32 $0x3FFFFF80, s25;
	v0 =	vmov s26  }
0x31: {  	s25 =	sadd.s32 s25, s22  }
0x32: {  	p0 =	por $0x1, $0x1;
	s24 =	simm.s32 $0x0;
	v1 =	vmov s25  }
.LBB1_5:
0x33: {  	s25 =	sshll.u32 s24, $0x7  }
0x34: {  	s25 =	sand.u32 $0x3FFFFF80, s25  }
0x35: {  	v2 =	vld.idx.msk [tilespmem:v0+s25+$0x0 ss:$0x1], $0xffff  }
0x36: {  	v3 =	vld.idx.msk [tilespmem:v0+s25+$0x10 ss:$0x1], $0xffff  }
0x37: {  	v4 =	vld.idx.msk [tilespmem:v0+s25+$0x20 ss:$0x1], $0xffff  }
0x38: {  	s31 =	sshll.u32 s24, $0xA;
	v5 =	vld.idx.msk [tilespmem:v0+s25+$0x30 ss:$0x1], $0xffff  }
0x39: {  	s24 =	sand.u32 $0x3FFFFC00, s31;
	v6 =	vld.idx.msk [tilespmem:v0+s25+$0x40 ss:$0x1], $0xffff  }
0x3a: {  	v63 =	vld.idx.msk [tilespmem:v0+s25+$0x70 ss:$0x1], $0xffff;
	[tilespmem:v1+s24+$0x0 ss:$0x1] =	vst.idx.msk $0xffff, v2  }
0x3b: {  	v2 =	vld.idx.msk [tilespmem:v0+s25+$0x50 ss:$0x1], $0xffff;
	[tilespmem:v1+s24+$0x10 ss:$0x1] =	vst.idx.msk $0xffff, v3  }
0x3c: {  	p1 =	por p0, p0;
	v3 =	vld.idx.msk [tilespmem:v0+s25+$0x60 ss:$0x1], $0xffff;
	[tilespmem:v1+s24+$0x20 ss:$0x1] =	vst.idx.msk $0xffff, v4  }
.Ltmp3:
0x3d: {  	[tilespmem:v1+s24+$0x30 ss:$0x1] =	vst.idx.msk $0xffff, v5;
	(pc) =	sbr.rel @p1 .LBB1_5-.Ltmp3, $4  }
0x3e: {  	[tilespmem:v1+s24+$0x40 ss:$0x1] =	vst.idx.msk $0xffff, v6  }
0x3f: {  	[tilespmem:v1+s24+$0x70 ss:$0x1] =	vst.idx.msk $0xffff, v63  }
0x40: {  	[tilespmem:v1+s24+$0x50 ss:$0x1] =	vst.idx.msk $0xffff, v2  }
0x41: {  	p0 =	por $0x0, $0x0;
	[tilespmem:v1+s24+$0x60 ss:$0x1] =	vst.idx.msk $0xffff, v3;
	s24 =	simm.s32 $0x1  }
0x42: {  	s23 =	sadd.s32 $0x1, s23  }
0x43: {  	p0 =	sne.s32 s23, $0x8  }
.Ltmp4:
0x44: {  	_ = 	snop;
	(pc) =	sbr.rel @p0 .LBB1_4-.Ltmp4, $1  }
0x45: {  	_ =	sdelay $0x3  }
0x46: {  	s20 =	sadd.s32 $0x1, s20  }
0x47: {  	p0 =	sne.s32 s20, $0x8  }
.Ltmp5:
0x48: {  	_ = 	snop;
	(pc) =	sbr.rel @p0 .LBB1_3-.Ltmp5, $1  }
0x49: {  	_ =	sdelay $0x3  }
0x4a: {  	s17 =	smul.u32 $0x27100, s17  }
.Ltmp6:
0x4b: {  	_ = 	snop;
	(pc) =	sbr.rel .LBB1_9-.Ltmp6, $4  }
0x4c: {  	s15 =	sshll.u32 s15, $0x7;
	s16 =	sshll.u32 s16, $0x4;
	s17 =	sadd.s32 s7, s17  }
0x4d: {  	s16 =	sand.u32 $0x70, s16;
	s15 =	sadd.s32 s15, s17  }
0x4e: {  	s15 =	sadd.s32 s16, s15  }
0x4f: {  	[hbm4b:s15+s9] =	stream.strided.scatter [tilespmem:s18], [sflag:$0x2], $0x4000, s10, s9, $0x38;
	[tilespmem:$0x10000] =	vst v63  }
.LBB1_10:
0x50: {  	_ =	sfence.sel $0x180000  }
0x51: {  	s2 =	simm.s32 $0x1;
	[bflag:$0x0] =	sbarrier.arrive $0xFFFF  }
0x52: {  	s31 =	simm.s32 $0x2;
	[sflag:s2] =	ssyncpa.u1 $0x1  }
0x53: {  	[sflag:s31] =	ssyncpa.u1 $0x1  }
0x54: {  	p0 =	sne.s32 s0, $0x0;
	_ =	strace $0x9000004A  }
0x55: {  	s0 =	sadd.s32 @!p0 $0x100000, s1;
	[bflag:$0x2] =	sbarrier.arrive $0xFFFF  }
0x56: {  	[sflag:s0] =	ssyncadd.tile.s32 @!p0 $0x1;
	_ =	shalt  }
.Lfunc_end1:
_tile_overlayer_lowered:
.L_overlay_start_2:
0x57: {  	(tag) =	ssettag $0x2  }
0x58: {  	s0 =	rddreg [dreg:$0x0];
	s2 =	stileid.u32  }
0x59: {  	s1 =	rddreg [dreg:$0x1];
	p0 =	sne.s32 s2, $0x0  }
0x5a: {  	s3 =	rddreg [dreg:$0x2];
	[bflag:$0x3] =	sbarrier.arrive $0xFFFF;
	s2 =	simm.s32 @!p0 $0x1C01  }
0x5b: {  	[timem:s3], [sflag:s2] =	dma.local @!p0 [hbm:s0], s1  }
0x5c: {  	s0 =	simm.s32 @!p0 $0x1  }
0x5d: {  	_ =	swait.ge @!p0 [sflag:s0], s1  }
0x5e: {  	s1 =	ssub.s32 @!p0 $0x0, s1;
	[sflag:s0] =	ssyncset.done @!p0 $0x0  }
0x5f: {  	[sflag:s0] =	ssyncadd.s32 @!p0 s1  }
0x60: {  	[bflag:$0x3] =	sbarrier.arrive $0xFFFF  }
0x61: {  	_ =	shalt  }

</sc_bundles>
